<compile_context>
chip_gen: v7x
topology: tpu7x:2x2x1
jax: 0.10.2.dev20260603
libtpu: 0.0.44.dev20260713+nightly
codegen_flags: <defaults>
</compile_context>

<pallas_src>
import functools

import jax
import jax.numpy as jnp
from jax import lax
from jax.experimental import pallas as pl
from jax.experimental.pallas import tpu as pltpu
from jax.experimental.pallas import tpu_sc as plsc

NC, NS = 2, 16
NW = NC * NS
CH = 128


def _chunks(total, step):
    out = []
    while total > 0:
        out.append(min(step, total))
        total -= step
    return out


def _sc_mesh():
    return plsc.VectorSubcoreMesh(core_axis_name="c", subcore_axis_name="s",
                                  num_cores=NC, num_subcores=NS)


def _make_deg(N, EP):
    PC = EP // (CH * NW)
    NACC = ((N + 1 + 127) // 128) * 128
    ZR = NACC // NS
    F = 16

    @functools.partial(
        pl.kernel,
        out_type=jax.ShapeDtypeStruct((NC, NACC, F), jnp.float32),
        mesh=_sc_mesh(),
        scratch_types=[
            pltpu.VMEM((CH,), jnp.int32),
            pltpu.VMEM((CH,), jnp.int32),
            pltpu.VMEM((CH, F), jnp.float32),
            pltpu.VMEM((CH, F), jnp.float32),
            pltpu.VMEM_SHARED((NACC, F), jnp.float32),
            pltpu.SemaphoreType.DMA,
            pltpu.SemaphoreType.DMA,
            pltpu.SemaphoreType.DMA,
            pltpu.SemaphoreType.DMA,
        ],
    )
    def deg(dstp, ones_hbm, zeros_hbm, out, didxA, didxB, ones_v, rows, accum,
            da, db, sa, sb):
        c = lax.axis_index("c")
        s = lax.axis_index("s")
        w = s * NC + c
        b0 = w * PC * CH
        pltpu.sync_copy(ones_hbm, ones_v)
        pltpu.sync_copy(zeros_hbm, rows)
        r0 = s * ZR
        off = 0
        for sz in _chunks(ZR, CH):
            pltpu.sync_copy(rows.at[pl.ds(0, sz)], accum.at[pl.ds(r0 + off, sz)])
            off += sz
        plsc.subcore_barrier()

        pltpu.sync_copy(dstp.at[pl.ds(b0, CH)], didxA)
        pltpu.async_copy(ones_v, accum.at[didxA], sa, add=True)
        pltpu.async_copy(dstp.at[pl.ds(b0 + CH, CH)], didxB, db)

        def pair(j, carry):
            i = 2 * j
            pltpu.make_async_copy(dstp.at[pl.ds(b0, CH)], didxB, db).wait()
            pltpu.async_copy(ones_v, accum.at[didxB], sb, add=True)
            pltpu.make_async_copy(ones_v, accum.at[didxA], sa).wait()

            @pl.when(i + 2 < PC)
            def _():
                pltpu.sync_copy(dstp.at[pl.ds(b0 + (i + 2) * CH, CH)], didxA)
                pltpu.async_copy(ones_v, accum.at[didxA], sa, add=True)

            pltpu.make_async_copy(ones_v, accum.at[didxB], sb).wait()

            @pl.when(i + 3 < PC)
            def _():
                pltpu.async_copy(dstp.at[pl.ds(b0 + (i + 3) * CH, CH)], didxB, db)

            return carry

        lax.fori_loop(0, PC // 2, pair, 0)
        plsc.subcore_barrier()
        off = 0
        for sz in _chunks(ZR, CH):
            pltpu.sync_copy(accum.at[pl.ds(r0 + off, sz)], rows.at[pl.ds(0, sz)])
            pltpu.sync_copy(rows.at[pl.ds(0, sz)], out.at[c, pl.ds(r0 + off, sz)])
            off += sz

    return deg


def _make_prop(N, F, EP):
    PC = EP // (CH * NW)
    NACC = ((N + 1 + 127) // 128) * 128
    ZR = NACC // NS

    @functools.partial(
        pl.kernel,
        out_type=jax.ShapeDtypeStruct((NC, NACC, F), jnp.float32),
        mesh=_sc_mesh(),
        scratch_types=[
            pltpu.VMEM((CH,), jnp.int32),
            pltpu.VMEM((CH,), jnp.int32),
            pltpu.VMEM((CH,), jnp.int32),
            pltpu.VMEM((CH,), jnp.int32),
            pltpu.VMEM((CH, F), jnp.float32),
            pltpu.VMEM((CH, F), jnp.float32),
            pltpu.VMEM_SHARED((NACC, F), jnp.float32),
            pltpu.SemaphoreType.DMA,
            pltpu.SemaphoreType.DMA,
            pltpu.SemaphoreType.DMA,
            pltpu.SemaphoreType.DMA,
            pltpu.SemaphoreType.DMA,
            pltpu.SemaphoreType.DMA,
        ],
    )
    def prop(srcp, dstp, hs, zeros_hbm, out, sidxA, sidxB, didxA, didxB,
             rows0, rows1, accum, g0, g1, ia, ib, dsa, dsb):
        c = lax.axis_index("c")
        s = lax.axis_index("s")
        w = s * NC + c
        b0 = w * PC * CH
        pltpu.sync_copy(zeros_hbm, rows0)
        r0 = s * ZR
        off = 0
        for sz in _chunks(ZR, CH):
            pltpu.sync_copy(rows0.at[pl.ds(0, sz)], accum.at[pl.ds(r0 + off, sz)])
            off += sz
        plsc.subcore_barrier()

        pltpu.sync_copy(srcp.at[pl.ds(b0, CH)], sidxA)
        pltpu.async_copy(dstp.at[pl.ds(b0, CH)], didxA, dsa)
        pltpu.async_copy(hs.at[sidxA], rows0, g0)
        pltpu.async_copy(srcp.at[pl.ds(b0 + CH, CH)], sidxB, ib)
        pltpu.async_copy(dstp.at[pl.ds(b0 + CH, CH)], didxB, dsb)

        def pair(j, carry):
            i = 2 * j
            pltpu.make_async_copy(srcp.at[pl.ds(b0, CH)], sidxB, ib).wait()
            pltpu.async_copy(hs.at[sidxB], rows1, g1)
            pltpu.make_async_copy(hs.at[sidxA], rows0, g0).wait()

            @pl.when(i + 2 < PC)
            def _():
                pltpu.async_copy(srcp.at[pl.ds(b0 + (i + 2) * CH, CH)], sidxA, ia)

            pltpu.make_async_copy(dstp.at[pl.ds(b0, CH)], didxA, dsa).wait()
            pltpu.sync_copy(rows0, accum.at[didxA], add=True)

            @pl.when(i + 2 < PC)
            def _():
                pltpu.async_copy(dstp.at[pl.ds(b0 + (i + 2) * CH, CH)], didxA, dsa)

            pltpu.make_async_copy(hs.at[sidxB], rows1, g1).wait()

            @pl.when(i + 2 < PC)
            def _():
                pltpu.make_async_copy(srcp.at[pl.ds(b0, CH)], sidxA, ia).wait()
                pltpu.async_copy(hs.at[sidxA], rows0, g0)

            pltpu.make_async_copy(dstp.at[pl.ds(b0, CH)], didxB, dsb).wait()
            pltpu.sync_copy(rows1, accum.at[didxB], add=True)

            @pl.when(i + 3 < PC)
            def _():
                pltpu.async_copy(srcp.at[pl.ds(b0 + (i + 3) * CH, CH)], sidxB, ib)
                pltpu.async_copy(dstp.at[pl.ds(b0 + (i + 3) * CH, CH)], didxB, dsb)

            return carry

        lax.fori_loop(0, PC // 2, pair, 0)
        plsc.subcore_barrier()
        off = 0
        for sz in _chunks(ZR, CH):
            pltpu.sync_copy(accum.at[pl.ds(r0 + off, sz)], rows0.at[pl.ds(0, sz)])
            pltpu.sync_copy(rows0.at[pl.ds(0, sz)], out.at[c, pl.ds(r0 + off, sz)])
            off += sz

    return prop


def _make_enc1(N, D, H, BN):
    grid = (N // BN,)

    def body(x_ref, m_ref, w_ref, p0_ref, p1_ref, hs1_ref, dinvb_ref):
        xb = x_ref[...] * m_ref[...]
        h1 = jnp.dot(xb, w_ref[...], preferred_element_type=jnp.float32)
        degv = p0_ref[:, 0:1] + p1_ref[:, 0:1] + 1.0
        dinv = 1.0 / jnp.sqrt(degv)
        hs1_ref[...] = h1 * dinv
        dinvb_ref[...] = jnp.broadcast_to(dinv, (BN, H))

    return pl.pallas_call(
        body,
        grid=grid,
        in_specs=[
            pl.BlockSpec((BN, D), lambda i: (i, 0)),
            pl.BlockSpec((BN, 1), lambda i: (i, 0)),
            pl.BlockSpec((D, H), lambda i: (0, 0)),
            pl.BlockSpec((BN, 16), lambda i: (i, 0)),
            pl.BlockSpec((BN, 16), lambda i: (i, 0)),
        ],
        out_specs=[
            pl.BlockSpec((BN, H), lambda i: (i, 0)),
            pl.BlockSpec((BN, H), lambda i: (i, 0)),
        ],
        out_shape=[
            jax.ShapeDtypeStruct((N, H), jnp.float32),
            jax.ShapeDtypeStruct((N, H), jnp.float32),
        ],
    )


def _make_enc2(N, H, L, BN):
    grid = (N // BN,)

    def body(pa_ref, pb_ref, hs1_ref, dv_ref, b1_ref, w_ref, hs2_ref):
        t = (pa_ref[...] + pb_ref[...] + hs1_ref[...]) * dv_ref[...] + b1_ref[...]
        h = jnp.maximum(t, 0.0)
        zp = jnp.dot(h, w_ref[...], preferred_element_type=jnp.float32)
        hs2_ref[...] = jnp.concatenate(
            [zp * dv_ref[:, 0:1], jnp.zeros((zp.shape[0], dv_ref.shape[1] - zp.shape[1]),
                                            jnp.float32)], axis=1)

    return pl.pallas_call(
        body,
        grid=grid,
        in_specs=[
            pl.BlockSpec((BN, H), lambda i: (i, 0)),
            pl.BlockSpec((BN, H), lambda i: (i, 0)),
            pl.BlockSpec((BN, H), lambda i: (i, 0)),
            pl.BlockSpec((BN, H), lambda i: (i, 0)),
            pl.BlockSpec((1, H), lambda i: (0, 0)),
            pl.BlockSpec((H, L), lambda i: (0, 0)),
        ],
        out_specs=pl.BlockSpec((BN, H), lambda i: (i, 0)),
        out_shape=jax.ShapeDtypeStruct((N, H), jnp.float32),
    )


def _make_dec(N, D, H, L, BN):
    grid = (N // BN,)

    def body(qa_ref, qb_ref, hs2_ref, dv_ref, b2_ref, w1_ref, b1_ref, w2_ref, b2d_ref,
             xrec_ref, z_ref):
        dinv = dv_ref[:, 0:1]
        z = (qa_ref[:, :L] + qb_ref[:, :L] + hs2_ref[:, :L]) * dinv + b2_ref[...]
        xr = jnp.maximum(jnp.dot(z, w1_ref[...], preferred_element_type=jnp.float32)
                         + b1_ref[...], 0.0)
        xrec_ref[...] = jnp.dot(xr, w2_ref[...], preferred_element_type=jnp.float32) + b2d_ref[...]
        z_ref[...] = z

    return pl.pallas_call(
        body,
        grid=grid,
        in_specs=[
            pl.BlockSpec((BN, H), lambda i: (i, 0)),
            pl.BlockSpec((BN, H), lambda i: (i, 0)),
            pl.BlockSpec((BN, H), lambda i: (i, 0)),
            pl.BlockSpec((BN, H), lambda i: (i, 0)),
            pl.BlockSpec((1, L), lambda i: (0, 0)),
            pl.BlockSpec((L, H), lambda i: (0, 0)),
            pl.BlockSpec((1, H), lambda i: (0, 0)),
            pl.BlockSpec((H, D), lambda i: (0, 0)),
            pl.BlockSpec((1, D), lambda i: (0, 0)),
        ],
        out_specs=[
            pl.BlockSpec((BN, D), lambda i: (i, 0)),
            pl.BlockSpec((BN, L), lambda i: (i, 0)),
        ],
        out_shape=[
            jax.ShapeDtypeStruct((N, D), jnp.float32),
            jax.ShapeDtypeStruct((N, L), jnp.float32),
        ],
    )


def kernel(x, enc1_W, enc1_b, enc2_W, enc2_b, dec1_W, dec1_b, dec2_W, dec2_b,
           edge_index, mask_vector):
    N, D = x.shape
    H = enc1_W.shape[1]
    L = enc2_W.shape[1]
    E = edge_index.shape[1]
    BN = 1000

    EP = -(-E // (CH * NW * 2)) * (CH * NW * 2)
    pad = EP - E
    src_p = jnp.concatenate([edge_index[0], jnp.zeros((pad,), jnp.int32)])
    dst_p = jnp.concatenate([edge_index[1], jnp.full((pad,), N, jnp.int32)])

    ones16 = jnp.ones((CH, 16), jnp.float32)
    zeros16 = jnp.zeros((CH, 16), jnp.float32)
    zerosH = jnp.zeros((CH, H), jnp.float32)

    degp = _make_deg(N, EP)(dst_p, ones16, zeros16)
    hs1, dinvb = _make_enc1(N, D, H, BN)(x, mask_vector, enc1_W, degp[0], degp[1])
    p = _make_prop(N, H, EP)(src_p, dst_p, hs1, zerosH)
    hs2 = _make_enc2(N, H, L, BN)(p[0], p[1], hs1, dinvb,
                                  enc1_b.reshape(1, H), enc2_W)
    q = _make_prop(N, H, EP)(src_p, dst_p, hs2, zerosH)
    x_recon, z = _make_dec(N, D, H, L, BN)(q[0], q[1], hs2, dinvb,
                                           enc2_b.reshape(1, L), dec1_W,
                                           dec1_b.reshape(1, H), dec2_W,
                                           dec2_b.reshape(1, D))
    return (x_recon, z)

# --- scband reference (transcript-rebuilt; emitter-appended) ---
"""Pipeline reference for scband-graph-mae-58153857188005 (READ-ONLY COPY).

The authoritative reference and input builder live on the scoring server;
editing this copy changes nothing except your own understanding.
"""

import jax, jax.numpy as jnp
import numpy as np


def gcn_conv(x, W, b, src, dst, n):
    # GCNConv with self-loops already appended to (src, dst).
    h = x @ W
    deg = jnp.zeros((n,), dtype=x.dtype).at[dst].add(1.0)
    dinv = jnp.where(deg > 0, 1.0 / jnp.sqrt(deg), 0.0)
    norm = dinv[src] * dinv[dst]
    msg = h[src] * norm[:, None]
    out = jnp.zeros((n, W.shape[1]), dtype=x.dtype).at[dst].add(msg)
    return out + b


def setup_inputs(seed: int = 0):
    key = jax.random.key(seed)
    ks = jax.random.split(key, 12)
    N, E, D, H, L = 10000, 320000, 128, 128, 64
    x = jax.random.normal(ks[0], (N, D), dtype=jnp.float32)
    edge_index = jax.random.randint(ks[1], (2, E), 0, N, dtype=jnp.int32)
    mask_vector = jax.random.randint(ks[2], (N, 1), 0, 2).astype(jnp.float32)
    s = 0.05
    enc1_W = jax.random.normal(ks[3], (D, H), dtype=jnp.float32) * s
    enc1_b = jnp.zeros((H,), dtype=jnp.float32)
    enc2_W = jax.random.normal(ks[4], (H, L), dtype=jnp.float32) * s
    enc2_b = jnp.zeros((L,), dtype=jnp.float32)
    dec1_W = jax.random.normal(ks[5], (L, H), dtype=jnp.float32) * s
    dec1_b = jnp.zeros((H,), dtype=jnp.float32)
    dec2_W = jax.random.normal(ks[6], (H, D), dtype=jnp.float32) * s
    dec2_b = jnp.zeros((D,), dtype=jnp.float32)
    return {"x": x, "enc1_W": enc1_W, "enc1_b": enc1_b, "enc2_W": enc2_W, "enc2_b": enc2_b, "dec1_W": dec1_W, "dec1_b": dec1_b, "dec2_W": dec2_W, "dec2_b": dec2_b, "edge_index": edge_index, "mask_vector": mask_vector}


def reference(x, enc1_W, enc1_b, enc2_W, enc2_b, dec1_W, dec1_b, dec2_W, dec2_b, edge_index, mask_vector):
    N = x.shape[0]
    loops = jnp.arange(N, dtype=edge_index.dtype)
    src = jnp.concatenate([edge_index[0], loops])
    dst = jnp.concatenate([edge_index[1], loops])
    # zero out missing (masked) node features
    x_input = jnp.where(mask_vector == 0, 0.0, x)
    # encode
    h = jax.nn.relu(gcn_conv(x_input, enc1_W, enc1_b, src, dst, N))
    z = gcn_conv(h, enc2_W, enc2_b, src, dst, N)
    # decode
    xr = jax.nn.relu(z @ dec1_W + dec1_b)
    x_recon = xr @ dec2_W + dec2_b
    return (x_recon, z)

if __name__ == "__main__":
    import jax
    _d = setup_inputs()
    print(jax.jit(kernel)(*tuple(_d.values())))

</pallas_src>

<mosaic_0001>
#map = affine_map<(d0, d1) -> (0)>
#map1 = affine_map<(d0, d1) -> (0, 0)>
#map2 = affine_map<(d0, d1) -> (0, 0, 0)>
module attributes {stable_mosaic.version = 14 : i64} {
  func.func @deg(%arg0: i32, %arg1: i32, %arg2: memref<327680xi32, #tpu.memory_space<hbm>>, %arg3: memref<128x16xf32, #tpu.memory_space<hbm>>, %arg4: memref<128x16xf32, #tpu.memory_space<hbm>>, %arg5: memref<2x10112x16xf32, #tpu.memory_space<hbm>>, %arg6: memref<128xi32, #tpu.memory_space<vmem>>, %arg7: memref<128xi32, #tpu.memory_space<vmem>>, %arg8: memref<128x16xf32, #tpu.memory_space<vmem>>, %arg9: memref<128x16xf32, #tpu.memory_space<vmem>>, %arg10: memref<10112x16xf32, #tpu.memory_space<vmem_shared>>, %arg11: memref<!tpu.dma_semaphore, #tpu.memory_space<semaphore_mem>>, %arg12: memref<!tpu.dma_semaphore, #tpu.memory_space<semaphore_mem>>, %arg13: memref<!tpu.dma_semaphore, #tpu.memory_space<semaphore_mem>>, %arg14: memref<!tpu.dma_semaphore, #tpu.memory_space<semaphore_mem>>) attributes {dimension_semantics = [#tpu.dimension_semantics<core_parallel>, #tpu.dimension_semantics<subcore_parallel>], iteration_bounds = array<i64: 2, 16>, scalar_prefetch = 0 : i64, scratch_operands = 9 : i64, tpu.core_type = #tpu.core_type<sc_vector_subcore>, window_params = [{transform_indices = #map}, {transform_indices = #map1}, {transform_indices = #map1}, {transform_indices = #map2}]} {
    %mul3A = arith.constant 2 : i32
    %mul3A_0 = arith.muli %arg1, %mul3A : i32
    %add3A = arith.addi %mul3A_0, %arg0 : i32
    %mul3A_1 = arith.constant 80 : i32
    %mul3A_2 = arith.muli %add3A, %mul3A_1 : i32
    %mul3A_3 = arith.constant 128 : i32
    %mul3A_4 = arith.muli %mul3A_2, %mul3A_3 : i32
    "tpu.region"() ({
      %run_scoped3A = tpu.sem_alloc : memref<!tpu.dma_semaphore, #tpu.memory_space<semaphore_mem>>
      tpu.enqueue_dma source(%arg3 : memref<128x16xf32, #tpu.memory_space<hbm>>) target(%arg8 : memref<128x16xf32, #tpu.memory_space<vmem>>) target_semaphore(%run_scoped3A : memref<!tpu.dma_semaphore, #tpu.memory_space<semaphore_mem>>)
      tpu.wait_dma2 semaphore(%run_scoped3A : memref<!tpu.dma_semaphore, #tpu.memory_space<semaphore_mem>>) src(%arg3 : memref<128x16xf32, #tpu.memory_space<hbm>>) dst(%arg8 : memref<128x16xf32, #tpu.memory_space<vmem>>)
      tpu.yield
    }) : () -> ()
    "tpu.region"() ({
      %run_scoped3A = tpu.sem_alloc : memref<!tpu.dma_semaphore, #tpu.memory_space<semaphore_mem>>
      tpu.enqueue_dma source(%arg4 : memref<128x16xf32, #tpu.memory_space<hbm>>) target(%arg9 : memref<128x16xf32, #tpu.memory_space<vmem>>) target_semaphore(%run_scoped3A : memref<!tpu.dma_semaphore, #tpu.memory_space<semaphore_mem>>)
      tpu.wait_dma2 semaphore(%run_scoped3A : memref<!tpu.dma_semaphore, #tpu.memory_space<semaphore_mem>>) src(%arg4 : memref<128x16xf32, #tpu.memory_space<hbm>>) dst(%arg9 : memref<128x16xf32, #tpu.memory_space<vmem>>)
      tpu.yield
    }) : () -> ()
    %mul3A_5 = arith.constant 632 : i32
    %mul3A_6 = arith.muli %arg1, %mul3A_5 : i32
    %add3A_7 = arith.constant 0 : i32
    %add3A_8 = arith.addi %mul3A_6, %add3A_7 : i32
    "tpu.region"() ({
      %run_scoped3A = tpu.sem_alloc : memref<!tpu.dma_semaphore, #tpu.memory_space<semaphore_mem>>
      %dma_start3A_49 = arith.constant 0 : i32
      %dma_start3A_50 = arith.constant 0 : i32
      %dma_start3A_51 = tpu.memref_slice %arg9[%dma_start3A_49, %dma_start3A_50] : memref<128x16xf32, #tpu.memory_space<vmem>> -> memref<128x16xf32, #tpu.memory_space<vmem>>
      %dma_start3A_52 = arith.constant 0 : i32
      %dma_start3A_53 = tpu.memref_slice %arg10[%add3A_8, %dma_start3A_52] : memref<10112x16xf32, #tpu.memory_space<vmem_shared>> -> memref<128x16xf32, #tpu.memory_space<vmem_shared>>
      %dma_start3A_54 = arith.constant 0 : i32
      %dma_start3A_55 = tpu.memref_slice %arg10[%add3A_8, %dma_start3A_54] : memref<10112x16xf32, #tpu.memory_space<vmem_shared>> -> memref<128x16xf32, #tpu.memory_space<vmem_shared>>
      %dma_start3A_56 = arith.constant 0 : i32
      %dma_start3A_57 = arith.constant 0 : i32
      %dma_start3A_58 = tpu.memref_slice %arg9[%dma_start3A_56, %dma_start3A_57] : memref<128x16xf32, #tpu.memory_space<vmem>> -> memref<128x16xf32, #tpu.memory_space<vmem>>
      tpu.enqueue_dma source(%dma_start3A_58 : memref<128x16xf32, #tpu.memory_space<vmem>>) target(%dma_start3A_55 : memref<128x16xf32, #tpu.memory_space<vmem_shared>>) target_semaphore(%run_scoped3A : memref<!tpu.dma_semaphore, #tpu.memory_space<semaphore_mem>>)
      %dma_wait3A = arith.constant 0 : i32
      %dma_wait3A_59 = arith.constant 0 : i32
      %dma_wait3A_60 = tpu.memref_slice %arg9[%dma_wait3A, %dma_wait3A_59] : memref<128x16xf32, #tpu.memory_space<vmem>> -> memref<128x16xf32, #tpu.memory_space<vmem>>
      %dma_wait3A_61 = arith.constant 0 : i32
      %dma_wait3A_62 = tpu.memref_slice %arg10[%add3A_8, %dma_wait3A_61] : memref<10112x16xf32, #tpu.memory_space<vmem_shared>> -> memref<128x16xf32, #tpu.memory_space<vmem_shared>>
      %dma_wait3A_63 = arith.constant 0 : i32
      %dma_wait3A_64 = tpu.memref_slice %arg10[%add3A_8, %dma_wait3A_63] : memref<10112x16xf32, #tpu.memory_space<vmem_shared>> -> memref<128x16xf32, #tpu.memory_space<vmem_shared>>
      %dma_wait3A_65 = arith.constant 0 : i32
      %dma_wait3A_66 = arith.constant 0 : i32
      %dma_wait3A_67 = tpu.memref_slice %arg9[%dma_wait3A_65, %dma_wait3A_66] : memref<128x16xf32, #tpu.memory_space<vmem>> -> memref<128x16xf32, #tpu.memory_space<vmem>>
      tpu.wait_dma2 semaphore(%run_scoped3A : memref<!tpu.dma_semaphore, #tpu.memory_space<semaphore_mem>>) src(%dma_wait3A_67 : memref<128x16xf32, #tpu.memory_space<vmem>>) dst(%dma_wait3A_64 : memref<128x16xf32, #tpu.memory_space<vmem_shared>>)
      tpu.yield
    }) : () -> ()
    %add3A_9 = arith.constant 128 : i32
    %add3A_10 = arith.addi %mul3A_6, %add3A_9 : i32
    "tpu.region"() ({
      %run_scoped3A = tpu.sem_alloc : memref<!tpu.dma_semaphore, #tpu.memory_space<semaphore_mem>>
      %dma_start3A_49 = arith.constant 0 : i32
      %dma_start3A_50 = arith.constant 0 : i32
      %dma_start3A_51 = tpu.memref_slice %arg9[%dma_start3A_49, %dma_start3A_50] : memref<128x16xf32, #tpu.memory_space<vmem>> -> memref<128x16xf32, #tpu.memory_space<vmem>>
      %dma_start3A_52 = arith.constant 0 : i32
      %dma_start3A_53 = tpu.memref_slice %arg10[%add3A_10, %dma_start3A_52] : memref<10112x16xf32, #tpu.memory_space<vmem_shared>> -> memref<128x16xf32, #tpu.memory_space<vmem_shared>>
      %dma_start3A_54 = arith.constant 0 : i32
      %dma_start3A_55 = tpu.memref_slice %arg10[%add3A_10, %dma_start3A_54] : memref<10112x16xf32, #tpu.memory_space<vmem_shared>> -> memref<128x16xf32, #tpu.memory_space<vmem_shared>>
      %dma_start3A_56 = arith.constant 0 : i32
      %dma_start3A_57 = arith.constant 0 : i32
      %dma_start3A_58 = tpu.memref_slice %arg9[%dma_start3A_56, %dma_start3A_57] : memref<128x16xf32, #tpu.memory_space<vmem>> -> memref<128x16xf32, #tpu.memory_space<vmem>>
      tpu.enqueue_dma source(%dma_start3A_58 : memref<128x16xf32, #tpu.memory_space<vmem>>) target(%dma_start3A_55 : memref<128x16xf32, #tpu.memory_space<vmem_shared>>) target_semaphore(%run_scoped3A : memref<!tpu.dma_semaphore, #tpu.memory_space<semaphore_mem>>)
      %dma_wait3A = arith.constant 0 : i32
      %dma_wait3A_59 = arith.constant 0 : i32
      %dma_wait3A_60 = tpu.memref_slice %arg9[%dma_wait3A, %dma_wait3A_59] : memref<128x16xf32, #tpu.memory_space<vmem>> -> memref<128x16xf32, #tpu.memory_space<vmem>>
      %dma_wait3A_61 = arith.constant 0 : i32
      %dma_wait3A_62 = tpu.memref_slice %arg10[%add3A_10, %dma_wait3A_61] : memref<10112x16xf32, #tpu.memory_space<vmem_shared>> -> memref<128x16xf32, #tpu.memory_space<vmem_shared>>
      %dma_wait3A_63 = arith.constant 0 : i32
      %dma_wait3A_64 = tpu.memref_slice %arg10[%add3A_10, %dma_wait3A_63] : memref<10112x16xf32, #tpu.memory_space<vmem_shared>> -> memref<128x16xf32, #tpu.memory_space<vmem_shared>>
      %dma_wait3A_65 = arith.constant 0 : i32
      %dma_wait3A_66 = arith.constant 0 : i32
      %dma_wait3A_67 = tpu.memref_slice %arg9[%dma_wait3A_65, %dma_wait3A_66] : memref<128x16xf32, #tpu.memory_space<vmem>> -> memref<128x16xf32, #tpu.memory_space<vmem>>
      tpu.wait_dma2 semaphore(%run_scoped3A : memref<!tpu.dma_semaphore, #tpu.memory_space<semaphore_mem>>) src(%dma_wait3A_67 : memref<128x16xf32, #tpu.memory_space<vmem>>) dst(%dma_wait3A_64 : memref<128x16xf32, #tpu.memory_space<vmem_shared>>)
      tpu.yield
    }) : () -> ()
    %add3A_11 = arith.constant 256 : i32
    %add3A_12 = arith.addi %mul3A_6, %add3A_11 : i32
    "tpu.region"() ({
      %run_scoped3A = tpu.sem_alloc : memref<!tpu.dma_semaphore, #tpu.memory_space<semaphore_mem>>
      %dma_start3A_49 = arith.constant 0 : i32
      %dma_start3A_50 = arith.constant 0 : i32
      %dma_start3A_51 = tpu.memref_slice %arg9[%dma_start3A_49, %dma_start3A_50] : memref<128x16xf32, #tpu.memory_space<vmem>> -> memref<128x16xf32, #tpu.memory_space<vmem>>
      %dma_start3A_52 = arith.constant 0 : i32
      %dma_start3A_53 = tpu.memref_slice %arg10[%add3A_12, %dma_start3A_52] : memref<10112x16xf32, #tpu.memory_space<vmem_shared>> -> memref<128x16xf32, #tpu.memory_space<vmem_shared>>
      %dma_start3A_54 = arith.constant 0 : i32
      %dma_start3A_55 = tpu.memref_slice %arg10[%add3A_12, %dma_start3A_54] : memref<10112x16xf32, #tpu.memory_space<vmem_shared>> -> memref<128x16xf32, #tpu.memory_space<vmem_shared>>
      %dma_start3A_56 = arith.constant 0 : i32
      %dma_start3A_57 = arith.constant 0 : i32
      %dma_start3A_58 = tpu.memref_slice %arg9[%dma_start3A_56, %dma_start3A_57] : memref<128x16xf32, #tpu.memory_space<vmem>> -> memref<128x16xf32, #tpu.memory_space<vmem>>
      tpu.enqueue_dma source(%dma_start3A_58 : memref<128x16xf32, #tpu.memory_space<vmem>>) target(%dma_start3A_55 : memref<128x16xf32, #tpu.memory_space<vmem_shared>>) target_semaphore(%run_scoped3A : memref<!tpu.dma_semaphore, #tpu.memory_space<semaphore_mem>>)
      %dma_wait3A = arith.constant 0 : i32
      %dma_wait3A_59 = arith.constant 0 : i32
      %dma_wait3A_60 = tpu.memref_slice %arg9[%dma_wait3A, %dma_wait3A_59] : memref<128x16xf32, #tpu.memory_space<vmem>> -> memref<128x16xf32, #tpu.memory_space<vmem>>
      %dma_wait3A_61 = arith.constant 0 : i32
      %dma_wait3A_62 = tpu.memref_slice %arg10[%add3A_12, %dma_wait3A_61] : memref<10112x16xf32, #tpu.memory_space<vmem_shared>> -> memref<128x16xf32, #tpu.memory_space<vmem_shared>>
      %dma_wait3A_63 = arith.constant 0 : i32
      %dma_wait3A_64 = tpu.memref_slice %arg10[%add3A_12, %dma_wait3A_63] : memref<10112x16xf32, #tpu.memory_space<vmem_shared>> -> memref<128x16xf32, #tpu.memory_space<vmem_shared>>
      %dma_wait3A_65 = arith.constant 0 : i32
      %dma_wait3A_66 = arith.constant 0 : i32
      %dma_wait3A_67 = tpu.memref_slice %arg9[%dma_wait3A_65, %dma_wait3A_66] : memref<128x16xf32, #tpu.memory_space<vmem>> -> memref<128x16xf32, #tpu.memory_space<vmem>>
      tpu.wait_dma2 semaphore(%run_scoped3A : memref<!tpu.dma_semaphore, #tpu.memory_space<semaphore_mem>>) src(%dma_wait3A_67 : memref<128x16xf32, #tpu.memory_space<vmem>>) dst(%dma_wait3A_64 : memref<128x16xf32, #tpu.memory_space<vmem_shared>>)
      tpu.yield
    }) : () -> ()
    %add3A_13 = arith.constant 384 : i32
    %add3A_14 = arith.addi %mul3A_6, %add3A_13 : i32
    "tpu.region"() ({
      %run_scoped3A = tpu.sem_alloc : memref<!tpu.dma_semaphore, #tpu.memory_space<semaphore_mem>>
      %dma_start3A_49 = arith.constant 0 : i32
      %dma_start3A_50 = arith.constant 0 : i32
      %dma_start3A_51 = tpu.memref_slice %arg9[%dma_start3A_49, %dma_start3A_50] : memref<128x16xf32, #tpu.memory_space<vmem>> -> memref<128x16xf32, #tpu.memory_space<vmem>>
      %dma_start3A_52 = arith.constant 0 : i32
      %dma_start3A_53 = tpu.memref_slice %arg10[%add3A_14, %dma_start3A_52] : memref<10112x16xf32, #tpu.memory_space<vmem_shared>> -> memref<128x16xf32, #tpu.memory_space<vmem_shared>>
      %dma_start3A_54 = arith.constant 0 : i32
      %dma_start3A_55 = tpu.memref_slice %arg10[%add3A_14, %dma_start3A_54] : memref<10112x16xf32, #tpu.memory_space<vmem_shared>> -> memref<128x16xf32, #tpu.memory_space<vmem_shared>>
      %dma_start3A_56 = arith.constant 0 : i32
      %dma_start3A_57 = arith.constant 0 : i32
      %dma_start3A_58 = tpu.memref_slice %arg9[%dma_start3A_56, %dma_start3A_57] : memref<128x16xf32, #tpu.memory_space<vmem>> -> memref<128x16xf32, #tpu.memory_space<vmem>>
      tpu.enqueue_dma source(%dma_start3A_58 : memref<128x16xf32, #tpu.memory_space<vmem>>) target(%dma_start3A_55 : memref<128x16xf32, #tpu.memory_space<vmem_shared>>) target_semaphore(%run_scoped3A : memref<!tpu.dma_semaphore, #tpu.memory_space<semaphore_mem>>)
      %dma_wait3A = arith.constant 0 : i32
      %dma_wait3A_59 = arith.constant 0 : i32
      %dma_wait3A_60 = tpu.memref_slice %arg9[%dma_wait3A, %dma_wait3A_59] : memref<128x16xf32, #tpu.memory_space<vmem>> -> memref<128x16xf32, #tpu.memory_space<vmem>>
      %dma_wait3A_61 = arith.constant 0 : i32
      %dma_wait3A_62 = tpu.memref_slice %arg10[%add3A_14, %dma_wait3A_61] : memref<10112x16xf32, #tpu.memory_space<vmem_shared>> -> memref<128x16xf32, #tpu.memory_space<vmem_shared>>
      %dma_wait3A_63 = arith.constant 0 : i32
      %dma_wait3A_64 = tpu.memref_slice %arg10[%add3A_14, %dma_wait3A_63] : memref<10112x16xf32, #tpu.memory_space<vmem_shared>> -> memref<128x16xf32, #tpu.memory_space<vmem_shared>>
      %dma_wait3A_65 = arith.constant 0 : i32
      %dma_wait3A_66 = arith.constant 0 : i32
      %dma_wait3A_67 = tpu.memref_slice %arg9[%dma_wait3A_65, %dma_wait3A_66] : memref<128x16xf32, #tpu.memory_space<vmem>> -> memref<128x16xf32, #tpu.memory_space<vmem>>
      tpu.wait_dma2 semaphore(%run_scoped3A : memref<!tpu.dma_semaphore, #tpu.memory_space<semaphore_mem>>) src(%dma_wait3A_67 : memref<128x16xf32, #tpu.memory_space<vmem>>) dst(%dma_wait3A_64 : memref<128x16xf32, #tpu.memory_space<vmem_shared>>)
      tpu.yield
    }) : () -> ()
    %add3A_15 = arith.constant 512 : i32
    %add3A_16 = arith.addi %mul3A_6, %add3A_15 : i32
    "tpu.region"() ({
      %run_scoped3A = tpu.sem_alloc : memref<!tpu.dma_semaphore, #tpu.memory_space<semaphore_mem>>
      %dma_start3A_49 = arith.constant 0 : i32
      %dma_start3A_50 = arith.constant 0 : i32
      %dma_start3A_51 = tpu.memref_slice %arg9[%dma_start3A_49, %dma_start3A_50] : memref<128x16xf32, #tpu.memory_space<vmem>> -> memref<120x16xf32, #tpu.memory_space<vmem>>
      %dma_start3A_52 = arith.constant 0 : i32
      %dma_start3A_53 = tpu.memref_slice %arg10[%add3A_16, %dma_start3A_52] : memref<10112x16xf32, #tpu.memory_space<vmem_shared>> -> memref<120x16xf32, #tpu.memory_space<vmem_shared>>
      %dma_start3A_54 = arith.constant 0 : i32
      %dma_start3A_55 = tpu.memref_slice %arg10[%add3A_16, %dma_start3A_54] : memref<10112x16xf32, #tpu.memory_space<vmem_shared>> -> memref<120x16xf32, #tpu.memory_space<vmem_shared>>
      %dma_start3A_56 = arith.constant 0 : i32
      %dma_start3A_57 = arith.constant 0 : i32
      %dma_start3A_58 = tpu.memref_slice %arg9[%dma_start3A_56, %dma_start3A_57] : memref<128x16xf32, #tpu.memory_space<vmem>> -> memref<120x16xf32, #tpu.memory_space<vmem>>
      tpu.enqueue_dma source(%dma_start3A_58 : memref<120x16xf32, #tpu.memory_space<vmem>>) target(%dma_start3A_55 : memref<120x16xf32, #tpu.memory_space<vmem_shared>>) target_semaphore(%run_scoped3A : memref<!tpu.dma_semaphore, #tpu.memory_space<semaphore_mem>>)
      %dma_wait3A = arith.constant 0 : i32
      %dma_wait3A_59 = arith.constant 0 : i32
      %dma_wait3A_60 = tpu.memref_slice %arg9[%dma_wait3A, %dma_wait3A_59] : memref<128x16xf32, #tpu.memory_space<vmem>> -> memref<120x16xf32, #tpu.memory_space<vmem>>
      %dma_wait3A_61 = arith.constant 0 : i32
      %dma_wait3A_62 = tpu.memref_slice %arg10[%add3A_16, %dma_wait3A_61] : memref<10112x16xf32, #tpu.memory_space<vmem_shared>> -> memref<120x16xf32, #tpu.memory_space<vmem_shared>>
      %dma_wait3A_63 = arith.constant 0 : i32
      %dma_wait3A_64 = tpu.memref_slice %arg10[%add3A_16, %dma_wait3A_63] : memref<10112x16xf32, #tpu.memory_space<vmem_shared>> -> memref<120x16xf32, #tpu.memory_space<vmem_shared>>
      %dma_wait3A_65 = arith.constant 0 : i32
      %dma_wait3A_66 = arith.constant 0 : i32
      %dma_wait3A_67 = tpu.memref_slice %arg9[%dma_wait3A_65, %dma_wait3A_66] : memref<128x16xf32, #tpu.memory_space<vmem>> -> memref<120x16xf32, #tpu.memory_space<vmem>>
      tpu.wait_dma2 semaphore(%run_scoped3A : memref<!tpu.dma_semaphore, #tpu.memory_space<semaphore_mem>>) src(%dma_wait3A_67 : memref<120x16xf32, #tpu.memory_space<vmem>>) dst(%dma_wait3A_64 : memref<120x16xf32, #tpu.memory_space<vmem_shared>>)
      tpu.yield
    }) : () -> ()
    %barrier3A = arith.constant 0 : index
    tpu.barrier barrier_id(%barrier3A)
    "tpu.region"() ({
      %run_scoped3A = tpu.sem_alloc : memref<!tpu.dma_semaphore, #tpu.memory_space<semaphore_mem>>
      %dma_start3A_49 = tpu.memref_slice %arg2[%mul3A_4] : memref<327680xi32, #tpu.memory_space<hbm>> -> memref<128xi32, #tpu.memory_space<hbm>>
      %dma_start3A_50 = tpu.memref_slice %arg2[%mul3A_4] : memref<327680xi32, #tpu.memory_space<hbm>> -> memref<128xi32, #tpu.memory_space<hbm>>
      tpu.enqueue_dma source(%dma_start3A_50 : memref<128xi32, #tpu.memory_space<hbm>>) target(%arg6 : memref<128xi32, #tpu.memory_space<vmem>>) target_semaphore(%run_scoped3A : memref<!tpu.dma_semaphore, #tpu.memory_space<semaphore_mem>>)
      %dma_wait3A = tpu.memref_slice %arg2[%mul3A_4] : memref<327680xi32, #tpu.memory_space<hbm>> -> memref<128xi32, #tpu.memory_space<hbm>>
      %dma_wait3A_51 = tpu.memref_slice %arg2[%mul3A_4] : memref<327680xi32, #tpu.memory_space<hbm>> -> memref<128xi32, #tpu.memory_space<hbm>>
      tpu.wait_dma2 semaphore(%run_scoped3A : memref<!tpu.dma_semaphore, #tpu.memory_space<semaphore_mem>>) src(%dma_wait3A_51 : memref<128xi32, #tpu.memory_space<hbm>>) dst(%arg6 : memref<128xi32, #tpu.memory_space<vmem>>)
      tpu.yield
    }) : () -> ()
    %dma_start3A = arith.constant 0 : i32
    %dma_start3A_17 = arith.constant 0 : i32
    %dma_start3A_18 = tpu.memref_slice %arg10[%dma_start3A, %dma_start3A_17] : memref<10112x16xf32, #tpu.memory_space<vmem_shared>> -> memref<10112x16xf32, #tpu.memory_space<vmem_shared>>
    tpu.enqueue_indirect_dma source(%arg8 : memref<128x16xf32, #tpu.memory_space<vmem>>) target(%dma_start3A_18 : memref<10112x16xf32, #tpu.memory_space<vmem_shared>>) offsets(%arg6 : memref<128xi32, #tpu.memory_space<vmem>>) semaphore(%arg13 : memref<!tpu.dma_semaphore, #tpu.memory_space<semaphore_mem>>) {add = true}
    %add3A_19 = arith.constant 128 : i32
    %add3A_20 = arith.addi %mul3A_4, %add3A_19 : i32
    %dma_start3A_21 = tpu.memref_slice %arg2[%add3A_20] : memref<327680xi32, #tpu.memory_space<hbm>> -> memref<128xi32, #tpu.memory_space<hbm>>
    %dma_start3A_22 = tpu.memref_slice %arg2[%add3A_20] : memref<327680xi32, #tpu.memory_space<hbm>> -> memref<128xi32, #tpu.memory_space<hbm>>
    tpu.enqueue_dma source(%dma_start3A_22 : memref<128xi32, #tpu.memory_space<hbm>>) target(%arg7 : memref<128xi32, #tpu.memory_space<vmem>>) target_semaphore(%arg12 : memref<!tpu.dma_semaphore, #tpu.memory_space<semaphore_mem>>)
    %scan3A = arith.constant 0 : i32
    %scan3A_23 = arith.constant 0 : i32
    %scan3A_24 = arith.constant 40 : i32
    %scan3A_25 = arith.addi %scan3A_23, %scan3A_24 : i32
    %scan3A_26 = arith.constant 1 : i32
    scf.for %scan3A_49 = %scan3A_23 to %scan3A_25 step %scan3A_26  : i32 {
      %mul3A_50 = arith.constant 2 : i32
      %mul3A_51 = arith.muli %mul3A_50, %scan3A_49 : i32
      %dma_wait3A = tpu.memref_slice %arg2[%mul3A_4] : memref<327680xi32, #tpu.memory_space<hbm>> -> memref<128xi32, #tpu.memory_space<hbm>>
      %dma_wait3A_52 = tpu.memref_slice %arg2[%mul3A_4] : memref<327680xi32, #tpu.memory_space<hbm>> -> memref<128xi32, #tpu.memory_space<hbm>>
      tpu.wait_dma2 semaphore(%arg12 : memref<!tpu.dma_semaphore, #tpu.memory_space<semaphore_mem>>) src(%dma_wait3A_52 : memref<128xi32, #tpu.memory_space<hbm>>) dst(%arg7 : memref<128xi32, #tpu.memory_space<vmem>>)
      %dma_start3A_53 = arith.constant 0 : i32
      %dma_start3A_54 = arith.constant 0 : i32
      %dma_start3A_55 = tpu.memref_slice %arg10[%dma_start3A_53, %dma_start3A_54] : memref<10112x16xf32, #tpu.memory_space<vmem_shared>> -> memref<10112x16xf32, #tpu.memory_space<vmem_shared>>
      tpu.enqueue_indirect_dma source(%arg8 : memref<128x16xf32, #tpu.memory_space<vmem>>) target(%dma_start3A_55 : memref<10112x16xf32, #tpu.memory_space<vmem_shared>>) offsets(%arg7 : memref<128xi32, #tpu.memory_space<vmem>>) semaphore(%arg14 : memref<!tpu.dma_semaphore, #tpu.memory_space<semaphore_mem>>) {add = true}
      %dma_wait3A_56 = arith.constant 0 : i32
      %dma_wait3A_57 = arith.constant 0 : i32
      %dma_wait3A_58 = tpu.memref_slice %arg10[%dma_wait3A_56, %dma_wait3A_57] : memref<10112x16xf32, #tpu.memory_space<vmem_shared>> -> memref<10112x16xf32, #tpu.memory_space<vmem_shared>>
      tpu.wait_indirect_dma semaphore(%arg13 : memref<!tpu.dma_semaphore, #tpu.memory_space<semaphore_mem>>) src(%arg8 : memref<128x16xf32, #tpu.memory_space<vmem>>) dst(%dma_wait3A_58 : memref<10112x16xf32, #tpu.memory_space<vmem_shared>>)
      %add3A_59 = arith.constant 2 : i32
      %add3A_60 = arith.addi %mul3A_51, %add3A_59 : i32
      %lt3A = arith.constant 80 : i32
      %lt3A_61 = arith.cmpi slt, %add3A_60, %lt3A : i32
      %convert_element_type3A = arith.extui %lt3A_61 : i1 to i32
      %cond3A = arith.constant 0 : i32
      %cond3A_62 = arith.cmpi ne, %convert_element_type3A, %cond3A : i32
      scf.if %cond3A_62 {
        %add3A_73 = arith.constant 2 : i32
        %add3A_74 = arith.addi %mul3A_51, %add3A_73 : i32
        %mul3A_75 = arith.constant 128 : i32
        %mul3A_76 = arith.muli %add3A_74, %mul3A_75 : i32
        %add3A_77 = arith.addi %mul3A_4, %mul3A_76 : i32
        "tpu.region"() ({
          %run_scoped3A = tpu.sem_alloc : memref<!tpu.dma_semaphore, #tpu.memory_space<semaphore_mem>>
          %dma_start3A_81 = tpu.memref_slice %arg2[%add3A_77] : memref<327680xi32, #tpu.memory_space<hbm>> -> memref<128xi32, #tpu.memory_space<hbm>>
          %dma_start3A_82 = tpu.memref_slice %arg2[%add3A_77] : memref<327680xi32, #tpu.memory_space<hbm>> -> memref<128xi32, #tpu.memory_space<hbm>>
          tpu.enqueue_dma source(%dma_start3A_82 : memref<128xi32, #tpu.memory_space<hbm>>) target(%arg6 : memref<128xi32, #tpu.memory_space<vmem>>) target_semaphore(%run_scoped3A : memref<!tpu.dma_semaphore, #tpu.memory_space<semaphore_mem>>)
          %dma_wait3A_83 = tpu.memref_slice %arg2[%add3A_77] : memref<327680xi32, #tpu.memory_space<hbm>> -> memref<128xi32, #tpu.memory_space<hbm>>
          %dma_wait3A_84 = tpu.memref_slice %arg2[%add3A_77] : memref<327680xi32, #tpu.memory_space<hbm>> -> memref<128xi32, #tpu.memory_space<hbm>>
          tpu.wait_dma2 semaphore(%run_scoped3A : memref<!tpu.dma_semaphore, #tpu.memory_space<semaphore_mem>>) src(%dma_wait3A_84 : memref<128xi32, #tpu.memory_space<hbm>>) dst(%arg6 : memref<128xi32, #tpu.memory_space<vmem>>)
          tpu.yield
        }) : () -> ()
        %dma_start3A_78 = arith.constant 0 : i32
        %dma_start3A_79 = arith.constant 0 : i32
        %dma_start3A_80 = tpu.memref_slice %arg10[%dma_start3A_78, %dma_start3A_79] : memref<10112x16xf32, #tpu.memory_space<vmem_shared>> -> memref<10112x16xf32, #tpu.memory_space<vmem_shared>>
        tpu.enqueue_indirect_dma source(%arg8 : memref<128x16xf32, #tpu.memory_space<vmem>>) target(%dma_start3A_80 : memref<10112x16xf32, #tpu.memory_space<vmem_shared>>) offsets(%arg6 : memref<128xi32, #tpu.memory_space<vmem>>) semaphore(%arg13 : memref<!tpu.dma_semaphore, #tpu.memory_space<semaphore_mem>>) {add = true}
      } else {
      }
      %dma_wait3A_63 = arith.constant 0 : i32
      %dma_wait3A_64 = arith.constant 0 : i32
      %dma_wait3A_65 = tpu.memref_slice %arg10[%dma_wait3A_63, %dma_wait3A_64] : memref<10112x16xf32, #tpu.memory_space<vmem_shared>> -> memref<10112x16xf32, #tpu.memory_space<vmem_shared>>
      tpu.wait_indirect_dma semaphore(%arg14 : memref<!tpu.dma_semaphore, #tpu.memory_space<semaphore_mem>>) src(%arg8 : memref<128x16xf32, #tpu.memory_space<vmem>>) dst(%dma_wait3A_65 : memref<10112x16xf32, #tpu.memory_space<vmem_shared>>)
      %add3A_66 = arith.constant 3 : i32
      %add3A_67 = arith.addi %mul3A_51, %add3A_66 : i32
      %lt3A_68 = arith.constant 80 : i32
      %lt3A_69 = arith.cmpi slt, %add3A_67, %lt3A_68 : i32
      %convert_element_type3A_70 = arith.extui %lt3A_69 : i1 to i32
      %cond3A_71 = arith.constant 0 : i32
      %cond3A_72 = arith.cmpi ne, %convert_element_type3A_70, %cond3A_71 : i32
      scf.if %cond3A_72 {
        %add3A_73 = arith.constant 3 : i32
        %add3A_74 = arith.addi %mul3A_51, %add3A_73 : i32
        %mul3A_75 = arith.constant 128 : i32
        %mul3A_76 = arith.muli %add3A_74, %mul3A_75 : i32
        %add3A_77 = arith.addi %mul3A_4, %mul3A_76 : i32
        %dma_start3A_78 = tpu.memref_slice %arg2[%add3A_77] : memref<327680xi32, #tpu.memory_space<hbm>> -> memref<128xi32, #tpu.memory_space<hbm>>
        %dma_start3A_79 = tpu.memref_slice %arg2[%add3A_77] : memref<327680xi32, #tpu.memory_space<hbm>> -> memref<128xi32, #tpu.memory_space<hbm>>
        tpu.enqueue_dma source(%dma_start3A_79 : memref<128xi32, #tpu.memory_space<hbm>>) target(%arg7 : memref<128xi32, #tpu.memory_space<vmem>>) target_semaphore(%arg12 : memref<!tpu.dma_semaphore, #tpu.memory_space<semaphore_mem>>)
      } else {
      }
    }
    %scan3A_27 = arith.constant 40 : i32
    %barrier3A_28 = arith.constant 0 : index
    tpu.barrier barrier_id(%barrier3A_28)
    %add3A_29 = arith.constant 0 : i32
    %add3A_30 = arith.addi %mul3A_6, %add3A_29 : i32
    "tpu.region"() ({
      %run_scoped3A = tpu.sem_alloc : memref<!tpu.dma_semaphore, #tpu.memory_space<semaphore_mem>>
      %dma_start3A_49 = arith.constant 0 : i32
      %dma_start3A_50 = arith.constant 0 : i32
      %dma_start3A_51 = tpu.memref_slice %arg9[%dma_start3A_49, %dma_start3A_50] : memref<128x16xf32, #tpu.memory_space<vmem>> -> memref<128x16xf32, #tpu.memory_space<vmem>>
      %dma_start3A_52 = arith.constant 0 : i32
      %dma_start3A_53 = tpu.memref_slice %arg10[%add3A_30, %dma_start3A_52] : memref<10112x16xf32, #tpu.memory_space<vmem_shared>> -> memref<128x16xf32, #tpu.memory_space<vmem_shared>>
      %dma_start3A_54 = arith.constant 0 : i32
      %dma_start3A_55 = arith.constant 0 : i32
      %dma_start3A_56 = tpu.memref_slice %arg9[%dma_start3A_54, %dma_start3A_55] : memref<128x16xf32, #tpu.memory_space<vmem>> -> memref<128x16xf32, #tpu.memory_space<vmem>>
      %dma_start3A_57 = arith.constant 0 : i32
      %dma_start3A_58 = tpu.memref_slice %arg10[%add3A_30, %dma_start3A_57] : memref<10112x16xf32, #tpu.memory_space<vmem_shared>> -> memref<128x16xf32, #tpu.memory_space<vmem_shared>>
      tpu.enqueue_dma source(%dma_start3A_58 : memref<128x16xf32, #tpu.memory_space<vmem_shared>>) target(%dma_start3A_56 : memref<128x16xf32, #tpu.memory_space<vmem>>) target_semaphore(%run_scoped3A : memref<!tpu.dma_semaphore, #tpu.memory_space<semaphore_mem>>)
      %dma_wait3A = arith.constant 0 : i32
      %dma_wait3A_59 = arith.constant 0 : i32
      %dma_wait3A_60 = tpu.memref_slice %arg9[%dma_wait3A, %dma_wait3A_59] : memref<128x16xf32, #tpu.memory_space<vmem>> -> memref<128x16xf32, #tpu.memory_space<vmem>>
      %dma_wait3A_61 = arith.constant 0 : i32
      %dma_wait3A_62 = tpu.memref_slice %arg10[%add3A_30, %dma_wait3A_61] : memref<10112x16xf32, #tpu.memory_space<vmem_shared>> -> memref<128x16xf32, #tpu.memory_space<vmem_shared>>
      %dma_wait3A_63 = arith.constant 0 : i32
      %dma_wait3A_64 = arith.constant 0 : i32
      %dma_wait3A_65 = tpu.memref_slice %arg9[%dma_wait3A_63, %dma_wait3A_64] : memref<128x16xf32, #tpu.memory_space<vmem>> -> memref<128x16xf32, #tpu.memory_space<vmem>>
      %dma_wait3A_66 = arith.constant 0 : i32
      %dma_wait3A_67 = tpu.memref_slice %arg10[%add3A_30, %dma_wait3A_66] : memref<10112x16xf32, #tpu.memory_space<vmem_shared>> -> memref<128x16xf32, #tpu.memory_space<vmem_shared>>
      tpu.wait_dma2 semaphore(%run_scoped3A : memref<!tpu.dma_semaphore, #tpu.memory_space<semaphore_mem>>) src(%dma_wait3A_67 : memref<128x16xf32, #tpu.memory_space<vmem_shared>>) dst(%dma_wait3A_65 : memref<128x16xf32, #tpu.memory_space<vmem>>)
      tpu.yield
    }) : () -> ()
    %add3A_31 = arith.constant 0 : i32
    %add3A_32 = arith.addi %mul3A_6, %add3A_31 : i32
    "tpu.region"() ({
      %run_scoped3A = tpu.sem_alloc : memref<!tpu.dma_semaphore, #tpu.memory_space<semaphore_mem>>
      %dma_start3A_49 = arith.constant 0 : i32
      %dma_start3A_50 = arith.constant 0 : i32
      %dma_start3A_51 = tpu.memref_slice %arg9[%dma_start3A_49, %dma_start3A_50] : memref<128x16xf32, #tpu.memory_space<vmem>> -> memref<128x16xf32, #tpu.memory_space<vmem>>
      %dma_start3A_52 = arith.constant 0 : i32
      %dma_start3A_53 = tpu.memref_slice %arg5[%arg0, %add3A_32, %dma_start3A_52] : memref<2x10112x16xf32, #tpu.memory_space<hbm>> -> memref<1x128x16xf32, #tpu.memory_space<hbm>>
      %dma_start3A_54 = tpu.memref_squeeze %dma_start3A_53 : memref<1x128x16xf32, #tpu.memory_space<hbm>> -> memref<128x16xf32, #tpu.memory_space<hbm>>
      %dma_start3A_55 = arith.constant 0 : i32
      %dma_start3A_56 = tpu.memref_slice %arg5[%arg0, %add3A_32, %dma_start3A_55] : memref<2x10112x16xf32, #tpu.memory_space<hbm>> -> memref<1x128x16xf32, #tpu.memory_space<hbm>>
      %dma_start3A_57 = tpu.memref_squeeze %dma_start3A_56 : memref<1x128x16xf32, #tpu.memory_space<hbm>> -> memref<128x16xf32, #tpu.memory_space<hbm>>
      %dma_start3A_58 = arith.constant 0 : i32
      %dma_start3A_59 = arith.constant 0 : i32
      %dma_start3A_60 = tpu.memref_slice %arg9[%dma_start3A_58, %dma_start3A_59] : memref<128x16xf32, #tpu.memory_space<vmem>> -> memref<128x16xf32, #tpu.memory_space<vmem>>
      tpu.enqueue_dma source(%dma_start3A_60 : memref<128x16xf32, #tpu.memory_space<vmem>>) target(%dma_start3A_57 : memref<128x16xf32, #tpu.memory_space<hbm>>) target_semaphore(%run_scoped3A : memref<!tpu.dma_semaphore, #tpu.memory_space<semaphore_mem>>)
      %dma_wait3A = arith.constant 0 : i32
      %dma_wait3A_61 = arith.constant 0 : i32
      %dma_wait3A_62 = tpu.memref_slice %arg9[%dma_wait3A, %dma_wait3A_61] : memref<128x16xf32, #tpu.memory_space<vmem>> -> memref<128x16xf32, #tpu.memory_space<vmem>>
      %dma_wait3A_63 = arith.constant 0 : i32
      %dma_wait3A_64 = tpu.memref_slice %arg5[%arg0, %add3A_32, %dma_wait3A_63] : memref<2x10112x16xf32, #tpu.memory_space<hbm>> -> memref<1x128x16xf32, #tpu.memory_space<hbm>>
      %dma_wait3A_65 = tpu.memref_squeeze %dma_wait3A_64 : memref<1x128x16xf32, #tpu.memory_space<hbm>> -> memref<128x16xf32, #tpu.memory_space<hbm>>
      %dma_wait3A_66 = arith.constant 0 : i32
      %dma_wait3A_67 = tpu.memref_slice %arg5[%arg0, %add3A_32, %dma_wait3A_66] : memref<2x10112x16xf32, #tpu.memory_space<hbm>> -> memref<1x128x16xf32, #tpu.memory_space<hbm>>
      %dma_wait3A_68 = tpu.memref_squeeze %dma_wait3A_67 : memref<1x128x16xf32, #tpu.memory_space<hbm>> -> memref<128x16xf32, #tpu.memory_space<hbm>>
      %dma_wait3A_69 = arith.constant 0 : i32
      %dma_wait3A_70 = arith.constant 0 : i32
      %dma_wait3A_71 = tpu.memref_slice %arg9[%dma_wait3A_69, %dma_wait3A_70] : memref<128x16xf32, #tpu.memory_space<vmem>> -> memref<128x16xf32, #tpu.memory_space<vmem>>
      tpu.wait_dma2 semaphore(%run_scoped3A : memref<!tpu.dma_semaphore, #tpu.memory_space<semaphore_mem>>) src(%dma_wait3A_71 : memref<128x16xf32, #tpu.memory_space<vmem>>) dst(%dma_wait3A_68 : memref<128x16xf32, #tpu.memory_space<hbm>>)
      tpu.yield
    }) : () -> ()
    %add3A_33 = arith.constant 128 : i32
    %add3A_34 = arith.addi %mul3A_6, %add3A_33 : i32
    "tpu.region"() ({
      %run_scoped3A = tpu.sem_alloc : memref<!tpu.dma_semaphore, #tpu.memory_space<semaphore_mem>>
      %dma_start3A_49 = arith.constant 0 : i32
      %dma_start3A_50 = arith.constant 0 : i32
      %dma_start3A_51 = tpu.memref_slice %arg9[%dma_start3A_49, %dma_start3A_50] : memref<128x16xf32, #tpu.memory_space<vmem>> -> memref<128x16xf32, #tpu.memory_space<vmem>>
      %dma_start3A_52 = arith.constant 0 : i32
      %dma_start3A_53 = tpu.memref_slice %arg10[%add3A_34, %dma_start3A_52] : memref<10112x16xf32, #tpu.memory_space<vmem_shared>> -> memref<128x16xf32, #tpu.memory_space<vmem_shared>>
      %dma_start3A_54 = arith.constant 0 : i32
      %dma_start3A_55 = arith.constant 0 : i32
      %dma_start3A_56 = tpu.memref_slice %arg9[%dma_start3A_54, %dma_start3A_55] : memref<128x16xf32, #tpu.memory_space<vmem>> -> memref<128x16xf32, #tpu.memory_space<vmem>>
      %dma_start3A_57 = arith.constant 0 : i32
      %dma_start3A_58 = tpu.memref_slice %arg10[%add3A_34, %dma_start3A_57] : memref<10112x16xf32, #tpu.memory_space<vmem_shared>> -> memref<128x16xf32, #tpu.memory_space<vmem_shared>>
      tpu.enqueue_dma source(%dma_start3A_58 : memref<128x16xf32, #tpu.memory_space<vmem_shared>>) target(%dma_start3A_56 : memref<128x16xf32, #tpu.memory_space<vmem>>) target_semaphore(%run_scoped3A : memref<!tpu.dma_semaphore, #tpu.memory_space<semaphore_mem>>)
      %dma_wait3A = arith.constant 0 : i32
      %dma_wait3A_59 = arith.constant 0 : i32
      %dma_wait3A_60 = tpu.memref_slice %arg9[%dma_wait3A, %dma_wait3A_59] : memref<128x16xf32, #tpu.memory_space<vmem>> -> memref<128x16xf32, #tpu.memory_space<vmem>>
      %dma_wait3A_61 = arith.constant 0 : i32
      %dma_wait3A_62 = tpu.memref_slice %arg10[%add3A_34, %dma_wait3A_61] : memref<10112x16xf32, #tpu.memory_space<vmem_shared>> -> memref<128x16xf32, #tpu.memory_space<vmem_shared>>
      %dma_wait3A_63 = arith.constant 0 : i32
      %dma_wait3A_64 = arith.constant 0 : i32
      %dma_wait3A_65 = tpu.memref_slice %arg9[%dma_wait3A_63, %dma_wait3A_64] : memref<128x16xf32, #tpu.memory_space<vmem>> -> memref<128x16xf32, #tpu.memory_space<vmem>>
      %dma_wait3A_66 = arith.constant 0 : i32
      %dma_wait3A_67 = tpu.memref_slice %arg10[%add3A_34, %dma_wait3A_66] : memref<10112x16xf32, #tpu.memory_space<vmem_shared>> -> memref<128x16xf32, #tpu.memory_space<vmem_shared>>
      tpu.wait_dma2 semaphore(%run_scoped3A : memref<!tpu.dma_semaphore, #tpu.memory_space<semaphore_mem>>) src(%dma_wait3A_67 : memref<128x16xf32, #tpu.memory_space<vmem_shared>>) dst(%dma_wait3A_65 : memref<128x16xf32, #tpu.memory_space<vmem>>)
      tpu.yield
    }) : () -> ()
    %add3A_35 = arith.constant 128 : i32
    %add3A_36 = arith.addi %mul3A_6, %add3A_35 : i32
    "tpu.region"() ({
      %run_scoped3A = tpu.sem_alloc : memref<!tpu.dma_semaphore, #tpu.memory_space<semaphore_mem>>
      %dma_start3A_49 = arith.constant 0 : i32
      %dma_start3A_50 = arith.constant 0 : i32
      %dma_start3A_51 = tpu.memref_slice %arg9[%dma_start3A_49, %dma_start3A_50] : memref<128x16xf32, #tpu.memory_space<vmem>> -> memref<128x16xf32, #tpu.memory_space<vmem>>
      %dma_start3A_52 = arith.constant 0 : i32
      %dma_start3A_53 = tpu.memref_slice %arg5[%arg0, %add3A_36, %dma_start3A_52] : memref<2x10112x16xf32, #tpu.memory_space<hbm>> -> memref<1x128x16xf32, #tpu.memory_space<hbm>>
      %dma_start3A_54 = tpu.memref_squeeze %dma_start3A_53 : memref<1x128x16xf32, #tpu.memory_space<hbm>> -> memref<128x16xf32, #tpu.memory_space<hbm>>
      %dma_start3A_55 = arith.constant 0 : i32
      %dma_start3A_56 = tpu.memref_slice %arg5[%arg0, %add3A_36, %dma_start3A_55] : memref<2x10112x16xf32, #tpu.memory_space<hbm>> -> memref<1x128x16xf32, #tpu.memory_space<hbm>>
      %dma_start3A_57 = tpu.memref_squeeze %dma_start3A_56 : memref<1x128x16xf32, #tpu.memory_space<hbm>> -> memref<128x16xf32, #tpu.memory_space<hbm>>
      %dma_start3A_58 = arith.constant 0 : i32
      %dma_start3A_59 = arith.constant 0 : i32
      %dma_start3A_60 = tpu.memref_slice %arg9[%dma_start3A_58, %dma_start3A_59] : memref<128x16xf32, #tpu.memory_space<vmem>> -> memref<128x16xf32, #tpu.memory_space<vmem>>
      tpu.enqueue_dma source(%dma_start3A_60 : memref<128x16xf32, #tpu.memory_space<vmem>>) target(%dma_start3A_57 : memref<128x16xf32, #tpu.memory_space<hbm>>) target_semaphore(%run_scoped3A : memref<!tpu.dma_semaphore, #tpu.memory_space<semaphore_mem>>)
      %dma_wait3A = arith.constant 0 : i32
      %dma_wait3A_61 = arith.constant 0 : i32
      %dma_wait3A_62 = tpu.memref_slice %arg9[%dma_wait3A, %dma_wait3A_61] : memref<128x16xf32, #tpu.memory_space<vmem>> -> memref<128x16xf32, #tpu.memory_space<vmem>>
      %dma_wait3A_63 = arith.constant 0 : i32
      %dma_wait3A_64 = tpu.memref_slice %arg5[%arg0, %add3A_36, %dma_wait3A_63] : memref<2x10112x16xf32, #tpu.memory_space<hbm>> -> memref<1x128x16xf32, #tpu.memory_space<hbm>>
      %dma_wait3A_65 = tpu.memref_squeeze %dma_wait3A_64 : memref<1x128x16xf32, #tpu.memory_space<hbm>> -> memref<128x16xf32, #tpu.memory_space<hbm>>
      %dma_wait3A_66 = arith.constant 0 : i32
      %dma_wait3A_67 = tpu.memref_slice %arg5[%arg0, %add3A_36, %dma_wait3A_66] : memref<2x10112x16xf32, #tpu.memory_space<hbm>> -> memref<1x128x16xf32, #tpu.memory_space<hbm>>
      %dma_wait3A_68 = tpu.memref_squeeze %dma_wait3A_67 : memref<1x128x16xf32, #tpu.memory_space<hbm>> -> memref<128x16xf32, #tpu.memory_space<hbm>>
      %dma_wait3A_69 = arith.constant 0 : i32
      %dma_wait3A_70 = arith.constant 0 : i32
      %dma_wait3A_71 = tpu.memref_slice %arg9[%dma_wait3A_69, %dma_wait3A_70] : memref<128x16xf32, #tpu.memory_space<vmem>> -> memref<128x16xf32, #tpu.memory_space<vmem>>
      tpu.wait_dma2 semaphore(%run_scoped3A : memref<!tpu.dma_semaphore, #tpu.memory_space<semaphore_mem>>) src(%dma_wait3A_71 : memref<128x16xf32, #tpu.memory_space<vmem>>) dst(%dma_wait3A_68 : memref<128x16xf32, #tpu.memory_space<hbm>>)
      tpu.yield
    }) : () -> ()
    %add3A_37 = arith.constant 256 : i32
    %add3A_38 = arith.addi %mul3A_6, %add3A_37 : i32
    "tpu.region"() ({
      %run_scoped3A = tpu.sem_alloc : memref<!tpu.dma_semaphore, #tpu.memory_space<semaphore_mem>>
      %dma_start3A_49 = arith.constant 0 : i32
      %dma_start3A_50 = arith.constant 0 : i32
      %dma_start3A_51 = tpu.memref_slice %arg9[%dma_start3A_49, %dma_start3A_50] : memref<128x16xf32, #tpu.memory_space<vmem>> -> memref<128x16xf32, #tpu.memory_space<vmem>>
      %dma_start3A_52 = arith.constant 0 : i32
      %dma_start3A_53 = tpu.memref_slice %arg10[%add3A_38, %dma_start3A_52] : memref<10112x16xf32, #tpu.memory_space<vmem_shared>> -> memref<128x16xf32, #tpu.memory_space<vmem_shared>>
      %dma_start3A_54 = arith.constant 0 : i32
      %dma_start3A_55 = arith.constant 0 : i32
      %dma_start3A_56 = tpu.memref_slice %arg9[%dma_start3A_54, %dma_start3A_55] : memref<128x16xf32, #tpu.memory_space<vmem>> -> memref<128x16xf32, #tpu.memory_space<vmem>>
      %dma_start3A_57 = arith.constant 0 : i32
      %dma_start3A_58 = tpu.memref_slice %arg10[%add3A_38, %dma_start3A_57] : memref<10112x16xf32, #tpu.memory_space<vmem_shared>> -> memref<128x16xf32, #tpu.memory_space<vmem_shared>>
      tpu.enqueue_dma source(%dma_start3A_58 : memref<128x16xf32, #tpu.memory_space<vmem_shared>>) target(%dma_start3A_56 : memref<128x16xf32, #tpu.memory_space<vmem>>) target_semaphore(%run_scoped3A : memref<!tpu.dma_semaphore, #tpu.memory_space<semaphore_mem>>)
      %dma_wait3A = arith.constant 0 : i32
      %dma_wait3A_59 = arith.constant 0 : i32
      %dma_wait3A_60 = tpu.memref_slice %arg9[%dma_wait3A, %dma_wait3A_59] : memref<128x16xf32, #tpu.memory_space<vmem>> -> memref<128x16xf32, #tpu.memory_space<vmem>>
      %dma_wait3A_61 = arith.constant 0 : i32
      %dma_wait3A_62 = tpu.memref_slice %arg10[%add3A_38, %dma_wait3A_61] : memref<10112x16xf32, #tpu.memory_space<vmem_shared>> -> memref<128x16xf32, #tpu.memory_space<vmem_shared>>
      %dma_wait3A_63 = arith.constant 0 : i32
      %dma_wait3A_64 = arith.constant 0 : i32
      %dma_wait3A_65 = tpu.memref_slice %arg9[%dma_wait3A_63, %dma_wait3A_64] : memref<128x16xf32, #tpu.memory_space<vmem>> -> memref<128x16xf32, #tpu.memory_space<vmem>>
      %dma_wait3A_66 = arith.constant 0 : i32
      %dma_wait3A_67 = tpu.memref_slice %arg10[%add3A_38, %dma_wait3A_66] : memref<10112x16xf32, #tpu.memory_space<vmem_shared>> -> memref<128x16xf32, #tpu.memory_space<vmem_shared>>
      tpu.wait_dma2 semaphore(%run_scoped3A : memref<!tpu.dma_semaphore, #tpu.memory_space<semaphore_mem>>) src(%dma_wait3A_67 : memref<128x16xf32, #tpu.memory_space<vmem_shared>>) dst(%dma_wait3A_65 : memref<128x16xf32, #tpu.memory_space<vmem>>)
      tpu.yield
    }) : () -> ()
    %add3A_39 = arith.constant 256 : i32
    %add3A_40 = arith.addi %mul3A_6, %add3A_39 : i32
    "tpu.region"() ({
      %run_scoped3A = tpu.sem_alloc : memref<!tpu.dma_semaphore, #tpu.memory_space<semaphore_mem>>
      %dma_start3A_49 = arith.constant 0 : i32
      %dma_start3A_50 = arith.constant 0 : i32
      %dma_start3A_51 = tpu.memref_slice %arg9[%dma_start3A_49, %dma_start3A_50] : memref<128x16xf32, #tpu.memory_space<vmem>> -> memref<128x16xf32, #tpu.memory_space<vmem>>
      %dma_start3A_52 = arith.constant 0 : i32
      %dma_start3A_53 = tpu.memref_slice %arg5[%arg0, %add3A_40, %dma_start3A_52] : memref<2x10112x16xf32, #tpu.memory_space<hbm>> -> memref<1x128x16xf32, #tpu.memory_space<hbm>>
      %dma_start3A_54 = tpu.memref_squeeze %dma_start3A_53 : memref<1x128x16xf32, #tpu.memory_space<hbm>> -> memref<128x16xf32, #tpu.memory_space<hbm>>
      %dma_start3A_55 = arith.constant 0 : i32
      %dma_start3A_56 = tpu.memref_slice %arg5[%arg0, %add3A_40, %dma_start3A_55] : memref<2x10112x16xf32, #tpu.memory_space<hbm>> -> memref<1x128x16xf32, #tpu.memory_space<hbm>>
      %dma_start3A_57 = tpu.memref_squeeze %dma_start3A_56 : memref<1x128x16xf32, #tpu.memory_space<hbm>> -> memref<128x16xf32, #tpu.memory_space<hbm>>
      %dma_start3A_58 = arith.constant 0 : i32
      %dma_start3A_59 = arith.constant 0 : i32
      %dma_start3A_60 = tpu.memref_slice %arg9[%dma_start3A_58, %dma_start3A_59] : memref<128x16xf32, #tpu.memory_space<vmem>> -> memref<128x16xf32, #tpu.memory_space<vmem>>
      tpu.enqueue_dma source(%dma_start3A_60 : memref<128x16xf32, #tpu.memory_space<vmem>>) target(%dma_start3A_57 : memref<128x16xf32, #tpu.memory_space<hbm>>) target_semaphore(%run_scoped3A : memref<!tpu.dma_semaphore, #tpu.memory_space<semaphore_mem>>)
      %dma_wait3A = arith.constant 0 : i32
      %dma_wait3A_61 = arith.constant 0 : i32
      %dma_wait3A_62 = tpu.memref_slice %arg9[%dma_wait3A, %dma_wait3A_61] : memref<128x16xf32, #tpu.memory_space<vmem>> -> memref<128x16xf32, #tpu.memory_space<vmem>>
      %dma_wait3A_63 = arith.constant 0 : i32
      %dma_wait3A_64 = tpu.memref_slice %arg5[%arg0, %add3A_40, %dma_wait3A_63] : memref<2x10112x16xf32, #tpu.memory_space<hbm>> -> memref<1x128x16xf32, #tpu.memory_space<hbm>>
      %dma_wait3A_65 = tpu.memref_squeeze %dma_wait3A_64 : memref<1x128x16xf32, #tpu.memory_space<hbm>> -> memref<128x16xf32, #tpu.memory_space<hbm>>
      %dma_wait3A_66 = arith.constant 0 : i32
      %dma_wait3A_67 = tpu.memref_slice %arg5[%arg0, %add3A_40, %dma_wait3A_66] : memref<2x10112x16xf32, #tpu.memory_space<hbm>> -> memref<1x128x16xf32, #tpu.memory_space<hbm>>
      %dma_wait3A_68 = tpu.memref_squeeze %dma_wait3A_67 : memref<1x128x16xf32, #tpu.memory_space<hbm>> -> memref<128x16xf32, #tpu.memory_space<hbm>>
      %dma_wait3A_69 = arith.constant 0 : i32
      %dma_wait3A_70 = arith.constant 0 : i32
      %dma_wait3A_71 = tpu.memref_slice %arg9[%dma_wait3A_69, %dma_wait3A_70] : memref<128x16xf32, #tpu.memory_space<vmem>> -> memref<128x16xf32, #tpu.memory_space<vmem>>
      tpu.wait_dma2 semaphore(%run_scoped3A : memref<!tpu.dma_semaphore, #tpu.memory_space<semaphore_mem>>) src(%dma_wait3A_71 : memref<128x16xf32, #tpu.memory_space<vmem>>) dst(%dma_wait3A_68 : memref<128x16xf32, #tpu.memory_space<hbm>>)
      tpu.yield
    }) : () -> ()
    %add3A_41 = arith.constant 384 : i32
    %add3A_42 = arith.addi %mul3A_6, %add3A_41 : i32
    "tpu.region"() ({
      %run_scoped3A = tpu.sem_alloc : memref<!tpu.dma_semaphore, #tpu.memory_space<semaphore_mem>>
      %dma_start3A_49 = arith.constant 0 : i32
      %dma_start3A_50 = arith.constant 0 : i32
      %dma_start3A_51 = tpu.memref_slice %arg9[%dma_start3A_49, %dma_start3A_50] : memref<128x16xf32, #tpu.memory_space<vmem>> -> memref<128x16xf32, #tpu.memory_space<vmem>>
      %dma_start3A_52 = arith.constant 0 : i32
      %dma_start3A_53 = tpu.memref_slice %arg10[%add3A_42, %dma_start3A_52] : memref<10112x16xf32, #tpu.memory_space<vmem_shared>> -> memref<128x16xf32, #tpu.memory_space<vmem_shared>>
      %dma_start3A_54 = arith.constant 0 : i32
      %dma_start3A_55 = arith.constant 0 : i32
      %dma_start3A_56 = tpu.memref_slice %arg9[%dma_start3A_54, %dma_start3A_55] : memref<128x16xf32, #tpu.memory_space<vmem>> -> memref<128x16xf32, #tpu.memory_space<vmem>>
      %dma_start3A_57 = arith.constant 0 : i32
      %dma_start3A_58 = tpu.memref_slice %arg10[%add3A_42, %dma_start3A_57] : memref<10112x16xf32, #tpu.memory_space<vmem_shared>> -> memref<128x16xf32, #tpu.memory_space<vmem_shared>>
      tpu.enqueue_dma source(%dma_start3A_58 : memref<128x16xf32, #tpu.memory_space<vmem_shared>>) target(%dma_start3A_56 : memref<128x16xf32, #tpu.memory_space<vmem>>) target_semaphore(%run_scoped3A : memref<!tpu.dma_semaphore, #tpu.memory_space<semaphore_mem>>)
      %dma_wait3A = arith.constant 0 : i32
      %dma_wait3A_59 = arith.constant 0 : i32
      %dma_wait3A_60 = tpu.memref_slice %arg9[%dma_wait3A, %dma_wait3A_59] : memref<128x16xf32, #tpu.memory_space<vmem>> -> memref<128x16xf32, #tpu.memory_space<vmem>>
      %dma_wait3A_61 = arith.constant 0 : i32
      %dma_wait3A_62 = tpu.memref_slice %arg10[%add3A_42, %dma_wait3A_61] : memref<10112x16xf32, #tpu.memory_space<vmem_shared>> -> memref<128x16xf32, #tpu.memory_space<vmem_shared>>
      %dma_wait3A_63 = arith.constant 0 : i32
      %dma_wait3A_64 = arith.constant 0 : i32
      %dma_wait3A_65 = tpu.memref_slice %arg9[%dma_wait3A_63, %dma_wait3A_64] : memref<128x16xf32, #tpu.memory_space<vmem>> -> memref<128x16xf32, #tpu.memory_space<vmem>>
      %dma_wait3A_66 = arith.constant 0 : i32
      %dma_wait3A_67 = tpu.memref_slice %arg10[%add3A_42, %dma_wait3A_66] : memref<10112x16xf32, #tpu.memory_space<vmem_shared>> -> memref<128x16xf32, #tpu.memory_space<vmem_shared>>
      tpu.wait_dma2 semaphore(%run_scoped3A : memref<!tpu.dma_semaphore, #tpu.memory_space<semaphore_mem>>) src(%dma_wait3A_67 : memref<128x16xf32, #tpu.memory_space<vmem_shared>>) dst(%dma_wait3A_65 : memref<128x16xf32, #tpu.memory_space<vmem>>)
      tpu.yield
    }) : () -> ()
    %add3A_43 = arith.constant 384 : i32
    %add3A_44 = arith.addi %mul3A_6, %add3A_43 : i32
    "tpu.region"() ({
      %run_scoped3A = tpu.sem_alloc : memref<!tpu.dma_semaphore, #tpu.memory_space<semaphore_mem>>
      %dma_start3A_49 = arith.constant 0 : i32
      %dma_start3A_50 = arith.constant 0 : i32
      %dma_start3A_51 = tpu.memref_slice %arg9[%dma_start3A_49, %dma_start3A_50] : memref<128x16xf32, #tpu.memory_space<vmem>> -> memref<128x16xf32, #tpu.memory_space<vmem>>
      %dma_start3A_52 = arith.constant 0 : i32
      %dma_start3A_53 = tpu.memref_slice %arg5[%arg0, %add3A_44, %dma_start3A_52] : memref<2x10112x16xf32, #tpu.memory_space<hbm>> -> memref<1x128x16xf32, #tpu.memory_space<hbm>>
      %dma_start3A_54 = tpu.memref_squeeze %dma_start3A_53 : memref<1x128x16xf32, #tpu.memory_space<hbm>> -> memref<128x16xf32, #tpu.memory_space<hbm>>
      %dma_start3A_55 = arith.constant 0 : i32
      %dma_start3A_56 = tpu.memref_slice %arg5[%arg0, %add3A_44, %dma_start3A_55] : memref<2x10112x16xf32, #tpu.memory_space<hbm>> -> memref<1x128x16xf32, #tpu.memory_space<hbm>>
      %dma_start3A_57 = tpu.memref_squeeze %dma_start3A_56 : memref<1x128x16xf32, #tpu.memory_space<hbm>> -> memref<128x16xf32, #tpu.memory_space<hbm>>
      %dma_start3A_58 = arith.constant 0 : i32
      %dma_start3A_59 = arith.constant 0 : i32
      %dma_start3A_60 = tpu.memref_slice %arg9[%dma_start3A_58, %dma_start3A_59] : memref<128x16xf32, #tpu.memory_space<vmem>> -> memref<128x16xf32, #tpu.memory_space<vmem>>
      tpu.enqueue_dma source(%dma_start3A_60 : memref<128x16xf32, #tpu.memory_space<vmem>>) target(%dma_start3A_57 : memref<128x16xf32, #tpu.memory_space<hbm>>) target_semaphore(%run_scoped3A : memref<!tpu.dma_semaphore, #tpu.memory_space<semaphore_mem>>)
      %dma_wait3A = arith.constant 0 : i32
      %dma_wait3A_61 = arith.constant 0 : i32
      %dma_wait3A_62 = tpu.memref_slice %arg9[%dma_wait3A, %dma_wait3A_61] : memref<128x16xf32, #tpu.memory_space<vmem>> -> memref<128x16xf32, #tpu.memory_space<vmem>>
      %dma_wait3A_63 = arith.constant 0 : i32
      %dma_wait3A_64 = tpu.memref_slice %arg5[%arg0, %add3A_44, %dma_wait3A_63] : memref<2x10112x16xf32, #tpu.memory_space<hbm>> -> memref<1x128x16xf32, #tpu.memory_space<hbm>>
      %dma_wait3A_65 = tpu.memref_squeeze %dma_wait3A_64 : memref<1x128x16xf32, #tpu.memory_space<hbm>> -> memref<128x16xf32, #tpu.memory_space<hbm>>
      %dma_wait3A_66 = arith.constant 0 : i32
      %dma_wait3A_67 = tpu.memref_slice %arg5[%arg0, %add3A_44, %dma_wait3A_66] : memref<2x10112x16xf32, #tpu.memory_space<hbm>> -> memref<1x128x16xf32, #tpu.memory_space<hbm>>
      %dma_wait3A_68 = tpu.memref_squeeze %dma_wait3A_67 : memref<1x128x16xf32, #tpu.memory_space<hbm>> -> memref<128x16xf32, #tpu.memory_space<hbm>>
      %dma_wait3A_69 = arith.constant 0 : i32
      %dma_wait3A_70 = arith.constant 0 : i32
      %dma_wait3A_71 = tpu.memref_slice %arg9[%dma_wait3A_69, %dma_wait3A_70] : memref<128x16xf32, #tpu.memory_space<vmem>> -> memref<128x16xf32, #tpu.memory_space<vmem>>
      tpu.wait_dma2 semaphore(%run_scoped3A : memref<!tpu.dma_semaphore, #tpu.memory_space<semaphore_mem>>) src(%dma_wait3A_71 : memref<128x16xf32, #tpu.memory_space<vmem>>) dst(%dma_wait3A_68 : memref<128x16xf32, #tpu.memory_space<hbm>>)
      tpu.yield
    }) : () -> ()
    %add3A_45 = arith.constant 512 : i32
    %add3A_46 = arith.addi %mul3A_6, %add3A_45 : i32
    "tpu.region"() ({
      %run_scoped3A = tpu.sem_alloc : memref<!tpu.dma_semaphore, #tpu.memory_space<semaphore_mem>>
      %dma_start3A_49 = arith.constant 0 : i32
      %dma_start3A_50 = arith.constant 0 : i32
      %dma_start3A_51 = tpu.memref_slice %arg9[%dma_start3A_49, %dma_start3A_50] : memref<128x16xf32, #tpu.memory_space<vmem>> -> memref<120x16xf32, #tpu.memory_space<vmem>>
      %dma_start3A_52 = arith.constant 0 : i32
      %dma_start3A_53 = tpu.memref_slice %arg10[%add3A_46, %dma_start3A_52] : memref<10112x16xf32, #tpu.memory_space<vmem_shared>> -> memref<120x16xf32, #tpu.memory_space<vmem_shared>>
      %dma_start3A_54 = arith.constant 0 : i32
      %dma_start3A_55 = arith.constant 0 : i32
      %dma_start3A_56 = tpu.memref_slice %arg9[%dma_start3A_54, %dma_start3A_55] : memref<128x16xf32, #tpu.memory_space<vmem>> -> memref<120x16xf32, #tpu.memory_space<vmem>>
      %dma_start3A_57 = arith.constant 0 : i32
      %dma_start3A_58 = tpu.memref_slice %arg10[%add3A_46, %dma_start3A_57] : memref<10112x16xf32, #tpu.memory_space<vmem_shared>> -> memref<120x16xf32, #tpu.memory_space<vmem_shared>>
      tpu.enqueue_dma source(%dma_start3A_58 : memref<120x16xf32, #tpu.memory_space<vmem_shared>>) target(%dma_start3A_56 : memref<120x16xf32, #tpu.memory_space<vmem>>) target_semaphore(%run_scoped3A : memref<!tpu.dma_semaphore, #tpu.memory_space<semaphore_mem>>)
      %dma_wait3A = arith.constant 0 : i32
      %dma_wait3A_59 = arith.constant 0 : i32
      %dma_wait3A_60 = tpu.memref_slice %arg9[%dma_wait3A, %dma_wait3A_59] : memref<128x16xf32, #tpu.memory_space<vmem>> -> memref<120x16xf32, #tpu.memory_space<vmem>>
      %dma_wait3A_61 = arith.constant 0 : i32
      %dma_wait3A_62 = tpu.memref_slice %arg10[%add3A_46, %dma_wait3A_61] : memref<10112x16xf32, #tpu.memory_space<vmem_shared>> -> memref<120x16xf32, #tpu.memory_space<vmem_shared>>
      %dma_wait3A_63 = arith.constant 0 : i32
      %dma_wait3A_64 = arith.constant 0 : i32
      %dma_wait3A_65 = tpu.memref_slice %arg9[%dma_wait3A_63, %dma_wait3A_64] : memref<128x16xf32, #tpu.memory_space<vmem>> -> memref<120x16xf32, #tpu.memory_space<vmem>>
      %dma_wait3A_66 = arith.constant 0 : i32
      %dma_wait3A_67 = tpu.memref_slice %arg10[%add3A_46, %dma_wait3A_66] : memref<10112x16xf32, #tpu.memory_space<vmem_shared>> -> memref<120x16xf32, #tpu.memory_space<vmem_shared>>
      tpu.wait_dma2 semaphore(%run_scoped3A : memref<!tpu.dma_semaphore, #tpu.memory_space<semaphore_mem>>) src(%dma_wait3A_67 : memref<120x16xf32, #tpu.memory_space<vmem_shared>>) dst(%dma_wait3A_65 : memref<120x16xf32, #tpu.memory_space<vmem>>)
      tpu.yield
    }) : () -> ()
    %add3A_47 = arith.constant 512 : i32
    %add3A_48 = arith.addi %mul3A_6, %add3A_47 : i32
    "tpu.region"() ({
      %run_scoped3A = tpu.sem_alloc : memref<!tpu.dma_semaphore, #tpu.memory_space<semaphore_mem>>
      %dma_start3A_49 = arith.constant 0 : i32
      %dma_start3A_50 = arith.constant 0 : i32
      %dma_start3A_51 = tpu.memref_slice %arg9[%dma_start3A_49, %dma_start3A_50] : memref<128x16xf32, #tpu.memory_space<vmem>> -> memref<120x16xf32, #tpu.memory_space<vmem>>
      %dma_start3A_52 = arith.constant 0 : i32
      %dma_start3A_53 = tpu.memref_slice %arg5[%arg0, %add3A_48, %dma_start3A_52] : memref<2x10112x16xf32, #tpu.memory_space<hbm>> -> memref<1x120x16xf32, #tpu.memory_space<hbm>>
      %dma_start3A_54 = tpu.memref_squeeze %dma_start3A_53 : memref<1x120x16xf32, #tpu.memory_space<hbm>> -> memref<120x16xf32, #tpu.memory_space<hbm>>
      %dma_start3A_55 = arith.constant 0 : i32
      %dma_start3A_56 = tpu.memref_slice %arg5[%arg0, %add3A_48, %dma_start3A_55] : memref<2x10112x16xf32, #tpu.memory_space<hbm>> -> memref<1x120x16xf32, #tpu.memory_space<hbm>>
      %dma_start3A_57 = tpu.memref_squeeze %dma_start3A_56 : memref<1x120x16xf32, #tpu.memory_space<hbm>> -> memref<120x16xf32, #tpu.memory_space<hbm>>
      %dma_start3A_58 = arith.constant 0 : i32
      %dma_start3A_59 = arith.constant 0 : i32
      %dma_start3A_60 = tpu.memref_slice %arg9[%dma_start3A_58, %dma_start3A_59] : memref<128x16xf32, #tpu.memory_space<vmem>> -> memref<120x16xf32, #tpu.memory_space<vmem>>
      tpu.enqueue_dma source(%dma_start3A_60 : memref<120x16xf32, #tpu.memory_space<vmem>>) target(%dma_start3A_57 : memref<120x16xf32, #tpu.memory_space<hbm>>) target_semaphore(%run_scoped3A : memref<!tpu.dma_semaphore, #tpu.memory_space<semaphore_mem>>)
      %dma_wait3A = arith.constant 0 : i32
      %dma_wait3A_61 = arith.constant 0 : i32
      %dma_wait3A_62 = tpu.memref_slice %arg9[%dma_wait3A, %dma_wait3A_61] : memref<128x16xf32, #tpu.memory_space<vmem>> -> memref<120x16xf32, #tpu.memory_space<vmem>>
      %dma_wait3A_63 = arith.constant 0 : i32
      %dma_wait3A_64 = tpu.memref_slice %arg5[%arg0, %add3A_48, %dma_wait3A_63] : memref<2x10112x16xf32, #tpu.memory_space<hbm>> -> memref<1x120x16xf32, #tpu.memory_space<hbm>>
      %dma_wait3A_65 = tpu.memref_squeeze %dma_wait3A_64 : memref<1x120x16xf32, #tpu.memory_space<hbm>> -> memref<120x16xf32, #tpu.memory_space<hbm>>
      %dma_wait3A_66 = arith.constant 0 : i32
      %dma_wait3A_67 = tpu.memref_slice %arg5[%arg0, %add3A_48, %dma_wait3A_66] : memref<2x10112x16xf32, #tpu.memory_space<hbm>> -> memref<1x120x16xf32, #tpu.memory_space<hbm>>
      %dma_wait3A_68 = tpu.memref_squeeze %dma_wait3A_67 : memref<1x120x16xf32, #tpu.memory_space<hbm>> -> memref<120x16xf32, #tpu.memory_space<hbm>>
      %dma_wait3A_69 = arith.constant 0 : i32
      %dma_wait3A_70 = arith.constant 0 : i32
      %dma_wait3A_71 = tpu.memref_slice %arg9[%dma_wait3A_69, %dma_wait3A_70] : memref<128x16xf32, #tpu.memory_space<vmem>> -> memref<120x16xf32, #tpu.memory_space<vmem>>
      tpu.wait_dma2 semaphore(%run_scoped3A : memref<!tpu.dma_semaphore, #tpu.memory_space<semaphore_mem>>) src(%dma_wait3A_71 : memref<120x16xf32, #tpu.memory_space<vmem>>) dst(%dma_wait3A_68 : memref<120x16xf32, #tpu.memory_space<hbm>>)
      tpu.yield
    }) : () -> ()
    return
  }
}

#map = affine_map<(d0, d1) -> (0)>
#map1 = affine_map<(d0, d1) -> (0, 0)>
#map2 = affine_map<(d0, d1) -> (0, 0, 0)>
module attributes {stable_mosaic.version = 14 : i64} {
  func.func @prop(%arg0: i32, %arg1: i32, %arg2: memref<327680xi32, #tpu.memory_space<hbm>>, %arg3: memref<327680xi32, #tpu.memory_space<hbm>>, %arg4: memref<10000x128xf32, #tpu.memory_space<hbm>>, %arg5: memref<128x128xf32, #tpu.memory_space<hbm>>, %arg6: memref<2x10112x128xf32, #tpu.memory_space<hbm>>, %arg7: memref<128xi32, #tpu.memory_space<vmem>>, %arg8: memref<128xi32, #tpu.memory_space<vmem>>, %arg9: memref<128xi32, #tpu.memory_space<vmem>>, %arg10: memref<128xi32, #tpu.memory_space<vmem>>, %arg11: memref<128x128xf32, #tpu.memory_space<vmem>>, %arg12: memref<128x128xf32, #tpu.memory_space<vmem>>, %arg13: memref<10112x128xf32, #tpu.memory_space<vmem_shared>>, %arg14: memref<!tpu.dma_semaphore, #tpu.memory_space<semaphore_mem>>, %arg15: memref<!tpu.dma_semaphore, #tpu.memory_space<semaphore_mem>>, %arg16: memref<!tpu.dma_semaphore, #tpu.memory_space<semaphore_mem>>, %arg17: memref<!tpu.dma_semaphore, #tpu.memory_space<semaphore_mem>>, %arg18: memref<!tpu.dma_semaphore, #tpu.memory_space<semaphore_mem>>, %arg19: memref<!tpu.dma_semaphore, #tpu.memory_space<semaphore_mem>>) attributes {dimension_semantics = [#tpu.dimension_semantics<core_parallel>, #tpu.dimension_semantics<subcore_parallel>], iteration_bounds = array<i64: 2, 16>, scalar_prefetch = 0 : i64, scratch_operands = 13 : i64, tpu.core_type = #tpu.core_type<sc_vector_subcore>, window_params = [{transform_indices = #map}, {transform_indices = #map}, {transform_indices = #map1}, {transform_indices = #map1}, {transform_indices = #map2}]} {
    %mul3A = arith.constant 2 : i32
    %mul3A_0 = arith.muli %arg1, %mul3A : i32
    %add3A = arith.addi %mul3A_0, %arg0 : i32
    %mul3A_1 = arith.constant 80 : i32
    %mul3A_2 = arith.muli %add3A, %mul3A_1 : i32
    %mul3A_3 = arith.constant 128 : i32
    %mul3A_4 = arith.muli %mul3A_2, %mul3A_3 : i32
    "tpu.region"() ({
      %run_scoped3A = tpu.sem_alloc : memref<!tpu.dma_semaphore, #tpu.memory_space<semaphore_mem>>
      tpu.enqueue_dma source(%arg5 : memref<128x128xf32, #tpu.memory_space<hbm>>) target(%arg11 : memref<128x128xf32, #tpu.memory_space<vmem>>) target_semaphore(%run_scoped3A : memref<!tpu.dma_semaphore, #tpu.memory_space<semaphore_mem>>)
      tpu.wait_dma2 semaphore(%run_scoped3A : memref<!tpu.dma_semaphore, #tpu.memory_space<semaphore_mem>>) src(%arg5 : memref<128x128xf32, #tpu.memory_space<hbm>>) dst(%arg11 : memref<128x128xf32, #tpu.memory_space<vmem>>)
      tpu.yield
    }) : () -> ()
    %mul3A_5 = arith.constant 632 : i32
    %mul3A_6 = arith.muli %arg1, %mul3A_5 : i32
    %add3A_7 = arith.constant 0 : i32
    %add3A_8 = arith.addi %mul3A_6, %add3A_7 : i32
    "tpu.region"() ({
      %run_scoped3A = tpu.sem_alloc : memref<!tpu.dma_semaphore, #tpu.memory_space<semaphore_mem>>
      %dma_start3A_55 = arith.constant 0 : i32
      %dma_start3A_56 = arith.constant 0 : i32
      %dma_start3A_57 = tpu.memref_slice %arg11[%dma_start3A_55, %dma_start3A_56] : memref<128x128xf32, #tpu.memory_space<vmem>> -> memref<128x128xf32, #tpu.memory_space<vmem>>
      %dma_start3A_58 = arith.constant 0 : i32
      %dma_start3A_59 = tpu.memref_slice %arg13[%add3A_8, %dma_start3A_58] : memref<10112x128xf32, #tpu.memory_space<vmem_shared>> -> memref<128x128xf32, #tpu.memory_space<vmem_shared>>
      %dma_start3A_60 = arith.constant 0 : i32
      %dma_start3A_61 = tpu.memref_slice %arg13[%add3A_8, %dma_start3A_60] : memref<10112x128xf32, #tpu.memory_space<vmem_shared>> -> memref<128x128xf32, #tpu.memory_space<vmem_shared>>
      %dma_start3A_62 = arith.constant 0 : i32
      %dma_start3A_63 = arith.constant 0 : i32
      %dma_start3A_64 = tpu.memref_slice %arg11[%dma_start3A_62, %dma_start3A_63] : memref<128x128xf32, #tpu.memory_space<vmem>> -> memref<128x128xf32, #tpu.memory_space<vmem>>
      tpu.enqueue_dma source(%dma_start3A_64 : memref<128x128xf32, #tpu.memory_space<vmem>>) target(%dma_start3A_61 : memref<128x128xf32, #tpu.memory_space<vmem_shared>>) target_semaphore(%run_scoped3A : memref<!tpu.dma_semaphore, #tpu.memory_space<semaphore_mem>>)
      %dma_wait3A = arith.constant 0 : i32
      %dma_wait3A_65 = arith.constant 0 : i32
      %dma_wait3A_66 = tpu.memref_slice %arg11[%dma_wait3A, %dma_wait3A_65] : memref<128x128xf32, #tpu.memory_space<vmem>> -> memref<128x128xf32, #tpu.memory_space<vmem>>
      %dma_wait3A_67 = arith.constant 0 : i32
      %dma_wait3A_68 = tpu.memref_slice %arg13[%add3A_8, %dma_wait3A_67] : memref<10112x128xf32, #tpu.memory_space<vmem_shared>> -> memref<128x128xf32, #tpu.memory_space<vmem_shared>>
      %dma_wait3A_69 = arith.constant 0 : i32
      %dma_wait3A_70 = tpu.memref_slice %arg13[%add3A_8, %dma_wait3A_69] : memref<10112x128xf32, #tpu.memory_space<vmem_shared>> -> memref<128x128xf32, #tpu.memory_space<vmem_shared>>
      %dma_wait3A_71 = arith.constant 0 : i32
      %dma_wait3A_72 = arith.constant 0 : i32
      %dma_wait3A_73 = tpu.memref_slice %arg11[%dma_wait3A_71, %dma_wait3A_72] : memref<128x128xf32, #tpu.memory_space<vmem>> -> memref<128x128xf32, #tpu.memory_space<vmem>>
      tpu.wait_dma2 semaphore(%run_scoped3A : memref<!tpu.dma_semaphore, #tpu.memory_space<semaphore_mem>>) src(%dma_wait3A_73 : memref<128x128xf32, #tpu.memory_space<vmem>>) dst(%dma_wait3A_70 : memref<128x128xf32, #tpu.memory_space<vmem_shared>>)
      tpu.yield
    }) : () -> ()
    %add3A_9 = arith.constant 128 : i32
    %add3A_10 = arith.addi %mul3A_6, %add3A_9 : i32
    "tpu.region"() ({
      %run_scoped3A = tpu.sem_alloc : memref<!tpu.dma_semaphore, #tpu.memory_space<semaphore_mem>>
      %dma_start3A_55 = arith.constant 0 : i32
      %dma_start3A_56 = arith.constant 0 : i32
      %dma_start3A_57 = tpu.memref_slice %arg11[%dma_start3A_55, %dma_start3A_56] : memref<128x128xf32, #tpu.memory_space<vmem>> -> memref<128x128xf32, #tpu.memory_space<vmem>>
      %dma_start3A_58 = arith.constant 0 : i32
      %dma_start3A_59 = tpu.memref_slice %arg13[%add3A_10, %dma_start3A_58] : memref<10112x128xf32, #tpu.memory_space<vmem_shared>> -> memref<128x128xf32, #tpu.memory_space<vmem_shared>>
      %dma_start3A_60 = arith.constant 0 : i32
      %dma_start3A_61 = tpu.memref_slice %arg13[%add3A_10, %dma_start3A_60] : memref<10112x128xf32, #tpu.memory_space<vmem_shared>> -> memref<128x128xf32, #tpu.memory_space<vmem_shared>>
      %dma_start3A_62 = arith.constant 0 : i32
      %dma_start3A_63 = arith.constant 0 : i32
      %dma_start3A_64 = tpu.memref_slice %arg11[%dma_start3A_62, %dma_start3A_63] : memref<128x128xf32, #tpu.memory_space<vmem>> -> memref<128x128xf32, #tpu.memory_space<vmem>>
      tpu.enqueue_dma source(%dma_start3A_64 : memref<128x128xf32, #tpu.memory_space<vmem>>) target(%dma_start3A_61 : memref<128x128xf32, #tpu.memory_space<vmem_shared>>) target_semaphore(%run_scoped3A : memref<!tpu.dma_semaphore, #tpu.memory_space<semaphore_mem>>)
      %dma_wait3A = arith.constant 0 : i32
      %dma_wait3A_65 = arith.constant 0 : i32
      %dma_wait3A_66 = tpu.memref_slice %arg11[%dma_wait3A, %dma_wait3A_65] : memref<128x128xf32, #tpu.memory_space<vmem>> -> memref<128x128xf32, #tpu.memory_space<vmem>>
      %dma_wait3A_67 = arith.constant 0 : i32
      %dma_wait3A_68 = tpu.memref_slice %arg13[%add3A_10, %dma_wait3A_67] : memref<10112x128xf32, #tpu.memory_space<vmem_shared>> -> memref<128x128xf32, #tpu.memory_space<vmem_shared>>
      %dma_wait3A_69 = arith.constant 0 : i32
      %dma_wait3A_70 = tpu.memref_slice %arg13[%add3A_10, %dma_wait3A_69] : memref<10112x128xf32, #tpu.memory_space<vmem_shared>> -> memref<128x128xf32, #tpu.memory_space<vmem_shared>>
      %dma_wait3A_71 = arith.constant 0 : i32
      %dma_wait3A_72 = arith.constant 0 : i32
      %dma_wait3A_73 = tpu.memref_slice %arg11[%dma_wait3A_71, %dma_wait3A_72] : memref<128x128xf32, #tpu.memory_space<vmem>> -> memref<128x128xf32, #tpu.memory_space<vmem>>
      tpu.wait_dma2 semaphore(%run_scoped3A : memref<!tpu.dma_semaphore, #tpu.memory_space<semaphore_mem>>) src(%dma_wait3A_73 : memref<128x128xf32, #tpu.memory_space<vmem>>) dst(%dma_wait3A_70 : memref<128x128xf32, #tpu.memory_space<vmem_shared>>)
      tpu.yield
    }) : () -> ()
    %add3A_11 = arith.constant 256 : i32
    %add3A_12 = arith.addi %mul3A_6, %add3A_11 : i32
    "tpu.region"() ({
      %run_scoped3A = tpu.sem_alloc : memref<!tpu.dma_semaphore, #tpu.memory_space<semaphore_mem>>
      %dma_start3A_55 = arith.constant 0 : i32
      %dma_start3A_56 = arith.constant 0 : i32
      %dma_start3A_57 = tpu.memref_slice %arg11[%dma_start3A_55, %dma_start3A_56] : memref<128x128xf32, #tpu.memory_space<vmem>> -> memref<128x128xf32, #tpu.memory_space<vmem>>
      %dma_start3A_58 = arith.constant 0 : i32
      %dma_start3A_59 = tpu.memref_slice %arg13[%add3A_12, %dma_start3A_58] : memref<10112x128xf32, #tpu.memory_space<vmem_shared>> -> memref<128x128xf32, #tpu.memory_space<vmem_shared>>
      %dma_start3A_60 = arith.constant 0 : i32
      %dma_start3A_61 = tpu.memref_slice %arg13[%add3A_12, %dma_start3A_60] : memref<10112x128xf32, #tpu.memory_space<vmem_shared>> -> memref<128x128xf32, #tpu.memory_space<vmem_shared>>
      %dma_start3A_62 = arith.constant 0 : i32
      %dma_start3A_63 = arith.constant 0 : i32
      %dma_start3A_64 = tpu.memref_slice %arg11[%dma_start3A_62, %dma_start3A_63] : memref<128x128xf32, #tpu.memory_space<vmem>> -> memref<128x128xf32, #tpu.memory_space<vmem>>
      tpu.enqueue_dma source(%dma_start3A_64 : memref<128x128xf32, #tpu.memory_space<vmem>>) target(%dma_start3A_61 : memref<128x128xf32, #tpu.memory_space<vmem_shared>>) target_semaphore(%run_scoped3A : memref<!tpu.dma_semaphore, #tpu.memory_space<semaphore_mem>>)
      %dma_wait3A = arith.constant 0 : i32
      %dma_wait3A_65 = arith.constant 0 : i32
      %dma_wait3A_66 = tpu.memref_slice %arg11[%dma_wait3A, %dma_wait3A_65] : memref<128x128xf32, #tpu.memory_space<vmem>> -> memref<128x128xf32, #tpu.memory_space<vmem>>
      %dma_wait3A_67 = arith.constant 0 : i32
      %dma_wait3A_68 = tpu.memref_slice %arg13[%add3A_12, %dma_wait3A_67] : memref<10112x128xf32, #tpu.memory_space<vmem_shared>> -> memref<128x128xf32, #tpu.memory_space<vmem_shared>>
      %dma_wait3A_69 = arith.constant 0 : i32
      %dma_wait3A_70 = tpu.memref_slice %arg13[%add3A_12, %dma_wait3A_69] : memref<10112x128xf32, #tpu.memory_space<vmem_shared>> -> memref<128x128xf32, #tpu.memory_space<vmem_shared>>
      %dma_wait3A_71 = arith.constant 0 : i32
      %dma_wait3A_72 = arith.constant 0 : i32
      %dma_wait3A_73 = tpu.memref_slice %arg11[%dma_wait3A_71, %dma_wait3A_72] : memref<128x128xf32, #tpu.memory_space<vmem>> -> memref<128x128xf32, #tpu.memory_space<vmem>>
      tpu.wait_dma2 semaphore(%run_scoped3A : memref<!tpu.dma_semaphore, #tpu.memory_space<semaphore_mem>>) src(%dma_wait3A_73 : memref<128x128xf32, #tpu.memory_space<vmem>>) dst(%dma_wait3A_70 : memref<128x128xf32, #tpu.memory_space<vmem_shared>>)
      tpu.yield
    }) : () -> ()
    %add3A_13 = arith.constant 384 : i32
    %add3A_14 = arith.addi %mul3A_6, %add3A_13 : i32
    "tpu.region"() ({
      %run_scoped3A = tpu.sem_alloc : memref<!tpu.dma_semaphore, #tpu.memory_space<semaphore_mem>>
      %dma_start3A_55 = arith.constant 0 : i32
      %dma_start3A_56 = arith.constant 0 : i32
      %dma_start3A_57 = tpu.memref_slice %arg11[%dma_start3A_55, %dma_start3A_56] : memref<128x128xf32, #tpu.memory_space<vmem>> -> memref<128x128xf32, #tpu.memory_space<vmem>>
      %dma_start3A_58 = arith.constant 0 : i32
      %dma_start3A_59 = tpu.memref_slice %arg13[%add3A_14, %dma_start3A_58] : memref<10112x128xf32, #tpu.memory_space<vmem_shared>> -> memref<128x128xf32, #tpu.memory_space<vmem_shared>>
      %dma_start3A_60 = arith.constant 0 : i32
      %dma_start3A_61 = tpu.memref_slice %arg13[%add3A_14, %dma_start3A_60] : memref<10112x128xf32, #tpu.memory_space<vmem_shared>> -> memref<128x128xf32, #tpu.memory_space<vmem_shared>>
      %dma_start3A_62 = arith.constant 0 : i32
      %dma_start3A_63 = arith.constant 0 : i32
      %dma_start3A_64 = tpu.memref_slice %arg11[%dma_start3A_62, %dma_start3A_63] : memref<128x128xf32, #tpu.memory_space<vmem>> -> memref<128x128xf32, #tpu.memory_space<vmem>>
      tpu.enqueue_dma source(%dma_start3A_64 : memref<128x128xf32, #tpu.memory_space<vmem>>) target(%dma_start3A_61 : memref<128x128xf32, #tpu.memory_space<vmem_shared>>) target_semaphore(%run_scoped3A : memref<!tpu.dma_semaphore, #tpu.memory_space<semaphore_mem>>)
      %dma_wait3A = arith.constant 0 : i32
      %dma_wait3A_65 = arith.constant 0 : i32
      %dma_wait3A_66 = tpu.memref_slice %arg11[%dma_wait3A, %dma_wait3A_65] : memref<128x128xf32, #tpu.memory_space<vmem>> -> memref<128x128xf32, #tpu.memory_space<vmem>>
      %dma_wait3A_67 = arith.constant 0 : i32
      %dma_wait3A_68 = tpu.memref_slice %arg13[%add3A_14, %dma_wait3A_67] : memref<10112x128xf32, #tpu.memory_space<vmem_shared>> -> memref<128x128xf32, #tpu.memory_space<vmem_shared>>
      %dma_wait3A_69 = arith.constant 0 : i32
      %dma_wait3A_70 = tpu.memref_slice %arg13[%add3A_14, %dma_wait3A_69] : memref<10112x128xf32, #tpu.memory_space<vmem_shared>> -> memref<128x128xf32, #tpu.memory_space<vmem_shared>>
      %dma_wait3A_71 = arith.constant 0 : i32
      %dma_wait3A_72 = arith.constant 0 : i32
      %dma_wait3A_73 = tpu.memref_slice %arg11[%dma_wait3A_71, %dma_wait3A_72] : memref<128x128xf32, #tpu.memory_space<vmem>> -> memref<128x128xf32, #tpu.memory_space<vmem>>
      tpu.wait_dma2 semaphore(%run_scoped3A : memref<!tpu.dma_semaphore, #tpu.memory_space<semaphore_mem>>) src(%dma_wait3A_73 : memref<128x128xf32, #tpu.memory_space<vmem>>) dst(%dma_wait3A_70 : memref<128x128xf32, #tpu.memory_space<vmem_shared>>)
      tpu.yield
    }) : () -> ()
    %add3A_15 = arith.constant 512 : i32
    %add3A_16 = arith.addi %mul3A_6, %add3A_15 : i32
    "tpu.region"() ({
      %run_scoped3A = tpu.sem_alloc : memref<!tpu.dma_semaphore, #tpu.memory_space<semaphore_mem>>
      %dma_start3A_55 = arith.constant 0 : i32
      %dma_start3A_56 = arith.constant 0 : i32
      %dma_start3A_57 = tpu.memref_slice %arg11[%dma_start3A_55, %dma_start3A_56] : memref<128x128xf32, #tpu.memory_space<vmem>> -> memref<120x128xf32, #tpu.memory_space<vmem>>
      %dma_start3A_58 = arith.constant 0 : i32
      %dma_start3A_59 = tpu.memref_slice %arg13[%add3A_16, %dma_start3A_58] : memref<10112x128xf32, #tpu.memory_space<vmem_shared>> -> memref<120x128xf32, #tpu.memory_space<vmem_shared>>
      %dma_start3A_60 = arith.constant 0 : i32
      %dma_start3A_61 = tpu.memref_slice %arg13[%add3A_16, %dma_start3A_60] : memref<10112x128xf32, #tpu.memory_space<vmem_shared>> -> memref<120x128xf32, #tpu.memory_space<vmem_shared>>
      %dma_start3A_62 = arith.constant 0 : i32
      %dma_start3A_63 = arith.constant 0 : i32
      %dma_start3A_64 = tpu.memref_slice %arg11[%dma_start3A_62, %dma_start3A_63] : memref<128x128xf32, #tpu.memory_space<vmem>> -> memref<120x128xf32, #tpu.memory_space<vmem>>
      tpu.enqueue_dma source(%dma_start3A_64 : memref<120x128xf32, #tpu.memory_space<vmem>>) target(%dma_start3A_61 : memref<120x128xf32, #tpu.memory_space<vmem_shared>>) target_semaphore(%run_scoped3A : memref<!tpu.dma_semaphore, #tpu.memory_space<semaphore_mem>>)
      %dma_wait3A = arith.constant 0 : i32
      %dma_wait3A_65 = arith.constant 0 : i32
      %dma_wait3A_66 = tpu.memref_slice %arg11[%dma_wait3A, %dma_wait3A_65] : memref<128x128xf32, #tpu.memory_space<vmem>> -> memref<120x128xf32, #tpu.memory_space<vmem>>
      %dma_wait3A_67 = arith.constant 0 : i32
      %dma_wait3A_68 = tpu.memref_slice %arg13[%add3A_16, %dma_wait3A_67] : memref<10112x128xf32, #tpu.memory_space<vmem_shared>> -> memref<120x128xf32, #tpu.memory_space<vmem_shared>>
      %dma_wait3A_69 = arith.constant 0 : i32
      %dma_wait3A_70 = tpu.memref_slice %arg13[%add3A_16, %dma_wait3A_69] : memref<10112x128xf32, #tpu.memory_space<vmem_shared>> -> memref<120x128xf32, #tpu.memory_space<vmem_shared>>
      %dma_wait3A_71 = arith.constant 0 : i32
      %dma_wait3A_72 = arith.constant 0 : i32
      %dma_wait3A_73 = tpu.memref_slice %arg11[%dma_wait3A_71, %dma_wait3A_72] : memref<128x128xf32, #tpu.memory_space<vmem>> -> memref<120x128xf32, #tpu.memory_space<vmem>>
      tpu.wait_dma2 semaphore(%run_scoped3A : memref<!tpu.dma_semaphore, #tpu.memory_space<semaphore_mem>>) src(%dma_wait3A_73 : memref<120x128xf32, #tpu.memory_space<vmem>>) dst(%dma_wait3A_70 : memref<120x128xf32, #tpu.memory_space<vmem_shared>>)
      tpu.yield
    }) : () -> ()
    %barrier3A = arith.constant 0 : index
    tpu.barrier barrier_id(%barrier3A)
    "tpu.region"() ({
      %run_scoped3A = tpu.sem_alloc : memref<!tpu.dma_semaphore, #tpu.memory_space<semaphore_mem>>
      %dma_start3A_55 = tpu.memref_slice %arg2[%mul3A_4] : memref<327680xi32, #tpu.memory_space<hbm>> -> memref<128xi32, #tpu.memory_space<hbm>>
      %dma_start3A_56 = tpu.memref_slice %arg2[%mul3A_4] : memref<327680xi32, #tpu.memory_space<hbm>> -> memref<128xi32, #tpu.memory_space<hbm>>
      tpu.enqueue_dma source(%dma_start3A_56 : memref<128xi32, #tpu.memory_space<hbm>>) target(%arg7 : memref<128xi32, #tpu.memory_space<vmem>>) target_semaphore(%run_scoped3A : memref<!tpu.dma_semaphore, #tpu.memory_space<semaphore_mem>>)
      %dma_wait3A = tpu.memref_slice %arg2[%mul3A_4] : memref<327680xi32, #tpu.memory_space<hbm>> -> memref<128xi32, #tpu.memory_space<hbm>>
      %dma_wait3A_57 = tpu.memref_slice %arg2[%mul3A_4] : memref<327680xi32, #tpu.memory_space<hbm>> -> memref<128xi32, #tpu.memory_space<hbm>>
      tpu.wait_dma2 semaphore(%run_scoped3A : memref<!tpu.dma_semaphore, #tpu.memory_space<semaphore_mem>>) src(%dma_wait3A_57 : memref<128xi32, #tpu.memory_space<hbm>>) dst(%arg7 : memref<128xi32, #tpu.memory_space<vmem>>)
      tpu.yield
    }) : () -> ()
    %dma_start3A = tpu.memref_slice %arg3[%mul3A_4] : memref<327680xi32, #tpu.memory_space<hbm>> -> memref<128xi32, #tpu.memory_space<hbm>>
    %dma_start3A_17 = tpu.memref_slice %arg3[%mul3A_4] : memref<327680xi32, #tpu.memory_space<hbm>> -> memref<128xi32, #tpu.memory_space<hbm>>
    tpu.enqueue_dma source(%dma_start3A_17 : memref<128xi32, #tpu.memory_space<hbm>>) target(%arg9 : memref<128xi32, #tpu.memory_space<vmem>>) target_semaphore(%arg18 : memref<!tpu.dma_semaphore, #tpu.memory_space<semaphore_mem>>)
    %dma_start3A_18 = arith.constant 0 : i32
    %dma_start3A_19 = arith.constant 0 : i32
    %dma_start3A_20 = tpu.memref_slice %arg4[%dma_start3A_18, %dma_start3A_19] : memref<10000x128xf32, #tpu.memory_space<hbm>> -> memref<10000x128xf32, #tpu.memory_space<hbm>>
    tpu.enqueue_indirect_dma source(%dma_start3A_20 : memref<10000x128xf32, #tpu.memory_space<hbm>>) target(%arg11 : memref<128x128xf32, #tpu.memory_space<vmem>>) offsets(%arg7 : memref<128xi32, #tpu.memory_space<vmem>>) semaphore(%arg14 : memref<!tpu.dma_semaphore, #tpu.memory_space<semaphore_mem>>)
    %add3A_21 = arith.constant 128 : i32
    %add3A_22 = arith.addi %mul3A_4, %add3A_21 : i32
    %dma_start3A_23 = tpu.memref_slice %arg2[%add3A_22] : memref<327680xi32, #tpu.memory_space<hbm>> -> memref<128xi32, #tpu.memory_space<hbm>>
    %dma_start3A_24 = tpu.memref_slice %arg2[%add3A_22] : memref<327680xi32, #tpu.memory_space<hbm>> -> memref<128xi32, #tpu.memory_space<hbm>>
    tpu.enqueue_dma source(%dma_start3A_24 : memref<128xi32, #tpu.memory_space<hbm>>) target(%arg8 : memref<128xi32, #tpu.memory_space<vmem>>) target_semaphore(%arg17 : memref<!tpu.dma_semaphore, #tpu.memory_space<semaphore_mem>>)
    %add3A_25 = arith.constant 128 : i32
    %add3A_26 = arith.addi %mul3A_4, %add3A_25 : i32
    %dma_start3A_27 = tpu.memref_slice %arg3[%add3A_26] : memref<327680xi32, #tpu.memory_space<hbm>> -> memref<128xi32, #tpu.memory_space<hbm>>
    %dma_start3A_28 = tpu.memref_slice %arg3[%add3A_26] : memref<327680xi32, #tpu.memory_space<hbm>> -> memref<128xi32, #tpu.memory_space<hbm>>
    tpu.enqueue_dma source(%dma_start3A_28 : memref<128xi32, #tpu.memory_space<hbm>>) target(%arg10 : memref<128xi32, #tpu.memory_space<vmem>>) target_semaphore(%arg19 : memref<!tpu.dma_semaphore, #tpu.memory_space<semaphore_mem>>)
    %scan3A = arith.constant 0 : i32
    %scan3A_29 = arith.constant 0 : i32
    %scan3A_30 = arith.constant 40 : i32
    %scan3A_31 = arith.addi %scan3A_29, %scan3A_30 : i32
    %scan3A_32 = arith.constant 1 : i32
    scf.for %scan3A_55 = %scan3A_29 to %scan3A_31 step %scan3A_32  : i32 {
      %mul3A_56 = arith.constant 2 : i32
      %mul3A_57 = arith.muli %mul3A_56, %scan3A_55 : i32
      %dma_wait3A = tpu.memref_slice %arg2[%mul3A_4] : memref<327680xi32, #tpu.memory_space<hbm>> -> memref<128xi32, #tpu.memory_space<hbm>>
      %dma_wait3A_58 = tpu.memref_slice %arg2[%mul3A_4] : memref<327680xi32, #tpu.memory_space<hbm>> -> memref<128xi32, #tpu.memory_space<hbm>>
      tpu.wait_dma2 semaphore(%arg17 : memref<!tpu.dma_semaphore, #tpu.memory_space<semaphore_mem>>) src(%dma_wait3A_58 : memref<128xi32, #tpu.memory_space<hbm>>) dst(%arg8 : memref<128xi32, #tpu.memory_space<vmem>>)
      %dma_start3A_59 = arith.constant 0 : i32
      %dma_start3A_60 = arith.constant 0 : i32
      %dma_start3A_61 = tpu.memref_slice %arg4[%dma_start3A_59, %dma_start3A_60] : memref<10000x128xf32, #tpu.memory_space<hbm>> -> memref<10000x128xf32, #tpu.memory_space<hbm>>
      tpu.enqueue_indirect_dma source(%dma_start3A_61 : memref<10000x128xf32, #tpu.memory_space<hbm>>) target(%arg12 : memref<128x128xf32, #tpu.memory_space<vmem>>) offsets(%arg8 : memref<128xi32, #tpu.memory_space<vmem>>) semaphore(%arg15 : memref<!tpu.dma_semaphore, #tpu.memory_space<semaphore_mem>>)
      %dma_wait3A_62 = arith.constant 0 : i32
      %dma_wait3A_63 = arith.constant 0 : i32
      %dma_wait3A_64 = tpu.memref_slice %arg4[%dma_wait3A_62, %dma_wait3A_63] : memref<10000x128xf32, #tpu.memory_space<hbm>> -> memref<10000x128xf32, #tpu.memory_space<hbm>>
      tpu.wait_indirect_dma semaphore(%arg14 : memref<!tpu.dma_semaphore, #tpu.memory_space<semaphore_mem>>) src(%dma_wait3A_64 : memref<10000x128xf32, #tpu.memory_space<hbm>>) dst(%arg11 : memref<128x128xf32, #tpu.memory_space<vmem>>)
      %add3A_65 = arith.constant 2 : i32
      %add3A_66 = arith.addi %mul3A_57, %add3A_65 : i32
      %lt3A = arith.constant 80 : i32
      %lt3A_67 = arith.cmpi slt, %add3A_66, %lt3A : i32
      %convert_element_type3A = arith.extui %lt3A_67 : i1 to i32
      %cond3A = arith.constant 0 : i32
      %cond3A_68 = arith.cmpi ne, %convert_element_type3A, %cond3A : i32
      scf.if %cond3A_68 {
        %add3A_97 = arith.constant 2 : i32
        %add3A_98 = arith.addi %mul3A_57, %add3A_97 : i32
        %mul3A_99 = arith.constant 128 : i32
        %mul3A_100 = arith.muli %add3A_98, %mul3A_99 : i32
        %add3A_101 = arith.addi %mul3A_4, %mul3A_100 : i32
        %dma_start3A_102 = tpu.memref_slice %arg2[%add3A_101] : memref<327680xi32, #tpu.memory_space<hbm>> -> memref<128xi32, #tpu.memory_space<hbm>>
        %dma_start3A_103 = tpu.memref_slice %arg2[%add3A_101] : memref<327680xi32, #tpu.memory_space<hbm>> -> memref<128xi32, #tpu.memory_space<hbm>>
        tpu.enqueue_dma source(%dma_start3A_103 : memref<128xi32, #tpu.memory_space<hbm>>) target(%arg7 : memref<128xi32, #tpu.memory_space<vmem>>) target_semaphore(%arg16 : memref<!tpu.dma_semaphore, #tpu.memory_space<semaphore_mem>>)
      } else {
      }
      %dma_wait3A_69 = tpu.memref_slice %arg3[%mul3A_4] : memref<327680xi32, #tpu.memory_space<hbm>> -> memref<128xi32, #tpu.memory_space<hbm>>
      %dma_wait3A_70 = tpu.memref_slice %arg3[%mul3A_4] : memref<327680xi32, #tpu.memory_space<hbm>> -> memref<128xi32, #tpu.memory_space<hbm>>
      tpu.wait_dma2 semaphore(%arg18 : memref<!tpu.dma_semaphore, #tpu.memory_space<semaphore_mem>>) src(%dma_wait3A_70 : memref<128xi32, #tpu.memory_space<hbm>>) dst(%arg9 : memref<128xi32, #tpu.memory_space<vmem>>)
      "tpu.region"() ({
        %run_scoped3A = tpu.sem_alloc : memref<!tpu.dma_semaphore, #tpu.memory_space<semaphore_mem>>
        %dma_start3A_97 = arith.constant 0 : i32
        %dma_start3A_98 = arith.constant 0 : i32
        %dma_start3A_99 = tpu.memref_slice %arg13[%dma_start3A_97, %dma_start3A_98] : memref<10112x128xf32, #tpu.memory_space<vmem_shared>> -> memref<10112x128xf32, #tpu.memory_space<vmem_shared>>
        tpu.enqueue_indirect_dma source(%arg11 : memref<128x128xf32, #tpu.memory_space<vmem>>) target(%dma_start3A_99 : memref<10112x128xf32, #tpu.memory_space<vmem_shared>>) offsets(%arg9 : memref<128xi32, #tpu.memory_space<vmem>>) semaphore(%run_scoped3A : memref<!tpu.dma_semaphore, #tpu.memory_space<semaphore_mem>>) {add = true}
        %dma_wait3A_100 = arith.constant 0 : i32
        %dma_wait3A_101 = arith.constant 0 : i32
        %dma_wait3A_102 = tpu.memref_slice %arg13[%dma_wait3A_100, %dma_wait3A_101] : memref<10112x128xf32, #tpu.memory_space<vmem_shared>> -> memref<10112x128xf32, #tpu.memory_space<vmem_shared>>
        tpu.wait_indirect_dma semaphore(%run_scoped3A : memref<!tpu.dma_semaphore, #tpu.memory_space<semaphore_mem>>) src(%arg11 : memref<128x128xf32, #tpu.memory_space<vmem>>) dst(%dma_wait3A_102 : memref<10112x128xf32, #tpu.memory_space<vmem_shared>>)
        tpu.yield
      }) : () -> ()
      %add3A_71 = arith.constant 2 : i32
      %add3A_72 = arith.addi %mul3A_57, %add3A_71 : i32
      %lt3A_73 = arith.constant 80 : i32
      %lt3A_74 = arith.cmpi slt, %add3A_72, %lt3A_73 : i32
      %convert_element_type3A_75 = arith.extui %lt3A_74 : i1 to i32
      %cond3A_76 = arith.constant 0 : i32
      %cond3A_77 = arith.cmpi ne, %convert_element_type3A_75, %cond3A_76 : i32
      scf.if %cond3A_77 {
        %add3A_97 = arith.constant 2 : i32
        %add3A_98 = arith.addi %mul3A_57, %add3A_97 : i32
        %mul3A_99 = arith.constant 128 : i32
        %mul3A_100 = arith.muli %add3A_98, %mul3A_99 : i32
        %add3A_101 = arith.addi %mul3A_4, %mul3A_100 : i32
        %dma_start3A_102 = tpu.memref_slice %arg3[%add3A_101] : memref<327680xi32, #tpu.memory_space<hbm>> -> memref<128xi32, #tpu.memory_space<hbm>>
        %dma_start3A_103 = tpu.memref_slice %arg3[%add3A_101] : memref<327680xi32, #tpu.memory_space<hbm>> -> memref<128xi32, #tpu.memory_space<hbm>>
        tpu.enqueue_dma source(%dma_start3A_103 : memref<128xi32, #tpu.memory_space<hbm>>) target(%arg9 : memref<128xi32, #tpu.memory_space<vmem>>) target_semaphore(%arg18 : memref<!tpu.dma_semaphore, #tpu.memory_space<semaphore_mem>>)
      } else {
      }
      %dma_wait3A_78 = arith.constant 0 : i32
      %dma_wait3A_79 = arith.constant 0 : i32
      %dma_wait3A_80 = tpu.memref_slice %arg4[%dma_wait3A_78, %dma_wait3A_79] : memref<10000x128xf32, #tpu.memory_space<hbm>> -> memref<10000x128xf32, #tpu.memory_space<hbm>>
      tpu.wait_indirect_dma semaphore(%arg15 : memref<!tpu.dma_semaphore, #tpu.memory_space<semaphore_mem>>) src(%dma_wait3A_80 : memref<10000x128xf32, #tpu.memory_space<hbm>>) dst(%arg12 : memref<128x128xf32, #tpu.memory_space<vmem>>)
      %add3A_81 = arith.constant 2 : i32
      %add3A_82 = arith.addi %mul3A_57, %add3A_81 : i32
      %lt3A_83 = arith.constant 80 : i32
      %lt3A_84 = arith.cmpi slt, %add3A_82, %lt3A_83 : i32
      %convert_element_type3A_85 = arith.extui %lt3A_84 : i1 to i32
      %cond3A_86 = arith.constant 0 : i32
      %cond3A_87 = arith.cmpi ne, %convert_element_type3A_85, %cond3A_86 : i32
      scf.if %cond3A_87 {
        %dma_wait3A_97 = tpu.memref_slice %arg2[%mul3A_4] : memref<327680xi32, #tpu.memory_space<hbm>> -> memref<128xi32, #tpu.memory_space<hbm>>
        %dma_wait3A_98 = tpu.memref_slice %arg2[%mul3A_4] : memref<327680xi32, #tpu.memory_space<hbm>> -> memref<128xi32, #tpu.memory_space<hbm>>
        tpu.wait_dma2 semaphore(%arg16 : memref<!tpu.dma_semaphore, #tpu.memory_space<semaphore_mem>>) src(%dma_wait3A_98 : memref<128xi32, #tpu.memory_space<hbm>>) dst(%arg7 : memref<128xi32, #tpu.memory_space<vmem>>)
        %dma_start3A_99 = arith.constant 0 : i32
        %dma_start3A_100 = arith.constant 0 : i32
        %dma_start3A_101 = tpu.memref_slice %arg4[%dma_start3A_99, %dma_start3A_100] : memref<10000x128xf32, #tpu.memory_space<hbm>> -> memref<10000x128xf32, #tpu.memory_space<hbm>>
        tpu.enqueue_indirect_dma source(%dma_start3A_101 : memref<10000x128xf32, #tpu.memory_space<hbm>>) target(%arg11 : memref<128x128xf32, #tpu.memory_space<vmem>>) offsets(%arg7 : memref<128xi32, #tpu.memory_space<vmem>>) semaphore(%arg14 : memref<!tpu.dma_semaphore, #tpu.memory_space<semaphore_mem>>)
      } else {
      }
      %dma_wait3A_88 = tpu.memref_slice %arg3[%mul3A_4] : memref<327680xi32, #tpu.memory_space<hbm>> -> memref<128xi32, #tpu.memory_space<hbm>>
      %dma_wait3A_89 = tpu.memref_slice %arg3[%mul3A_4] : memref<327680xi32, #tpu.memory_space<hbm>> -> memref<128xi32, #tpu.memory_space<hbm>>
      tpu.wait_dma2 semaphore(%arg19 : memref<!tpu.dma_semaphore, #tpu.memory_space<semaphore_mem>>) src(%dma_wait3A_89 : memref<128xi32, #tpu.memory_space<hbm>>) dst(%arg10 : memref<128xi32, #tpu.memory_space<vmem>>)
      "tpu.region"() ({
        %run_scoped3A = tpu.sem_alloc : memref<!tpu.dma_semaphore, #tpu.memory_space<semaphore_mem>>
        %dma_start3A_97 = arith.constant 0 : i32
        %dma_start3A_98 = arith.constant 0 : i32
        %dma_start3A_99 = tpu.memref_slice %arg13[%dma_start3A_97, %dma_start3A_98] : memref<10112x128xf32, #tpu.memory_space<vmem_shared>> -> memref<10112x128xf32, #tpu.memory_space<vmem_shared>>
        tpu.enqueue_indirect_dma source(%arg12 : memref<128x128xf32, #tpu.memory_space<vmem>>) target(%dma_start3A_99 : memref<10112x128xf32, #tpu.memory_space<vmem_shared>>) offsets(%arg10 : memref<128xi32, #tpu.memory_space<vmem>>) semaphore(%run_scoped3A : memref<!tpu.dma_semaphore, #tpu.memory_space<semaphore_mem>>) {add = true}
        %dma_wait3A_100 = arith.constant 0 : i32
        %dma_wait3A_101 = arith.constant 0 : i32
        %dma_wait3A_102 = tpu.memref_slice %arg13[%dma_wait3A_100, %dma_wait3A_101] : memref<10112x128xf32, #tpu.memory_space<vmem_shared>> -> memref<10112x128xf32, #tpu.memory_space<vmem_shared>>
        tpu.wait_indirect_dma semaphore(%run_scoped3A : memref<!tpu.dma_semaphore, #tpu.memory_space<semaphore_mem>>) src(%arg12 : memref<128x128xf32, #tpu.memory_space<vmem>>) dst(%dma_wait3A_102 : memref<10112x128xf32, #tpu.memory_space<vmem_shared>>)
        tpu.yield
      }) : () -> ()
      %add3A_90 = arith.constant 3 : i32
      %add3A_91 = arith.addi %mul3A_57, %add3A_90 : i32
      %lt3A_92 = arith.constant 80 : i32
      %lt3A_93 = arith.cmpi slt, %add3A_91, %lt3A_92 : i32
      %convert_element_type3A_94 = arith.extui %lt3A_93 : i1 to i32
      %cond3A_95 = arith.constant 0 : i32
      %cond3A_96 = arith.cmpi ne, %convert_element_type3A_94, %cond3A_95 : i32
      scf.if %cond3A_96 {
        %add3A_97 = arith.constant 3 : i32
        %add3A_98 = arith.addi %mul3A_57, %add3A_97 : i32
        %mul3A_99 = arith.constant 128 : i32
        %mul3A_100 = arith.muli %add3A_98, %mul3A_99 : i32
        %add3A_101 = arith.addi %mul3A_4, %mul3A_100 : i32
        %dma_start3A_102 = tpu.memref_slice %arg2[%add3A_101] : memref<327680xi32, #tpu.memory_space<hbm>> -> memref<128xi32, #tpu.memory_space<hbm>>
        %dma_start3A_103 = tpu.memref_slice %arg2[%add3A_101] : memref<327680xi32, #tpu.memory_space<hbm>> -> memref<128xi32, #tpu.memory_space<hbm>>
        tpu.enqueue_dma source(%dma_start3A_103 : memref<128xi32, #tpu.memory_space<hbm>>) target(%arg8 : memref<128xi32, #tpu.memory_space<vmem>>) target_semaphore(%arg17 : memref<!tpu.dma_semaphore, #tpu.memory_space<semaphore_mem>>)
        %add3A_104 = arith.constant 3 : i32
        %add3A_105 = arith.addi %mul3A_57, %add3A_104 : i32
        %mul3A_106 = arith.constant 128 : i32
        %mul3A_107 = arith.muli %add3A_105, %mul3A_106 : i32
        %add3A_108 = arith.addi %mul3A_4, %mul3A_107 : i32
        %dma_start3A_109 = tpu.memref_slice %arg3[%add3A_108] : memref<327680xi32, #tpu.memory_space<hbm>> -> memref<128xi32, #tpu.memory_space<hbm>>
        %dma_start3A_110 = tpu.memref_slice %arg3[%add3A_108] : memref<327680xi32, #tpu.memory_space<hbm>> -> memref<128xi32, #tpu.memory_space<hbm>>
        tpu.enqueue_dma source(%dma_start3A_110 : memref<128xi32, #tpu.memory_space<hbm>>) target(%arg10 : memref<128xi32, #tpu.memory_space<vmem>>) target_semaphore(%arg19 : memref<!tpu.dma_semaphore, #tpu.memory_space<semaphore_mem>>)
      } else {
      }
    }
    %scan3A_33 = arith.constant 40 : i32
    %barrier3A_34 = arith.constant 0 : index
    tpu.barrier barrier_id(%barrier3A_34)
    %add3A_35 = arith.constant 0 : i32
    %add3A_36 = arith.addi %mul3A_6, %add3A_35 : i32
    "tpu.region"() ({
      %run_scoped3A = tpu.sem_alloc : memref<!tpu.dma_semaphore, #tpu.memory_space<semaphore_mem>>
      %dma_start3A_55 = arith.constant 0 : i32
      %dma_start3A_56 = arith.constant 0 : i32
      %dma_start3A_57 = tpu.memref_slice %arg11[%dma_start3A_55, %dma_start3A_56] : memref<128x128xf32, #tpu.memory_space<vmem>> -> memref<128x128xf32, #tpu.memory_space<vmem>>
      %dma_start3A_58 = arith.constant 0 : i32
      %dma_start3A_59 = tpu.memref_slice %arg13[%add3A_36, %dma_start3A_58] : memref<10112x128xf32, #tpu.memory_space<vmem_shared>> -> memref<128x128xf32, #tpu.memory_space<vmem_shared>>
      %dma_start3A_60 = arith.constant 0 : i32
      %dma_start3A_61 = arith.constant 0 : i32
      %dma_start3A_62 = tpu.memref_slice %arg11[%dma_start3A_60, %dma_start3A_61] : memref<128x128xf32, #tpu.memory_space<vmem>> -> memref<128x128xf32, #tpu.memory_space<vmem>>
      %dma_start3A_63 = arith.constant 0 : i32
      %dma_start3A_64 = tpu.memref_slice %arg13[%add3A_36, %dma_start3A_63] : memref<10112x128xf32, #tpu.memory_space<vmem_shared>> -> memref<128x128xf32, #tpu.memory_space<vmem_shared>>
      tpu.enqueue_dma source(%dma_start3A_64 : memref<128x128xf32, #tpu.memory_space<vmem_shared>>) target(%dma_start3A_62 : memref<128x128xf32, #tpu.memory_space<vmem>>) target_semaphore(%run_scoped3A : memref<!tpu.dma_semaphore, #tpu.memory_space<semaphore_mem>>)
      %dma_wait3A = arith.constant 0 : i32
      %dma_wait3A_65 = arith.constant 0 : i32
      %dma_wait3A_66 = tpu.memref_slice %arg11[%dma_wait3A, %dma_wait3A_65] : memref<128x128xf32, #tpu.memory_space<vmem>> -> memref<128x128xf32, #tpu.memory_space<vmem>>
      %dma_wait3A_67 = arith.constant 0 : i32
      %dma_wait3A_68 = tpu.memref_slice %arg13[%add3A_36, %dma_wait3A_67] : memref<10112x128xf32, #tpu.memory_space<vmem_shared>> -> memref<128x128xf32, #tpu.memory_space<vmem_shared>>
      %dma_wait3A_69 = arith.constant 0 : i32
      %dma_wait3A_70 = arith.constant 0 : i32
      %dma_wait3A_71 = tpu.memref_slice %arg11[%dma_wait3A_69, %dma_wait3A_70] : memref<128x128xf32, #tpu.memory_space<vmem>> -> memref<128x128xf32, #tpu.memory_space<vmem>>
      %dma_wait3A_72 = arith.constant 0 : i32
      %dma_wait3A_73 = tpu.memref_slice %arg13[%add3A_36, %dma_wait3A_72] : memref<10112x128xf32, #tpu.memory_space<vmem_shared>> -> memref<128x128xf32, #tpu.memory_space<vmem_shared>>
      tpu.wait_dma2 semaphore(%run_scoped3A : memref<!tpu.dma_semaphore, #tpu.memory_space<semaphore_mem>>) src(%dma_wait3A_73 : memref<128x128xf32, #tpu.memory_space<vmem_shared>>) dst(%dma_wait3A_71 : memref<128x128xf32, #tpu.memory_space<vmem>>)
      tpu.yield
    }) : () -> ()
    %add3A_37 = arith.constant 0 : i32
    %add3A_38 = arith.addi %mul3A_6, %add3A_37 : i32
    "tpu.region"() ({
      %run_scoped3A = tpu.sem_alloc : memref<!tpu.dma_semaphore, #tpu.memory_space<semaphore_mem>>
      %dma_start3A_55 = arith.constant 0 : i32
      %dma_start3A_56 = arith.constant 0 : i32
      %dma_start3A_57 = tpu.memref_slice %arg11[%dma_start3A_55, %dma_start3A_56] : memref<128x128xf32, #tpu.memory_space<vmem>> -> memref<128x128xf32, #tpu.memory_space<vmem>>
      %dma_start3A_58 = arith.constant 0 : i32
      %dma_start3A_59 = tpu.memref_slice %arg6[%arg0, %add3A_38, %dma_start3A_58] : memref<2x10112x128xf32, #tpu.memory_space<hbm>> -> memref<1x128x128xf32, #tpu.memory_space<hbm>>
      %dma_start3A_60 = tpu.memref_squeeze %dma_start3A_59 : memref<1x128x128xf32, #tpu.memory_space<hbm>> -> memref<128x128xf32, #tpu.memory_space<hbm>>
      %dma_start3A_61 = arith.constant 0 : i32
      %dma_start3A_62 = tpu.memref_slice %arg6[%arg0, %add3A_38, %dma_start3A_61] : memref<2x10112x128xf32, #tpu.memory_space<hbm>> -> memref<1x128x128xf32, #tpu.memory_space<hbm>>
      %dma_start3A_63 = tpu.memref_squeeze %dma_start3A_62 : memref<1x128x128xf32, #tpu.memory_space<hbm>> -> memref<128x128xf32, #tpu.memory_space<hbm>>
      %dma_start3A_64 = arith.constant 0 : i32
      %dma_start3A_65 = arith.constant 0 : i32
      %dma_start3A_66 = tpu.memref_slice %arg11[%dma_start3A_64, %dma_start3A_65] : memref<128x128xf32, #tpu.memory_space<vmem>> -> memref<128x128xf32, #tpu.memory_space<vmem>>
      tpu.enqueue_dma source(%dma_start3A_66 : memref<128x128xf32, #tpu.memory_space<vmem>>) target(%dma_start3A_63 : memref<128x128xf32, #tpu.memory_space<hbm>>) target_semaphore(%run_scoped3A : memref<!tpu.dma_semaphore, #tpu.memory_space<semaphore_mem>>)
      %dma_wait3A = arith.constant 0 : i32
      %dma_wait3A_67 = arith.constant 0 : i32
      %dma_wait3A_68 = tpu.memref_slice %arg11[%dma_wait3A, %dma_wait3A_67] : memref<128x128xf32, #tpu.memory_space<vmem>> -> memref<128x128xf32, #tpu.memory_space<vmem>>
      %dma_wait3A_69 = arith.constant 0 : i32
      %dma_wait3A_70 = tpu.memref_slice %arg6[%arg0, %add3A_38, %dma_wait3A_69] : memref<2x10112x128xf32, #tpu.memory_space<hbm>> -> memref<1x128x128xf32, #tpu.memory_space<hbm>>
      %dma_wait3A_71 = tpu.memref_squeeze %dma_wait3A_70 : memref<1x128x128xf32, #tpu.memory_space<hbm>> -> memref<128x128xf32, #tpu.memory_space<hbm>>
      %dma_wait3A_72 = arith.constant 0 : i32
      %dma_wait3A_73 = tpu.memref_slice %arg6[%arg0, %add3A_38, %dma_wait3A_72] : memref<2x10112x128xf32, #tpu.memory_space<hbm>> -> memref<1x128x128xf32, #tpu.memory_space<hbm>>
      %dma_wait3A_74 = tpu.memref_squeeze %dma_wait3A_73 : memref<1x128x128xf32, #tpu.memory_space<hbm>> -> memref<128x128xf32, #tpu.memory_space<hbm>>
      %dma_wait3A_75 = arith.constant 0 : i32
      %dma_wait3A_76 = arith.constant 0 : i32
      %dma_wait3A_77 = tpu.memref_slice %arg11[%dma_wait3A_75, %dma_wait3A_76] : memref<128x128xf32, #tpu.memory_space<vmem>> -> memref<128x128xf32, #tpu.memory_space<vmem>>
      tpu.wait_dma2 semaphore(%run_scoped3A : memref<!tpu.dma_semaphore, #tpu.memory_space<semaphore_mem>>) src(%dma_wait3A_77 : memref<128x128xf32, #tpu.memory_space<vmem>>) dst(%dma_wait3A_74 : memref<128x128xf32, #tpu.memory_space<hbm>>)
      tpu.yield
    }) : () -> ()
    %add3A_39 = arith.constant 128 : i32
    %add3A_40 = arith.addi %mul3A_6, %add3A_39 : i32
    "tpu.region"() ({
      %run_scoped3A = tpu.sem_alloc : memref<!tpu.dma_semaphore, #tpu.memory_space<semaphore_mem>>
      %dma_start3A_55 = arith.constant 0 : i32
      %dma_start3A_56 = arith.constant 0 : i32
      %dma_start3A_57 = tpu.memref_slice %arg11[%dma_start3A_55, %dma_start3A_56] : memref<128x128xf32, #tpu.memory_space<vmem>> -> memref<128x128xf32, #tpu.memory_space<vmem>>
      %dma_start3A_58 = arith.constant 0 : i32
      %dma_start3A_59 = tpu.memref_slice %arg13[%add3A_40, %dma_start3A_58] : memref<10112x128xf32, #tpu.memory_space<vmem_shared>> -> memref<128x128xf32, #tpu.memory_space<vmem_shared>>
      %dma_start3A_60 = arith.constant 0 : i32
      %dma_start3A_61 = arith.constant 0 : i32
      %dma_start3A_62 = tpu.memref_slice %arg11[%dma_start3A_60, %dma_start3A_61] : memref<128x128xf32, #tpu.memory_space<vmem>> -> memref<128x128xf32, #tpu.memory_space<vmem>>
      %dma_start3A_63 = arith.constant 0 : i32
      %dma_start3A_64 = tpu.memref_slice %arg13[%add3A_40, %dma_start3A_63] : memref<10112x128xf32, #tpu.memory_space<vmem_shared>> -> memref<128x128xf32, #tpu.memory_space<vmem_shared>>
      tpu.enqueue_dma source(%dma_start3A_64 : memref<128x128xf32, #tpu.memory_space<vmem_shared>>) target(%dma_start3A_62 : memref<128x128xf32, #tpu.memory_space<vmem>>) target_semaphore(%run_scoped3A : memref<!tpu.dma_semaphore, #tpu.memory_space<semaphore_mem>>)
      %dma_wait3A = arith.constant 0 : i32
      %dma_wait3A_65 = arith.constant 0 : i32
      %dma_wait3A_66 = tpu.memref_slice %arg11[%dma_wait3A, %dma_wait3A_65] : memref<128x128xf32, #tpu.memory_space<vmem>> -> memref<128x128xf32, #tpu.memory_space<vmem>>
      %dma_wait3A_67 = arith.constant 0 : i32
      %dma_wait3A_68 = tpu.memref_slice %arg13[%add3A_40, %dma_wait3A_67] : memref<10112x128xf32, #tpu.memory_space<vmem_shared>> -> memref<128x128xf32, #tpu.memory_space<vmem_shared>>
      %dma_wait3A_69 = arith.constant 0 : i32
      %dma_wait3A_70 = arith.constant 0 : i32
      %dma_wait3A_71 = tpu.memref_slice %arg11[%dma_wait3A_69, %dma_wait3A_70] : memref<128x128xf32, #tpu.memory_space<vmem>> -> memref<128x128xf32, #tpu.memory_space<vmem>>
      %dma_wait3A_72 = arith.constant 0 : i32
      %dma_wait3A_73 = tpu.memref_slice %arg13[%add3A_40, %dma_wait3A_72] : memref<10112x128xf32, #tpu.memory_space<vmem_shared>> -> memref<128x128xf32, #tpu.memory_space<vmem_shared>>
      tpu.wait_dma2 semaphore(%run_scoped3A : memref<!tpu.dma_semaphore, #tpu.memory_space<semaphore_mem>>) src(%dma_wait3A_73 : memref<128x128xf32, #tpu.memory_space<vmem_shared>>) dst(%dma_wait3A_71 : memref<128x128xf32, #tpu.memory_space<vmem>>)
      tpu.yield
    }) : () -> ()
    %add3A_41 = arith.constant 128 : i32
    %add3A_42 = arith.addi %mul3A_6, %add3A_41 : i32
    "tpu.region"() ({
      %run_scoped3A = tpu.sem_alloc : memref<!tpu.dma_semaphore, #tpu.memory_space<semaphore_mem>>
      %dma_start3A_55 = arith.constant 0 : i32
      %dma_start3A_56 = arith.constant 0 : i32
      %dma_start3A_57 = tpu.memref_slice %arg11[%dma_start3A_55, %dma_start3A_56] : memref<128x128xf32, #tpu.memory_space<vmem>> -> memref<128x128xf32, #tpu.memory_space<vmem>>
      %dma_start3A_58 = arith.constant 0 : i32
      %dma_start3A_59 = tpu.memref_slice %arg6[%arg0, %add3A_42, %dma_start3A_58] : memref<2x10112x128xf32, #tpu.memory_space<hbm>> -> memref<1x128x128xf32, #tpu.memory_space<hbm>>
      %dma_start3A_60 = tpu.memref_squeeze %dma_start3A_59 : memref<1x128x128xf32, #tpu.memory_space<hbm>> -> memref<128x128xf32, #tpu.memory_space<hbm>>
      %dma_start3A_61 = arith.constant 0 : i32
      %dma_start3A_62 = tpu.memref_slice %arg6[%arg0, %add3A_42, %dma_start3A_61] : memref<2x10112x128xf32, #tpu.memory_space<hbm>> -> memref<1x128x128xf32, #tpu.memory_space<hbm>>
      %dma_start3A_63 = tpu.memref_squeeze %dma_start3A_62 : memref<1x128x128xf32, #tpu.memory_space<hbm>> -> memref<128x128xf32, #tpu.memory_space<hbm>>
      %dma_start3A_64 = arith.constant 0 : i32
      %dma_start3A_65 = arith.constant 0 : i32
      %dma_start3A_66 = tpu.memref_slice %arg11[%dma_start3A_64, %dma_start3A_65] : memref<128x128xf32, #tpu.memory_space<vmem>> -> memref<128x128xf32, #tpu.memory_space<vmem>>
      tpu.enqueue_dma source(%dma_start3A_66 : memref<128x128xf32, #tpu.memory_space<vmem>>) target(%dma_start3A_63 : memref<128x128xf32, #tpu.memory_space<hbm>>) target_semaphore(%run_scoped3A : memref<!tpu.dma_semaphore, #tpu.memory_space<semaphore_mem>>)
      %dma_wait3A = arith.constant 0 : i32
      %dma_wait3A_67 = arith.constant 0 : i32
      %dma_wait3A_68 = tpu.memref_slice %arg11[%dma_wait3A, %dma_wait3A_67] : memref<128x128xf32, #tpu.memory_space<vmem>> -> memref<128x128xf32, #tpu.memory_space<vmem>>
      %dma_wait3A_69 = arith.constant 0 : i32
      %dma_wait3A_70 = tpu.memref_slice %arg6[%arg0, %add3A_42, %dma_wait3A_69] : memref<2x10112x128xf32, #tpu.memory_space<hbm>> -> memref<1x128x128xf32, #tpu.memory_space<hbm>>
      %dma_wait3A_71 = tpu.memref_squeeze %dma_wait3A_70 : memref<1x128x128xf32, #tpu.memory_space<hbm>> -> memref<128x128xf32, #tpu.memory_space<hbm>>
      %dma_wait3A_72 = arith.constant 0 : i32
      %dma_wait3A_73 = tpu.memref_slice %arg6[%arg0, %add3A_42, %dma_wait3A_72] : memref<2x10112x128xf32, #tpu.memory_space<hbm>> -> memref<1x128x128xf32, #tpu.memory_space<hbm>>
      %dma_wait3A_74 = tpu.memref_squeeze %dma_wait3A_73 : memref<1x128x128xf32, #tpu.memory_space<hbm>> -> memref<128x128xf32, #tpu.memory_space<hbm>>
      %dma_wait3A_75 = arith.constant 0 : i32
      %dma_wait3A_76 = arith.constant 0 : i32
      %dma_wait3A_77 = tpu.memref_slice %arg11[%dma_wait3A_75, %dma_wait3A_76] : memref<128x128xf32, #tpu.memory_space<vmem>> -> memref<128x128xf32, #tpu.memory_space<vmem>>
      tpu.wait_dma2 semaphore(%run_scoped3A : memref<!tpu.dma_semaphore, #tpu.memory_space<semaphore_mem>>) src(%dma_wait3A_77 : memref<128x128xf32, #tpu.memory_space<vmem>>) dst(%dma_wait3A_74 : memref<128x128xf32, #tpu.memory_space<hbm>>)
      tpu.yield
    }) : () -> ()
    %add3A_43 = arith.constant 256 : i32
    %add3A_44 = arith.addi %mul3A_6, %add3A_43 : i32
    "tpu.region"() ({
      %run_scoped3A = tpu.sem_alloc : memref<!tpu.dma_semaphore, #tpu.memory_space<semaphore_mem>>
      %dma_start3A_55 = arith.constant 0 : i32
      %dma_start3A_56 = arith.constant 0 : i32
      %dma_start3A_57 = tpu.memref_slice %arg11[%dma_start3A_55, %dma_start3A_56] : memref<128x128xf32, #tpu.memory_space<vmem>> -> memref<128x128xf32, #tpu.memory_space<vmem>>
      %dma_start3A_58 = arith.constant 0 : i32
      %dma_start3A_59 = tpu.memref_slice %arg13[%add3A_44, %dma_start3A_58] : memref<10112x128xf32, #tpu.memory_space<vmem_shared>> -> memref<128x128xf32, #tpu.memory_space<vmem_shared>>
      %dma_start3A_60 = arith.constant 0 : i32
      %dma_start3A_61 = arith.constant 0 : i32
      %dma_start3A_62 = tpu.memref_slice %arg11[%dma_start3A_60, %dma_start3A_61] : memref<128x128xf32, #tpu.memory_space<vmem>> -> memref<128x128xf32, #tpu.memory_space<vmem>>
      %dma_start3A_63 = arith.constant 0 : i32
      %dma_start3A_64 = tpu.memref_slice %arg13[%add3A_44, %dma_start3A_63] : memref<10112x128xf32, #tpu.memory_space<vmem_shared>> -> memref<128x128xf32, #tpu.memory_space<vmem_shared>>
      tpu.enqueue_dma source(%dma_start3A_64 : memref<128x128xf32, #tpu.memory_space<vmem_shared>>) target(%dma_start3A_62 : memref<128x128xf32, #tpu.memory_space<vmem>>) target_semaphore(%run_scoped3A : memref<!tpu.dma_semaphore, #tpu.memory_space<semaphore_mem>>)
      %dma_wait3A = arith.constant 0 : i32
      %dma_wait3A_65 = arith.constant 0 : i32
      %dma_wait3A_66 = tpu.memref_slice %arg11[%dma_wait3A, %dma_wait3A_65] : memref<128x128xf32, #tpu.memory_space<vmem>> -> memref<128x128xf32, #tpu.memory_space<vmem>>
      %dma_wait3A_67 = arith.constant 0 : i32
      %dma_wait3A_68 = tpu.memref_slice %arg13[%add3A_44, %dma_wait3A_67] : memref<10112x128xf32, #tpu.memory_space<vmem_shared>> -> memref<128x128xf32, #tpu.memory_space<vmem_shared>>
      %dma_wait3A_69 = arith.constant 0 : i32
      %dma_wait3A_70 = arith.constant 0 : i32
      %dma_wait3A_71 = tpu.memref_slice %arg11[%dma_wait3A_69, %dma_wait3A_70] : memref<128x128xf32, #tpu.memory_space<vmem>> -> memref<128x128xf32, #tpu.memory_space<vmem>>
      %dma_wait3A_72 = arith.constant 0 : i32
      %dma_wait3A_73 = tpu.memref_slice %arg13[%add3A_44, %dma_wait3A_72] : memref<10112x128xf32, #tpu.memory_space<vmem_shared>> -> memref<128x128xf32, #tpu.memory_space<vmem_shared>>
      tpu.wait_dma2 semaphore(%run_scoped3A : memref<!tpu.dma_semaphore, #tpu.memory_space<semaphore_mem>>) src(%dma_wait3A_73 : memref<128x128xf32, #tpu.memory_space<vmem_shared>>) dst(%dma_wait3A_71 : memref<128x128xf32, #tpu.memory_space<vmem>>)
      tpu.yield
    }) : () -> ()
    %add3A_45 = arith.constant 256 : i32
    %add3A_46 = arith.addi %mul3A_6, %add3A_45 : i32
    "tpu.region"() ({
      %run_scoped3A = tpu.sem_alloc : memref<!tpu.dma_semaphore, #tpu.memory_space<semaphore_mem>>
      %dma_start3A_55 = arith.constant 0 : i32
      %dma_start3A_56 = arith.constant 0 : i32
      %dma_start3A_57 = tpu.memref_slice %arg11[%dma_start3A_55, %dma_start3A_56] : memref<128x128xf32, #tpu.memory_space<vmem>> -> memref<128x128xf32, #tpu.memory_space<vmem>>
      %dma_start3A_58 = arith.constant 0 : i32
      %dma_start3A_59 = tpu.memref_slice %arg6[%arg0, %add3A_46, %dma_start3A_58] : memref<2x10112x128xf32, #tpu.memory_space<hbm>> -> memref<1x128x128xf32, #tpu.memory_space<hbm>>
      %dma_start3A_60 = tpu.memref_squeeze %dma_start3A_59 : memref<1x128x128xf32, #tpu.memory_space<hbm>> -> memref<128x128xf32, #tpu.memory_space<hbm>>
      %dma_start3A_61 = arith.constant 0 : i32
      %dma_start3A_62 = tpu.memref_slice %arg6[%arg0, %add3A_46, %dma_start3A_61] : memref<2x10112x128xf32, #tpu.memory_space<hbm>> -> memref<1x128x128xf32, #tpu.memory_space<hbm>>
      %dma_start3A_63 = tpu.memref_squeeze %dma_start3A_62 : memref<1x128x128xf32, #tpu.memory_space<hbm>> -> memref<128x128xf32, #tpu.memory_space<hbm>>
      %dma_start3A_64 = arith.constant 0 : i32
      %dma_start3A_65 = arith.constant 0 : i32
      %dma_start3A_66 = tpu.memref_slice %arg11[%dma_start3A_64, %dma_start3A_65] : memref<128x128xf32, #tpu.memory_space<vmem>> -> memref<128x128xf32, #tpu.memory_space<vmem>>
      tpu.enqueue_dma source(%dma_start3A_66 : memref<128x128xf32, #tpu.memory_space<vmem>>) target(%dma_start3A_63 : memref<128x128xf32, #tpu.memory_space<hbm>>) target_semaphore(%run_scoped3A : memref<!tpu.dma_semaphore, #tpu.memory_space<semaphore_mem>>)
      %dma_wait3A = arith.constant 0 : i32
      %dma_wait3A_67 = arith.constant 0 : i32
      %dma_wait3A_68 = tpu.memref_slice %arg11[%dma_wait3A, %dma_wait3A_67] : memref<128x128xf32, #tpu.memory_space<vmem>> -> memref<128x128xf32, #tpu.memory_space<vmem>>
      %dma_wait3A_69 = arith.constant 0 : i32
      %dma_wait3A_70 = tpu.memref_slice %arg6[%arg0, %add3A_46, %dma_wait3A_69] : memref<2x10112x128xf32, #tpu.memory_space<hbm>> -> memref<1x128x128xf32, #tpu.memory_space<hbm>>
      %dma_wait3A_71 = tpu.memref_squeeze %dma_wait3A_70 : memref<1x128x128xf32, #tpu.memory_space<hbm>> -> memref<128x128xf32, #tpu.memory_space<hbm>>
      %dma_wait3A_72 = arith.constant 0 : i32
      %dma_wait3A_73 = tpu.memref_slice %arg6[%arg0, %add3A_46, %dma_wait3A_72] : memref<2x10112x128xf32, #tpu.memory_space<hbm>> -> memref<1x128x128xf32, #tpu.memory_space<hbm>>
      %dma_wait3A_74 = tpu.memref_squeeze %dma_wait3A_73 : memref<1x128x128xf32, #tpu.memory_space<hbm>> -> memref<128x128xf32, #tpu.memory_space<hbm>>
      %dma_wait3A_75 = arith.constant 0 : i32
      %dma_wait3A_76 = arith.constant 0 : i32
      %dma_wait3A_77 = tpu.memref_slice %arg11[%dma_wait3A_75, %dma_wait3A_76] : memref<128x128xf32, #tpu.memory_space<vmem>> -> memref<128x128xf32, #tpu.memory_space<vmem>>
      tpu.wait_dma2 semaphore(%run_scoped3A : memref<!tpu.dma_semaphore, #tpu.memory_space<semaphore_mem>>) src(%dma_wait3A_77 : memref<128x128xf32, #tpu.memory_space<vmem>>) dst(%dma_wait3A_74 : memref<128x128xf32, #tpu.memory_space<hbm>>)
      tpu.yield
    }) : () -> ()
    %add3A_47 = arith.constant 384 : i32
    %add3A_48 = arith.addi %mul3A_6, %add3A_47 : i32
    "tpu.region"() ({
      %run_scoped3A = tpu.sem_alloc : memref<!tpu.dma_semaphore, #tpu.memory_space<semaphore_mem>>
      %dma_start3A_55 = arith.constant 0 : i32
      %dma_start3A_56 = arith.constant 0 : i32
      %dma_start3A_57 = tpu.memref_slice %arg11[%dma_start3A_55, %dma_start3A_56] : memref<128x128xf32, #tpu.memory_space<vmem>> -> memref<128x128xf32, #tpu.memory_space<vmem>>
      %dma_start3A_58 = arith.constant 0 : i32
      %dma_start3A_59 = tpu.memref_slice %arg13[%add3A_48, %dma_start3A_58] : memref<10112x128xf32, #tpu.memory_space<vmem_shared>> -> memref<128x128xf32, #tpu.memory_space<vmem_shared>>
      %dma_start3A_60 = arith.constant 0 : i32
      %dma_start3A_61 = arith.constant 0 : i32
      %dma_start3A_62 = tpu.memref_slice %arg11[%dma_start3A_60, %dma_start3A_61] : memref<128x128xf32, #tpu.memory_space<vmem>> -> memref<128x128xf32, #tpu.memory_space<vmem>>
      %dma_start3A_63 = arith.constant 0 : i32
      %dma_start3A_64 = tpu.memref_slice %arg13[%add3A_48, %dma_start3A_63] : memref<10112x128xf32, #tpu.memory_space<vmem_shared>> -> memref<128x128xf32, #tpu.memory_space<vmem_shared>>
      tpu.enqueue_dma source(%dma_start3A_64 : memref<128x128xf32, #tpu.memory_space<vmem_shared>>) target(%dma_start3A_62 : memref<128x128xf32, #tpu.memory_space<vmem>>) target_semaphore(%run_scoped3A : memref<!tpu.dma_semaphore, #tpu.memory_space<semaphore_mem>>)
      %dma_wait3A = arith.constant 0 : i32
      %dma_wait3A_65 = arith.constant 0 : i32
      %dma_wait3A_66 = tpu.memref_slice %arg11[%dma_wait3A, %dma_wait3A_65] : memref<128x128xf32, #tpu.memory_space<vmem>> -> memref<128x128xf32, #tpu.memory_space<vmem>>
      %dma_wait3A_67 = arith.constant 0 : i32
      %dma_wait3A_68 = tpu.memref_slice %arg13[%add3A_48, %dma_wait3A_67] : memref<10112x128xf32, #tpu.memory_space<vmem_shared>> -> memref<128x128xf32, #tpu.memory_space<vmem_shared>>
      %dma_wait3A_69 = arith.constant 0 : i32
      %dma_wait3A_70 = arith.constant 0 : i32
      %dma_wait3A_71 = tpu.memref_slice %arg11[%dma_wait3A_69, %dma_wait3A_70] : memref<128x128xf32, #tpu.memory_space<vmem>> -> memref<128x128xf32, #tpu.memory_space<vmem>>
      %dma_wait3A_72 = arith.constant 0 : i32
      %dma_wait3A_73 = tpu.memref_slice %arg13[%add3A_48, %dma_wait3A_72] : memref<10112x128xf32, #tpu.memory_space<vmem_shared>> -> memref<128x128xf32, #tpu.memory_space<vmem_shared>>
      tpu.wait_dma2 semaphore(%run_scoped3A : memref<!tpu.dma_semaphore, #tpu.memory_space<semaphore_mem>>) src(%dma_wait3A_73 : memref<128x128xf32, #tpu.memory_space<vmem_shared>>) dst(%dma_wait3A_71 : memref<128x128xf32, #tpu.memory_space<vmem>>)
      tpu.yield
    }) : () -> ()
    %add3A_49 = arith.constant 384 : i32
    %add3A_50 = arith.addi %mul3A_6, %add3A_49 : i32
    "tpu.region"() ({
      %run_scoped3A = tpu.sem_alloc : memref<!tpu.dma_semaphore, #tpu.memory_space<semaphore_mem>>
      %dma_start3A_55 = arith.constant 0 : i32
      %dma_start3A_56 = arith.constant 0 : i32
      %dma_start3A_57 = tpu.memref_slice %arg11[%dma_start3A_55, %dma_start3A_56] : memref<128x128xf32, #tpu.memory_space<vmem>> -> memref<128x128xf32, #tpu.memory_space<vmem>>
      %dma_start3A_58 = arith.constant 0 : i32
      %dma_start3A_59 = tpu.memref_slice %arg6[%arg0, %add3A_50, %dma_start3A_58] : memref<2x10112x128xf32, #tpu.memory_space<hbm>> -> memref<1x128x128xf32, #tpu.memory_space<hbm>>
      %dma_start3A_60 = tpu.memref_squeeze %dma_start3A_59 : memref<1x128x128xf32, #tpu.memory_space<hbm>> -> memref<128x128xf32, #tpu.memory_space<hbm>>
      %dma_start3A_61 = arith.constant 0 : i32
      %dma_start3A_62 = tpu.memref_slice %arg6[%arg0, %add3A_50, %dma_start3A_61] : memref<2x10112x128xf32, #tpu.memory_space<hbm>> -> memref<1x128x128xf32, #tpu.memory_space<hbm>>
      %dma_start3A_63 = tpu.memref_squeeze %dma_start3A_62 : memref<1x128x128xf32, #tpu.memory_space<hbm>> -> memref<128x128xf32, #tpu.memory_space<hbm>>
      %dma_start3A_64 = arith.constant 0 : i32
      %dma_start3A_65 = arith.constant 0 : i32
      %dma_start3A_66 = tpu.memref_slice %arg11[%dma_start3A_64, %dma_start3A_65] : memref<128x128xf32, #tpu.memory_space<vmem>> -> memref<128x128xf32, #tpu.memory_space<vmem>>
      tpu.enqueue_dma source(%dma_start3A_66 : memref<128x128xf32, #tpu.memory_space<vmem>>) target(%dma_start3A_63 : memref<128x128xf32, #tpu.memory_space<hbm>>) target_semaphore(%run_scoped3A : memref<!tpu.dma_semaphore, #tpu.memory_space<semaphore_mem>>)
      %dma_wait3A = arith.constant 0 : i32
      %dma_wait3A_67 = arith.constant 0 : i32
      %dma_wait3A_68 = tpu.memref_slice %arg11[%dma_wait3A, %dma_wait3A_67] : memref<128x128xf32, #tpu.memory_space<vmem>> -> memref<128x128xf32, #tpu.memory_space<vmem>>
      %dma_wait3A_69 = arith.constant 0 : i32
      %dma_wait3A_70 = tpu.memref_slice %arg6[%arg0, %add3A_50, %dma_wait3A_69] : memref<2x10112x128xf32, #tpu.memory_space<hbm>> -> memref<1x128x128xf32, #tpu.memory_space<hbm>>
      %dma_wait3A_71 = tpu.memref_squeeze %dma_wait3A_70 : memref<1x128x128xf32, #tpu.memory_space<hbm>> -> memref<128x128xf32, #tpu.memory_space<hbm>>
      %dma_wait3A_72 = arith.constant 0 : i32
      %dma_wait3A_73 = tpu.memref_slice %arg6[%arg0, %add3A_50, %dma_wait3A_72] : memref<2x10112x128xf32, #tpu.memory_space<hbm>> -> memref<1x128x128xf32, #tpu.memory_space<hbm>>
      %dma_wait3A_74 = tpu.memref_squeeze %dma_wait3A_73 : memref<1x128x128xf32, #tpu.memory_space<hbm>> -> memref<128x128xf32, #tpu.memory_space<hbm>>
      %dma_wait3A_75 = arith.constant 0 : i32
      %dma_wait3A_76 = arith.constant 0 : i32
      %dma_wait3A_77 = tpu.memref_slice %arg11[%dma_wait3A_75, %dma_wait3A_76] : memref<128x128xf32, #tpu.memory_space<vmem>> -> memref<128x128xf32, #tpu.memory_space<vmem>>
      tpu.wait_dma2 semaphore(%run_scoped3A : memref<!tpu.dma_semaphore, #tpu.memory_space<semaphore_mem>>) src(%dma_wait3A_77 : memref<128x128xf32, #tpu.memory_space<vmem>>) dst(%dma_wait3A_74 : memref<128x128xf32, #tpu.memory_space<hbm>>)
      tpu.yield
    }) : () -> ()
    %add3A_51 = arith.constant 512 : i32
    %add3A_52 = arith.addi %mul3A_6, %add3A_51 : i32
    "tpu.region"() ({
      %run_scoped3A = tpu.sem_alloc : memref<!tpu.dma_semaphore, #tpu.memory_space<semaphore_mem>>
      %dma_start3A_55 = arith.constant 0 : i32
      %dma_start3A_56 = arith.constant 0 : i32
      %dma_start3A_57 = tpu.memref_slice %arg11[%dma_start3A_55, %dma_start3A_56] : memref<128x128xf32, #tpu.memory_space<vmem>> -> memref<120x128xf32, #tpu.memory_space<vmem>>
      %dma_start3A_58 = arith.constant 0 : i32
      %dma_start3A_59 = tpu.memref_slice %arg13[%add3A_52, %dma_start3A_58] : memref<10112x128xf32, #tpu.memory_space<vmem_shared>> -> memref<120x128xf32, #tpu.memory_space<vmem_shared>>
      %dma_start3A_60 = arith.constant 0 : i32
      %dma_start3A_61 = arith.constant 0 : i32
      %dma_start3A_62 = tpu.memref_slice %arg11[%dma_start3A_60, %dma_start3A_61] : memref<128x128xf32, #tpu.memory_space<vmem>> -> memref<120x128xf32, #tpu.memory_space<vmem>>
      %dma_start3A_63 = arith.constant 0 : i32
      %dma_start3A_64 = tpu.memref_slice %arg13[%add3A_52, %dma_start3A_63] : memref<10112x128xf32, #tpu.memory_space<vmem_shared>> -> memref<120x128xf32, #tpu.memory_space<vmem_shared>>
      tpu.enqueue_dma source(%dma_start3A_64 : memref<120x128xf32, #tpu.memory_space<vmem_shared>>) target(%dma_start3A_62 : memref<120x128xf32, #tpu.memory_space<vmem>>) target_semaphore(%run_scoped3A : memref<!tpu.dma_semaphore, #tpu.memory_space<semaphore_mem>>)
      %dma_wait3A = arith.constant 0 : i32
      %dma_wait3A_65 = arith.constant 0 : i32
      %dma_wait3A_66 = tpu.memref_slice %arg11[%dma_wait3A, %dma_wait3A_65] : memref<128x128xf32, #tpu.memory_space<vmem>> -> memref<120x128xf32, #tpu.memory_space<vmem>>
      %dma_wait3A_67 = arith.constant 0 : i32
      %dma_wait3A_68 = tpu.memref_slice %arg13[%add3A_52, %dma_wait3A_67] : memref<10112x128xf32, #tpu.memory_space<vmem_shared>> -> memref<120x128xf32, #tpu.memory_space<vmem_shared>>
      %dma_wait3A_69 = arith.constant 0 : i32
      %dma_wait3A_70 = arith.constant 0 : i32
      %dma_wait3A_71 = tpu.memref_slice %arg11[%dma_wait3A_69, %dma_wait3A_70] : memref<128x128xf32, #tpu.memory_space<vmem>> -> memref<120x128xf32, #tpu.memory_space<vmem>>
      %dma_wait3A_72 = arith.constant 0 : i32
      %dma_wait3A_73 = tpu.memref_slice %arg13[%add3A_52, %dma_wait3A_72] : memref<10112x128xf32, #tpu.memory_space<vmem_shared>> -> memref<120x128xf32, #tpu.memory_space<vmem_shared>>
      tpu.wait_dma2 semaphore(%run_scoped3A : memref<!tpu.dma_semaphore, #tpu.memory_space<semaphore_mem>>) src(%dma_wait3A_73 : memref<120x128xf32, #tpu.memory_space<vmem_shared>>) dst(%dma_wait3A_71 : memref<120x128xf32, #tpu.memory_space<vmem>>)
      tpu.yield
    }) : () -> ()
    %add3A_53 = arith.constant 512 : i32
    %add3A_54 = arith.addi %mul3A_6, %add3A_53 : i32
    "tpu.region"() ({
      %run_scoped3A = tpu.sem_alloc : memref<!tpu.dma_semaphore, #tpu.memory_space<semaphore_mem>>
      %dma_start3A_55 = arith.constant 0 : i32
      %dma_start3A_56 = arith.constant 0 : i32
      %dma_start3A_57 = tpu.memref_slice %arg11[%dma_start3A_55, %dma_start3A_56] : memref<128x128xf32, #tpu.memory_space<vmem>> -> memref<120x128xf32, #tpu.memory_space<vmem>>
      %dma_start3A_58 = arith.constant 0 : i32
      %dma_start3A_59 = tpu.memref_slice %arg6[%arg0, %add3A_54, %dma_start3A_58] : memref<2x10112x128xf32, #tpu.memory_space<hbm>> -> memref<1x120x128xf32, #tpu.memory_space<hbm>>
      %dma_start3A_60 = tpu.memref_squeeze %dma_start3A_59 : memref<1x120x128xf32, #tpu.memory_space<hbm>> -> memref<120x128xf32, #tpu.memory_space<hbm>>
      %dma_start3A_61 = arith.constant 0 : i32
      %dma_start3A_62 = tpu.memref_slice %arg6[%arg0, %add3A_54, %dma_start3A_61] : memref<2x10112x128xf32, #tpu.memory_space<hbm>> -> memref<1x120x128xf32, #tpu.memory_space<hbm>>
      %dma_start3A_63 = tpu.memref_squeeze %dma_start3A_62 : memref<1x120x128xf32, #tpu.memory_space<hbm>> -> memref<120x128xf32, #tpu.memory_space<hbm>>
      %dma_start3A_64 = arith.constant 0 : i32
      %dma_start3A_65 = arith.constant 0 : i32
      %dma_start3A_66 = tpu.memref_slice %arg11[%dma_start3A_64, %dma_start3A_65] : memref<128x128xf32, #tpu.memory_space<vmem>> -> memref<120x128xf32, #tpu.memory_space<vmem>>
      tpu.enqueue_dma source(%dma_start3A_66 : memref<120x128xf32, #tpu.memory_space<vmem>>) target(%dma_start3A_63 : memref<120x128xf32, #tpu.memory_space<hbm>>) target_semaphore(%run_scoped3A : memref<!tpu.dma_semaphore, #tpu.memory_space<semaphore_mem>>)
      %dma_wait3A = arith.constant 0 : i32
      %dma_wait3A_67 = arith.constant 0 : i32
      %dma_wait3A_68 = tpu.memref_slice %arg11[%dma_wait3A, %dma_wait3A_67] : memref<128x128xf32, #tpu.memory_space<vmem>> -> memref<120x128xf32, #tpu.memory_space<vmem>>
      %dma_wait3A_69 = arith.constant 0 : i32
      %dma_wait3A_70 = tpu.memref_slice %arg6[%arg0, %add3A_54, %dma_wait3A_69] : memref<2x10112x128xf32, #tpu.memory_space<hbm>> -> memref<1x120x128xf32, #tpu.memory_space<hbm>>
      %dma_wait3A_71 = tpu.memref_squeeze %dma_wait3A_70 : memref<1x120x128xf32, #tpu.memory_space<hbm>> -> memref<120x128xf32, #tpu.memory_space<hbm>>
      %dma_wait3A_72 = arith.constant 0 : i32
      %dma_wait3A_73 = tpu.memref_slice %arg6[%arg0, %add3A_54, %dma_wait3A_72] : memref<2x10112x128xf32, #tpu.memory_space<hbm>> -> memref<1x120x128xf32, #tpu.memory_space<hbm>>
      %dma_wait3A_74 = tpu.memref_squeeze %dma_wait3A_73 : memref<1x120x128xf32, #tpu.memory_space<hbm>> -> memref<120x128xf32, #tpu.memory_space<hbm>>
      %dma_wait3A_75 = arith.constant 0 : i32
      %dma_wait3A_76 = arith.constant 0 : i32
      %dma_wait3A_77 = tpu.memref_slice %arg11[%dma_wait3A_75, %dma_wait3A_76] : memref<128x128xf32, #tpu.memory_space<vmem>> -> memref<120x128xf32, #tpu.memory_space<vmem>>
      tpu.wait_dma2 semaphore(%run_scoped3A : memref<!tpu.dma_semaphore, #tpu.memory_space<semaphore_mem>>) src(%dma_wait3A_77 : memref<120x128xf32, #tpu.memory_space<vmem>>) dst(%dma_wait3A_74 : memref<120x128xf32, #tpu.memory_space<hbm>>)
      tpu.yield
    }) : () -> ()
    return
  }
}

#map = affine_map<(d0, d1) -> (0)>
#map1 = affine_map<(d0, d1) -> (0, 0)>
#map2 = affine_map<(d0, d1) -> (0, 0, 0)>
module attributes {stable_mosaic.version = 14 : i64} {
  func.func @prop(%arg0: i32, %arg1: i32, %arg2: memref<327680xi32, #tpu.memory_space<hbm>>, %arg3: memref<327680xi32, #tpu.memory_space<hbm>>, %arg4: memref<10000x128xf32, #tpu.memory_space<hbm>>, %arg5: memref<128x128xf32, #tpu.memory_space<hbm>>, %arg6: memref<2x10112x128xf32, #tpu.memory_space<hbm>>, %arg7: memref<128xi32, #tpu.memory_space<vmem>>, %arg8: memref<128xi32, #tpu.memory_space<vmem>>, %arg9: memref<128xi32, #tpu.memory_space<vmem>>, %arg10: memref<128xi32, #tpu.memory_space<vmem>>, %arg11: memref<128x128xf32, #tpu.memory_space<vmem>>, %arg12: memref<128x128xf32, #tpu.memory_space<vmem>>, %arg13: memref<10112x128xf32, #tpu.memory_space<vmem_shared>>, %arg14: memref<!tpu.dma_semaphore, #tpu.memory_space<semaphore_mem>>, %arg15: memref<!tpu.dma_semaphore, #tpu.memory_space<semaphore_mem>>, %arg16: memref<!tpu.dma_semaphore, #tpu.memory_space<semaphore_mem>>, %arg17: memref<!tpu.dma_semaphore, #tpu.memory_space<semaphore_mem>>, %arg18: memref<!tpu.dma_semaphore, #tpu.memory_space<semaphore_mem>>, %arg19: memref<!tpu.dma_semaphore, #tpu.memory_space<semaphore_mem>>) attributes {dimension_semantics = [#tpu.dimension_semantics<core_parallel>, #tpu.dimension_semantics<subcore_parallel>], iteration_bounds = array<i64: 2, 16>, scalar_prefetch = 0 : i64, scratch_operands = 13 : i64, tpu.core_type = #tpu.core_type<sc_vector_subcore>, window_params = [{transform_indices = #map}, {transform_indices = #map}, {transform_indices = #map1}, {transform_indices = #map1}, {transform_indices = #map2}]} {
    %mul3A = arith.constant 2 : i32
    %mul3A_0 = arith.muli %arg1, %mul3A : i32
    %add3A = arith.addi %mul3A_0, %arg0 : i32
    %mul3A_1 = arith.constant 80 : i32
    %mul3A_2 = arith.muli %add3A, %mul3A_1 : i32
    %mul3A_3 = arith.constant 128 : i32
    %mul3A_4 = arith.muli %mul3A_2, %mul3A_3 : i32
    "tpu.region"() ({
      %run_scoped3A = tpu.sem_alloc : memref<!tpu.dma_semaphore, #tpu.memory_space<semaphore_mem>>
      tpu.enqueue_dma source(%arg5 : memref<128x128xf32, #tpu.memory_space<hbm>>) target(%arg11 : memref<128x128xf32, #tpu.memory_space<vmem>>) target_semaphore(%run_scoped3A : memref<!tpu.dma_semaphore, #tpu.memory_space<semaphore_mem>>)
      tpu.wait_dma2 semaphore(%run_scoped3A : memref<!tpu.dma_semaphore, #tpu.memory_space<semaphore_mem>>) src(%arg5 : memref<128x128xf32, #tpu.memory_space<hbm>>) dst(%arg11 : memref<128x128xf32, #tpu.memory_space<vmem>>)
      tpu.yield
    }) : () -> ()
    %mul3A_5 = arith.constant 632 : i32
    %mul3A_6 = arith.muli %arg1, %mul3A_5 : i32
    %add3A_7 = arith.constant 0 : i32
    %add3A_8 = arith.addi %mul3A_6, %add3A_7 : i32
    "tpu.region"() ({
      %run_scoped3A = tpu.sem_alloc : memref<!tpu.dma_semaphore, #tpu.memory_space<semaphore_mem>>
      %dma_start3A_55 = arith.constant 0 : i32
      %dma_start3A_56 = arith.constant 0 : i32
      %dma_start3A_57 = tpu.memref_slice %arg11[%dma_start3A_55, %dma_start3A_56] : memref<128x128xf32, #tpu.memory_space<vmem>> -> memref<128x128xf32, #tpu.memory_space<vmem>>
      %dma_start3A_58 = arith.constant 0 : i32
      %dma_start3A_59 = tpu.memref_slice %arg13[%add3A_8, %dma_start3A_58] : memref<10112x128xf32, #tpu.memory_space<vmem_shared>> -> memref<128x128xf32, #tpu.memory_space<vmem_shared>>
      %dma_start3A_60 = arith.constant 0 : i32
      %dma_start3A_61 = tpu.memref_slice %arg13[%add3A_8, %dma_start3A_60] : memref<10112x128xf32, #tpu.memory_space<vmem_shared>> -> memref<128x128xf32, #tpu.memory_space<vmem_shared>>
      %dma_start3A_62 = arith.constant 0 : i32
      %dma_start3A_63 = arith.constant 0 : i32
      %dma_start3A_64 = tpu.memref_slice %arg11[%dma_start3A_62, %dma_start3A_63] : memref<128x128xf32, #tpu.memory_space<vmem>> -> memref<128x128xf32, #tpu.memory_space<vmem>>
      tpu.enqueue_dma source(%dma_start3A_64 : memref<128x128xf32, #tpu.memory_space<vmem>>) target(%dma_start3A_61 : memref<128x128xf32, #tpu.memory_space<vmem_shared>>) target_semaphore(%run_scoped3A : memref<!tpu.dma_semaphore, #tpu.memory_space<semaphore_mem>>)
      %dma_wait3A = arith.constant 0 : i32
      %dma_wait3A_65 = arith.constant 0 : i32
      %dma_wait3A_66 = tpu.memref_slice %arg11[%dma_wait3A, %dma_wait3A_65] : memref<128x128xf32, #tpu.memory_space<vmem>> -> memref<128x128xf32, #tpu.memory_space<vmem>>
      %dma_wait3A_67 = arith.constant 0 : i32
      %dma_wait3A_68 = tpu.memref_slice %arg13[%add3A_8, %dma_wait3A_67] : memref<10112x128xf32, #tpu.memory_space<vmem_shared>> -> memref<128x128xf32, #tpu.memory_space<vmem_shared>>
      %dma_wait3A_69 = arith.constant 0 : i32
      %dma_wait3A_70 = tpu.memref_slice %arg13[%add3A_8, %dma_wait3A_69] : memref<10112x128xf32, #tpu.memory_space<vmem_shared>> -> memref<128x128xf32, #tpu.memory_space<vmem_shared>>
      %dma_wait3A_71 = arith.constant 0 : i32
      %dma_wait3A_72 = arith.constant 0 : i32
      %dma_wait3A_73 = tpu.memref_slice %arg11[%dma_wait3A_71, %dma_wait3A_72] : memref<128x128xf32, #tpu.memory_space<vmem>> -> memref<128x128xf32, #tpu.memory_space<vmem>>
      tpu.wait_dma2 semaphore(%run_scoped3A : memref<!tpu.dma_semaphore, #tpu.memory_space<semaphore_mem>>) src(%dma_wait3A_73 : memref<128x128xf32, #tpu.memory_space<vmem>>) dst(%dma_wait3A_70 : memref<128x128xf32, #tpu.memory_space<vmem_shared>>)
      tpu.yield
    }) : () -> ()
    %add3A_9 = arith.constant 128 : i32
    %add3A_10 = arith.addi %mul3A_6, %add3A_9 : i32
    "tpu.region"() ({
      %run_scoped3A = tpu.sem_alloc : memref<!tpu.dma_semaphore, #tpu.memory_space<semaphore_mem>>
      %dma_start3A_55 = arith.constant 0 : i32
      %dma_start3A_56 = arith.constant 0 : i32
      %dma_start3A_57 = tpu.memref_slice %arg11[%dma_start3A_55, %dma_start3A_56] : memref<128x128xf32, #tpu.memory_space<vmem>> -> memref<128x128xf32, #tpu.memory_space<vmem>>
      %dma_start3A_58 = arith.constant 0 : i32
      %dma_start3A_59 = tpu.memref_slice %arg13[%add3A_10, %dma_start3A_58] : memref<10112x128xf32, #tpu.memory_space<vmem_shared>> -> memref<128x128xf32, #tpu.memory_space<vmem_shared>>
      %dma_start3A_60 = arith.constant 0 : i32
      %dma_start3A_61 = tpu.memref_slice %arg13[%add3A_10, %dma_start3A_60] : memref<10112x128xf32, #tpu.memory_space<vmem_shared>> -> memref<128x128xf32, #tpu.memory_space<vmem_shared>>
      %dma_start3A_62 = arith.constant 0 : i32
      %dma_start3A_63 = arith.constant 0 : i32
      %dma_start3A_64 = tpu.memref_slice %arg11[%dma_start3A_62, %dma_start3A_63] : memref<128x128xf32, #tpu.memory_space<vmem>> -> memref<128x128xf32, #tpu.memory_space<vmem>>
      tpu.enqueue_dma source(%dma_start3A_64 : memref<128x128xf32, #tpu.memory_space<vmem>>) target(%dma_start3A_61 : memref<128x128xf32, #tpu.memory_space<vmem_shared>>) target_semaphore(%run_scoped3A : memref<!tpu.dma_semaphore, #tpu.memory_space<semaphore_mem>>)
      %dma_wait3A = arith.constant 0 : i32
      %dma_wait3A_65 = arith.constant 0 : i32
      %dma_wait3A_66 = tpu.memref_slice %arg11[%dma_wait3A, %dma_wait3A_65] : memref<128x128xf32, #tpu.memory_space<vmem>> -> memref<128x128xf32, #tpu.memory_space<vmem>>
      %dma_wait3A_67 = arith.constant 0 : i32
      %dma_wait3A_68 = tpu.memref_slice %arg13[%add3A_10, %dma_wait3A_67] : memref<10112x128xf32, #tpu.memory_space<vmem_shared>> -> memref<128x128xf32, #tpu.memory_space<vmem_shared>>
      %dma_wait3A_69 = arith.constant 0 : i32
      %dma_wait3A_70 = tpu.memref_slice %arg13[%add3A_10, %dma_wait3A_69] : memref<10112x128xf32, #tpu.memory_space<vmem_shared>> -> memref<128x128xf32, #tpu.memory_space<vmem_shared>>
      %dma_wait3A_71 = arith.constant 0 : i32
      %dma_wait3A_72 = arith.constant 0 : i32
      %dma_wait3A_73 = tpu.memref_slice %arg11[%dma_wait3A_71, %dma_wait3A_72] : memref<128x128xf32, #tpu.memory_space<vmem>> -> memref<128x128xf32, #tpu.memory_space<vmem>>
      tpu.wait_dma2 semaphore(%run_scoped3A : memref<!tpu.dma_semaphore, #tpu.memory_space<semaphore_mem>>) src(%dma_wait3A_73 : memref<128x128xf32, #tpu.memory_space<vmem>>) dst(%dma_wait3A_70 : memref<128x128xf32, #tpu.memory_space<vmem_shared>>)
      tpu.yield
    }) : () -> ()
    %add3A_11 = arith.constant 256 : i32
    %add3A_12 = arith.addi %mul3A_6, %add3A_11 : i32
    "tpu.region"() ({
      %run_scoped3A = tpu.sem_alloc : memref<!tpu.dma_semaphore, #tpu.memory_space<semaphore_mem>>
      %dma_start3A_55 = arith.constant 0 : i32
      %dma_start3A_56 = arith.constant 0 : i32
      %dma_start3A_57 = tpu.memref_slice %arg11[%dma_start3A_55, %dma_start3A_56] : memref<128x128xf32, #tpu.memory_space<vmem>> -> memref<128x128xf32, #tpu.memory_space<vmem>>
      %dma_start3A_58 = arith.constant 0 : i32
      %dma_start3A_59 = tpu.memref_slice %arg13[%add3A_12, %dma_start3A_58] : memref<10112x128xf32, #tpu.memory_space<vmem_shared>> -> memref<128x128xf32, #tpu.memory_space<vmem_shared>>
      %dma_start3A_60 = arith.constant 0 : i32
      %dma_start3A_61 = tpu.memref_slice %arg13[%add3A_12, %dma_start3A_60] : memref<10112x128xf32, #tpu.memory_space<vmem_shared>> -> memref<128x128xf32, #tpu.memory_space<vmem_shared>>
      %dma_start3A_62 = arith.constant 0 : i32
      %dma_start3A_63 = arith.constant 0 : i32
      %dma_start3A_64 = tpu.memref_slice %arg11[%dma_start3A_62, %dma_start3A_63] : memref<128x128xf32, #tpu.memory_space<vmem>> -> memref<128x128xf32, #tpu.memory_space<vmem>>
      tpu.enqueue_dma source(%dma_start3A_64 : memref<128x128xf32, #tpu.memory_space<vmem>>) target(%dma_start3A_61 : memref<128x128xf32, #tpu.memory_space<vmem_shared>>) target_semaphore(%run_scoped3A : memref<!tpu.dma_semaphore, #tpu.memory_space<semaphore_mem>>)
      %dma_wait3A = arith.constant 0 : i32
      %dma_wait3A_65 = arith.constant 0 : i32
      %dma_wait3A_66 = tpu.memref_slice %arg11[%dma_wait3A, %dma_wait3A_65] : memref<128x128xf32, #tpu.memory_space<vmem>> -> memref<128x128xf32, #tpu.memory_space<vmem>>
      %dma_wait3A_67 = arith.constant 0 : i32
      %dma_wait3A_68 = tpu.memref_slice %arg13[%add3A_12, %dma_wait3A_67] : memref<10112x128xf32, #tpu.memory_space<vmem_shared>> -> memref<128x128xf32, #tpu.memory_space<vmem_shared>>
      %dma_wait3A_69 = arith.constant 0 : i32
      %dma_wait3A_70 = tpu.memref_slice %arg13[%add3A_12, %dma_wait3A_69] : memref<10112x128xf32, #tpu.memory_space<vmem_shared>> -> memref<128x128xf32, #tpu.memory_space<vmem_shared>>
      %dma_wait3A_71 = arith.constant 0 : i32
      %dma_wait3A_72 = arith.constant 0 : i32
      %dma_wait3A_73 = tpu.memref_slice %arg11[%dma_wait3A_71, %dma_wait3A_72] : memref<128x128xf32, #tpu.memory_space<vmem>> -> memref<128x128xf32, #tpu.memory_space<vmem>>
      tpu.wait_dma2 semaphore(%run_scoped3A : memref<!tpu.dma_semaphore, #tpu.memory_space<semaphore_mem>>) src(%dma_wait3A_73 : memref<128x128xf32, #tpu.memory_space<vmem>>) dst(%dma_wait3A_70 : memref<128x128xf32, #tpu.memory_space<vmem_shared>>)
      tpu.yield
    }) : () -> ()
    %add3A_13 = arith.constant 384 : i32
    %add3A_14 = arith.addi %mul3A_6, %add3A_13 : i32
    "tpu.region"() ({
      %run_scoped3A = tpu.sem_alloc : memref<!tpu.dma_semaphore, #tpu.memory_space<semaphore_mem>>
      %dma_start3A_55 = arith.constant 0 : i32
      %dma_start3A_56 = arith.constant 0 : i32
      %dma_start3A_57 = tpu.memref_slice %arg11[%dma_start3A_55, %dma_start3A_56] : memref<128x128xf32, #tpu.memory_space<vmem>> -> memref<128x128xf32, #tpu.memory_space<vmem>>
      %dma_start3A_58 = arith.constant 0 : i32
      %dma_start3A_59 = tpu.memref_slice %arg13[%add3A_14, %dma_start3A_58] : memref<10112x128xf32, #tpu.memory_space<vmem_shared>> -> memref<128x128xf32, #tpu.memory_space<vmem_shared>>
      %dma_start3A_60 = arith.constant 0 : i32
      %dma_start3A_61 = tpu.memref_slice %arg13[%add3A_14, %dma_start3A_60] : memref<10112x128xf32, #tpu.memory_space<vmem_shared>> -> memref<128x128xf32, #tpu.memory_space<vmem_shared>>
      %dma_start3A_62 = arith.constant 0 : i32
      %dma_start3A_63 = arith.constant 0 : i32
      %dma_start3A_64 = tpu.memref_slice %arg11[%dma_start3A_62, %dma_start3A_63] : memref<128x128xf32, #tpu.memory_space<vmem>> -> memref<128x128xf32, #tpu.memory_space<vmem>>
      tpu.enqueue_dma source(%dma_start3A_64 : memref<128x128xf32, #tpu.memory_space<vmem>>) target(%dma_start3A_61 : memref<128x128xf32, #tpu.memory_space<vmem_shared>>) target_semaphore(%run_scoped3A : memref<!tpu.dma_semaphore, #tpu.memory_space<semaphore_mem>>)
      %dma_wait3A = arith.constant 0 : i32
      %dma_wait3A_65 = arith.constant 0 : i32
      %dma_wait3A_66 = tpu.memref_slice %arg11[%dma_wait3A, %dma_wait3A_65] : memref<128x128xf32, #tpu.memory_space<vmem>> -> memref<128x128xf32, #tpu.memory_space<vmem>>
      %dma_wait3A_67 = arith.constant 0 : i32
      %dma_wait3A_68 = tpu.memref_slice %arg13[%add3A_14, %dma_wait3A_67] : memref<10112x128xf32, #tpu.memory_space<vmem_shared>> -> memref<128x128xf32, #tpu.memory_space<vmem_shared>>
      %dma_wait3A_69 = arith.constant 0 : i32
      %dma_wait3A_70 = tpu.memref_slice %arg13[%add3A_14, %dma_wait3A_69] : memref<10112x128xf32, #tpu.memory_space<vmem_shared>> -> memref<128x128xf32, #tpu.memory_space<vmem_shared>>
      %dma_wait3A_71 = arith.constant 0 : i32
      %dma_wait3A_72 = arith.constant 0 : i32
      %dma_wait3A_73 = tpu.memref_slice %arg11[%dma_wait3A_71, %dma_wait3A_72] : memref<128x128xf32, #tpu.memory_space<vmem>> -> memref<128x128xf32, #tpu.memory_space<vmem>>
      tpu.wait_dma2 semaphore(%run_scoped3A : memref<!tpu.dma_semaphore, #tpu.memory_space<semaphore_mem>>) src(%dma_wait3A_73 : memref<128x128xf32, #tpu.memory_space<vmem>>) dst(%dma_wait3A_70 : memref<128x128xf32, #tpu.memory_space<vmem_shared>>)
      tpu.yield
    }) : () -> ()
    %add3A_15 = arith.constant 512 : i32
    %add3A_16 = arith.addi %mul3A_6, %add3A_15 : i32
    "tpu.region"() ({
      %run_scoped3A = tpu.sem_alloc : memref<!tpu.dma_semaphore, #tpu.memory_space<semaphore_mem>>
      %dma_start3A_55 = arith.constant 0 : i32
      %dma_start3A_56 = arith.constant 0 : i32
      %dma_start3A_57 = tpu.memref_slice %arg11[%dma_start3A_55, %dma_start3A_56] : memref<128x128xf32, #tpu.memory_space<vmem>> -> memref<120x128xf32, #tpu.memory_space<vmem>>
      %dma_start3A_58 = arith.constant 0 : i32
      %dma_start3A_59 = tpu.memref_slice %arg13[%add3A_16, %dma_start3A_58] : memref<10112x128xf32, #tpu.memory_space<vmem_shared>> -> memref<120x128xf32, #tpu.memory_space<vmem_shared>>
      %dma_start3A_60 = arith.constant 0 : i32
      %dma_start3A_61 = tpu.memref_slice %arg13[%add3A_16, %dma_start3A_60] : memref<10112x128xf32, #tpu.memory_space<vmem_shared>> -> memref<120x128xf32, #tpu.memory_space<vmem_shared>>
      %dma_start3A_62 = arith.constant 0 : i32
      %dma_start3A_63 = arith.constant 0 : i32
      %dma_start3A_64 = tpu.memref_slice %arg11[%dma_start3A_62, %dma_start3A_63] : memref<128x128xf32, #tpu.memory_space<vmem>> -> memref<120x128xf32, #tpu.memory_space<vmem>>
      tpu.enqueue_dma source(%dma_start3A_64 : memref<120x128xf32, #tpu.memory_space<vmem>>) target(%dma_start3A_61 : memref<120x128xf32, #tpu.memory_space<vmem_shared>>) target_semaphore(%run_scoped3A : memref<!tpu.dma_semaphore, #tpu.memory_space<semaphore_mem>>)
      %dma_wait3A = arith.constant 0 : i32
      %dma_wait3A_65 = arith.constant 0 : i32
      %dma_wait3A_66 = tpu.memref_slice %arg11[%dma_wait3A, %dma_wait3A_65] : memref<128x128xf32, #tpu.memory_space<vmem>> -> memref<120x128xf32, #tpu.memory_space<vmem>>
      %dma_wait3A_67 = arith.constant 0 : i32
      %dma_wait3A_68 = tpu.memref_slice %arg13[%add3A_16, %dma_wait3A_67] : memref<10112x128xf32, #tpu.memory_space<vmem_shared>> -> memref<120x128xf32, #tpu.memory_space<vmem_shared>>
      %dma_wait3A_69 = arith.constant 0 : i32
      %dma_wait3A_70 = tpu.memref_slice %arg13[%add3A_16, %dma_wait3A_69] : memref<10112x128xf32, #tpu.memory_space<vmem_shared>> -> memref<120x128xf32, #tpu.memory_space<vmem_shared>>
      %dma_wait3A_71 = arith.constant 0 : i32
      %dma_wait3A_72 = arith.constant 0 : i32
      %dma_wait3A_73 = tpu.memref_slice %arg11[%dma_wait3A_71, %dma_wait3A_72] : memref<128x128xf32, #tpu.memory_space<vmem>> -> memref<120x128xf32, #tpu.memory_space<vmem>>
      tpu.wait_dma2 semaphore(%run_scoped3A : memref<!tpu.dma_semaphore, #tpu.memory_space<semaphore_mem>>) src(%dma_wait3A_73 : memref<120x128xf32, #tpu.memory_space<vmem>>) dst(%dma_wait3A_70 : memref<120x128xf32, #tpu.memory_space<vmem_shared>>)
      tpu.yield
    }) : () -> ()
    %barrier3A = arith.constant 0 : index
    tpu.barrier barrier_id(%barrier3A)
    "tpu.region"() ({
      %run_scoped3A = tpu.sem_alloc : memref<!tpu.dma_semaphore, #tpu.memory_space<semaphore_mem>>
      %dma_start3A_55 = tpu.memref_slice %arg2[%mul3A_4] : memref<327680xi32, #tpu.memory_space<hbm>> -> memref<128xi32, #tpu.memory_space<hbm>>
      %dma_start3A_56 = tpu.memref_slice %arg2[%mul3A_4] : memref<327680xi32, #tpu.memory_space<hbm>> -> memref<128xi32, #tpu.memory_space<hbm>>
      tpu.enqueue_dma source(%dma_start3A_56 : memref<128xi32, #tpu.memory_space<hbm>>) target(%arg7 : memref<128xi32, #tpu.memory_space<vmem>>) target_semaphore(%run_scoped3A : memref<!tpu.dma_semaphore, #tpu.memory_space<semaphore_mem>>)
      %dma_wait3A = tpu.memref_slice %arg2[%mul3A_4] : memref<327680xi32, #tpu.memory_space<hbm>> -> memref<128xi32, #tpu.memory_space<hbm>>
      %dma_wait3A_57 = tpu.memref_slice %arg2[%mul3A_4] : memref<327680xi32, #tpu.memory_space<hbm>> -> memref<128xi32, #tpu.memory_space<hbm>>
      tpu.wait_dma2 semaphore(%run_scoped3A : memref<!tpu.dma_semaphore, #tpu.memory_space<semaphore_mem>>) src(%dma_wait3A_57 : memref<128xi32, #tpu.memory_space<hbm>>) dst(%arg7 : memref<128xi32, #tpu.memory_space<vmem>>)
      tpu.yield
    }) : () -> ()
    %dma_start3A = tpu.memref_slice %arg3[%mul3A_4] : memref<327680xi32, #tpu.memory_space<hbm>> -> memref<128xi32, #tpu.memory_space<hbm>>
    %dma_start3A_17 = tpu.memref_slice %arg3[%mul3A_4] : memref<327680xi32, #tpu.memory_space<hbm>> -> memref<128xi32, #tpu.memory_space<hbm>>
    tpu.enqueue_dma source(%dma_start3A_17 : memref<128xi32, #tpu.memory_space<hbm>>) target(%arg9 : memref<128xi32, #tpu.memory_space<vmem>>) target_semaphore(%arg18 : memref<!tpu.dma_semaphore, #tpu.memory_space<semaphore_mem>>)
    %dma_start3A_18 = arith.constant 0 : i32
    %dma_start3A_19 = arith.constant 0 : i32
    %dma_start3A_20 = tpu.memref_slice %arg4[%dma_start3A_18, %dma_start3A_19] : memref<10000x128xf32, #tpu.memory_space<hbm>> -> memref<10000x128xf32, #tpu.memory_space<hbm>>
    tpu.enqueue_indirect_dma source(%dma_start3A_20 : memref<10000x128xf32, #tpu.memory_space<hbm>>) target(%arg11 : memref<128x128xf32, #tpu.memory_space<vmem>>) offsets(%arg7 : memref<128xi32, #tpu.memory_space<vmem>>) semaphore(%arg14 : memref<!tpu.dma_semaphore, #tpu.memory_space<semaphore_mem>>)
    %add3A_21 = arith.constant 128 : i32
    %add3A_22 = arith.addi %mul3A_4, %add3A_21 : i32
    %dma_start3A_23 = tpu.memref_slice %arg2[%add3A_22] : memref<327680xi32, #tpu.memory_space<hbm>> -> memref<128xi32, #tpu.memory_space<hbm>>
    %dma_start3A_24 = tpu.memref_slice %arg2[%add3A_22] : memref<327680xi32, #tpu.memory_space<hbm>> -> memref<128xi32, #tpu.memory_space<hbm>>
    tpu.enqueue_dma source(%dma_start3A_24 : memref<128xi32, #tpu.memory_space<hbm>>) target(%arg8 : memref<128xi32, #tpu.memory_space<vmem>>) target_semaphore(%arg17 : memref<!tpu.dma_semaphore, #tpu.memory_space<semaphore_mem>>)
    %add3A_25 = arith.constant 128 : i32
    %add3A_26 = arith.addi %mul3A_4, %add3A_25 : i32
    %dma_start3A_27 = tpu.memref_slice %arg3[%add3A_26] : memref<327680xi32, #tpu.memory_space<hbm>> -> memref<128xi32, #tpu.memory_space<hbm>>
    %dma_start3A_28 = tpu.memref_slice %arg3[%add3A_26] : memref<327680xi32, #tpu.memory_space<hbm>> -> memref<128xi32, #tpu.memory_space<hbm>>
    tpu.enqueue_dma source(%dma_start3A_28 : memref<128xi32, #tpu.memory_space<hbm>>) target(%arg10 : memref<128xi32, #tpu.memory_space<vmem>>) target_semaphore(%arg19 : memref<!tpu.dma_semaphore, #tpu.memory_space<semaphore_mem>>)
    %scan3A = arith.constant 0 : i32
    %scan3A_29 = arith.constant 0 : i32
    %scan3A_30 = arith.constant 40 : i32
    %scan3A_31 = arith.addi %scan3A_29, %scan3A_30 : i32
    %scan3A_32 = arith.constant 1 : i32
    scf.for %scan3A_55 = %scan3A_29 to %scan3A_31 step %scan3A_32  : i32 {
      %mul3A_56 = arith.constant 2 : i32
      %mul3A_57 = arith.muli %mul3A_56, %scan3A_55 : i32
      %dma_wait3A = tpu.memref_slice %arg2[%mul3A_4] : memref<327680xi32, #tpu.memory_space<hbm>> -> memref<128xi32, #tpu.memory_space<hbm>>
      %dma_wait3A_58 = tpu.memref_slice %arg2[%mul3A_4] : memref<327680xi32, #tpu.memory_space<hbm>> -> memref<128xi32, #tpu.memory_space<hbm>>
      tpu.wait_dma2 semaphore(%arg17 : memref<!tpu.dma_semaphore, #tpu.memory_space<semaphore_mem>>) src(%dma_wait3A_58 : memref<128xi32, #tpu.memory_space<hbm>>) dst(%arg8 : memref<128xi32, #tpu.memory_space<vmem>>)
      %dma_start3A_59 = arith.constant 0 : i32
      %dma_start3A_60 = arith.constant 0 : i32
      %dma_start3A_61 = tpu.memref_slice %arg4[%dma_start3A_59, %dma_start3A_60] : memref<10000x128xf32, #tpu.memory_space<hbm>> -> memref<10000x128xf32, #tpu.memory_space<hbm>>
      tpu.enqueue_indirect_dma source(%dma_start3A_61 : memref<10000x128xf32, #tpu.memory_space<hbm>>) target(%arg12 : memref<128x128xf32, #tpu.memory_space<vmem>>) offsets(%arg8 : memref<128xi32, #tpu.memory_space<vmem>>) semaphore(%arg15 : memref<!tpu.dma_semaphore, #tpu.memory_space<semaphore_mem>>)
      %dma_wait3A_62 = arith.constant 0 : i32
      %dma_wait3A_63 = arith.constant 0 : i32
      %dma_wait3A_64 = tpu.memref_slice %arg4[%dma_wait3A_62, %dma_wait3A_63] : memref<10000x128xf32, #tpu.memory_space<hbm>> -> memref<10000x128xf32, #tpu.memory_space<hbm>>
      tpu.wait_indirect_dma semaphore(%arg14 : memref<!tpu.dma_semaphore, #tpu.memory_space<semaphore_mem>>) src(%dma_wait3A_64 : memref<10000x128xf32, #tpu.memory_space<hbm>>) dst(%arg11 : memref<128x128xf32, #tpu.memory_space<vmem>>)
      %add3A_65 = arith.constant 2 : i32
      %add3A_66 = arith.addi %mul3A_57, %add3A_65 : i32
      %lt3A = arith.constant 80 : i32
      %lt3A_67 = arith.cmpi slt, %add3A_66, %lt3A : i32
      %convert_element_type3A = arith.extui %lt3A_67 : i1 to i32
      %cond3A = arith.constant 0 : i32
      %cond3A_68 = arith.cmpi ne, %convert_element_type3A, %cond3A : i32
      scf.if %cond3A_68 {
        %add3A_97 = arith.constant 2 : i32
        %add3A_98 = arith.addi %mul3A_57, %add3A_97 : i32
        %mul3A_99 = arith.constant 128 : i32
        %mul3A_100 = arith.muli %add3A_98, %mul3A_99 : i32
        %add3A_101 = arith.addi %mul3A_4, %mul3A_100 : i32
        %dma_start3A_102 = tpu.memref_slice %arg2[%add3A_101] : memref<327680xi32, #tpu.memory_space<hbm>> -> memref<128xi32, #tpu.memory_space<hbm>>
        %dma_start3A_103 = tpu.memref_slice %arg2[%add3A_101] : memref<327680xi32, #tpu.memory_space<hbm>> -> memref<128xi32, #tpu.memory_space<hbm>>
        tpu.enqueue_dma source(%dma_start3A_103 : memref<128xi32, #tpu.memory_space<hbm>>) target(%arg7 : memref<128xi32, #tpu.memory_space<vmem>>) target_semaphore(%arg16 : memref<!tpu.dma_semaphore, #tpu.memory_space<semaphore_mem>>)
      } else {
      }
      %dma_wait3A_69 = tpu.memref_slice %arg3[%mul3A_4] : memref<327680xi32, #tpu.memory_space<hbm>> -> memref<128xi32, #tpu.memory_space<hbm>>
      %dma_wait3A_70 = tpu.memref_slice %arg3[%mul3A_4] : memref<327680xi32, #tpu.memory_space<hbm>> -> memref<128xi32, #tpu.memory_space<hbm>>
      tpu.wait_dma2 semaphore(%arg18 : memref<!tpu.dma_semaphore, #tpu.memory_space<semaphore_mem>>) src(%dma_wait3A_70 : memref<128xi32, #tpu.memory_space<hbm>>) dst(%arg9 : memref<128xi32, #tpu.memory_space<vmem>>)
      "tpu.region"() ({
        %run_scoped3A = tpu.sem_alloc : memref<!tpu.dma_semaphore, #tpu.memory_space<semaphore_mem>>
        %dma_start3A_97 = arith.constant 0 : i32
        %dma_start3A_98 = arith.constant 0 : i32
        %dma_start3A_99 = tpu.memref_slice %arg13[%dma_start3A_97, %dma_start3A_98] : memref<10112x128xf32, #tpu.memory_space<vmem_shared>> -> memref<10112x128xf32, #tpu.memory_space<vmem_shared>>
        tpu.enqueue_indirect_dma source(%arg11 : memref<128x128xf32, #tpu.memory_space<vmem>>) target(%dma_start3A_99 : memref<10112x128xf32, #tpu.memory_space<vmem_shared>>) offsets(%arg9 : memref<128xi32, #tpu.memory_space<vmem>>) semaphore(%run_scoped3A : memref<!tpu.dma_semaphore, #tpu.memory_space<semaphore_mem>>) {add = true}
        %dma_wait3A_100 = arith.constant 0 : i32
        %dma_wait3A_101 = arith.constant 0 : i32
        %dma_wait3A_102 = tpu.memref_slice %arg13[%dma_wait3A_100, %dma_wait3A_101] : memref<10112x128xf32, #tpu.memory_space<vmem_shared>> -> memref<10112x128xf32, #tpu.memory_space<vmem_shared>>
        tpu.wait_indirect_dma semaphore(%run_scoped3A : memref<!tpu.dma_semaphore, #tpu.memory_space<semaphore_mem>>) src(%arg11 : memref<128x128xf32, #tpu.memory_space<vmem>>) dst(%dma_wait3A_102 : memref<10112x128xf32, #tpu.memory_space<vmem_shared>>)
        tpu.yield
      }) : () -> ()
      %add3A_71 = arith.constant 2 : i32
      %add3A_72 = arith.addi %mul3A_57, %add3A_71 : i32
      %lt3A_73 = arith.constant 80 : i32
      %lt3A_74 = arith.cmpi slt, %add3A_72, %lt3A_73 : i32
      %convert_element_type3A_75 = arith.extui %lt3A_74 : i1 to i32
      %cond3A_76 = arith.constant 0 : i32
      %cond3A_77 = arith.cmpi ne, %convert_element_type3A_75, %cond3A_76 : i32
      scf.if %cond3A_77 {
        %add3A_97 = arith.constant 2 : i32
        %add3A_98 = arith.addi %mul3A_57, %add3A_97 : i32
        %mul3A_99 = arith.constant 128 : i32
        %mul3A_100 = arith.muli %add3A_98, %mul3A_99 : i32
        %add3A_101 = arith.addi %mul3A_4, %mul3A_100 : i32
        %dma_start3A_102 = tpu.memref_slice %arg3[%add3A_101] : memref<327680xi32, #tpu.memory_space<hbm>> -> memref<128xi32, #tpu.memory_space<hbm>>
        %dma_start3A_103 = tpu.memref_slice %arg3[%add3A_101] : memref<327680xi32, #tpu.memory_space<hbm>> -> memref<128xi32, #tpu.memory_space<hbm>>
        tpu.enqueue_dma source(%dma_start3A_103 : memref<128xi32, #tpu.memory_space<hbm>>) target(%arg9 : memref<128xi32, #tpu.memory_space<vmem>>) target_semaphore(%arg18 : memref<!tpu.dma_semaphore, #tpu.memory_space<semaphore_mem>>)
      } else {
      }
      %dma_wait3A_78 = arith.constant 0 : i32
      %dma_wait3A_79 = arith.constant 0 : i32
      %dma_wait3A_80 = tpu.memref_slice %arg4[%dma_wait3A_78, %dma_wait3A_79] : memref<10000x128xf32, #tpu.memory_space<hbm>> -> memref<10000x128xf32, #tpu.memory_space<hbm>>
      tpu.wait_indirect_dma semaphore(%arg15 : memref<!tpu.dma_semaphore, #tpu.memory_space<semaphore_mem>>) src(%dma_wait3A_80 : memref<10000x128xf32, #tpu.memory_space<hbm>>) dst(%arg12 : memref<128x128xf32, #tpu.memory_space<vmem>>)
      %add3A_81 = arith.constant 2 : i32
      %add3A_82 = arith.addi %mul3A_57, %add3A_81 : i32
      %lt3A_83 = arith.constant 80 : i32
      %lt3A_84 = arith.cmpi slt, %add3A_82, %lt3A_83 : i32
      %convert_element_type3A_85 = arith.extui %lt3A_84 : i1 to i32
      %cond3A_86 = arith.constant 0 : i32
      %cond3A_87 = arith.cmpi ne, %convert_element_type3A_85, %cond3A_86 : i32
      scf.if %cond3A_87 {
        %dma_wait3A_97 = tpu.memref_slice %arg2[%mul3A_4] : memref<327680xi32, #tpu.memory_space<hbm>> -> memref<128xi32, #tpu.memory_space<hbm>>
        %dma_wait3A_98 = tpu.memref_slice %arg2[%mul3A_4] : memref<327680xi32, #tpu.memory_space<hbm>> -> memref<128xi32, #tpu.memory_space<hbm>>
        tpu.wait_dma2 semaphore(%arg16 : memref<!tpu.dma_semaphore, #tpu.memory_space<semaphore_mem>>) src(%dma_wait3A_98 : memref<128xi32, #tpu.memory_space<hbm>>) dst(%arg7 : memref<128xi32, #tpu.memory_space<vmem>>)
        %dma_start3A_99 = arith.constant 0 : i32
        %dma_start3A_100 = arith.constant 0 : i32
        %dma_start3A_101 = tpu.memref_slice %arg4[%dma_start3A_99, %dma_start3A_100] : memref<10000x128xf32, #tpu.memory_space<hbm>> -> memref<10000x128xf32, #tpu.memory_space<hbm>>
        tpu.enqueue_indirect_dma source(%dma_start3A_101 : memref<10000x128xf32, #tpu.memory_space<hbm>>) target(%arg11 : memref<128x128xf32, #tpu.memory_space<vmem>>) offsets(%arg7 : memref<128xi32, #tpu.memory_space<vmem>>) semaphore(%arg14 : memref<!tpu.dma_semaphore, #tpu.memory_space<semaphore_mem>>)
      } else {
      }
      %dma_wait3A_88 = tpu.memref_slice %arg3[%mul3A_4] : memref<327680xi32, #tpu.memory_space<hbm>> -> memref<128xi32, #tpu.memory_space<hbm>>
      %dma_wait3A_89 = tpu.memref_slice %arg3[%mul3A_4] : memref<327680xi32, #tpu.memory_space<hbm>> -> memref<128xi32, #tpu.memory_space<hbm>>
      tpu.wait_dma2 semaphore(%arg19 : memref<!tpu.dma_semaphore, #tpu.memory_space<semaphore_mem>>) src(%dma_wait3A_89 : memref<128xi32, #tpu.memory_space<hbm>>) dst(%arg10 : memref<128xi32, #tpu.memory_space<vmem>>)
      "tpu.region"() ({
        %run_scoped3A = tpu.sem_alloc : memref<!tpu.dma_semaphore, #tpu.memory_space<semaphore_mem>>
        %dma_start3A_97 = arith.constant 0 : i32
        %dma_start3A_98 = arith.constant 0 : i32
        %dma_start3A_99 = tpu.memref_slice %arg13[%dma_start3A_97, %dma_start3A_98] : memref<10112x128xf32, #tpu.memory_space<vmem_shared>> -> memref<10112x128xf32, #tpu.memory_space<vmem_shared>>
        tpu.enqueue_indirect_dma source(%arg12 : memref<128x128xf32, #tpu.memory_space<vmem>>) target(%dma_start3A_99 : memref<10112x128xf32, #tpu.memory_space<vmem_shared>>) offsets(%arg10 : memref<128xi32, #tpu.memory_space<vmem>>) semaphore(%run_scoped3A : memref<!tpu.dma_semaphore, #tpu.memory_space<semaphore_mem>>) {add = true}
        %dma_wait3A_100 = arith.constant 0 : i32
        %dma_wait3A_101 = arith.constant 0 : i32
        %dma_wait3A_102 = tpu.memref_slice %arg13[%dma_wait3A_100, %dma_wait3A_101] : memref<10112x128xf32, #tpu.memory_space<vmem_shared>> -> memref<10112x128xf32, #tpu.memory_space<vmem_shared>>
        tpu.wait_indirect_dma semaphore(%run_scoped3A : memref<!tpu.dma_semaphore, #tpu.memory_space<semaphore_mem>>) src(%arg12 : memref<128x128xf32, #tpu.memory_space<vmem>>) dst(%dma_wait3A_102 : memref<10112x128xf32, #tpu.memory_space<vmem_shared>>)
        tpu.yield
      }) : () -> ()
      %add3A_90 = arith.constant 3 : i32
      %add3A_91 = arith.addi %mul3A_57, %add3A_90 : i32
      %lt3A_92 = arith.constant 80 : i32
      %lt3A_93 = arith.cmpi slt, %add3A_91, %lt3A_92 : i32
      %convert_element_type3A_94 = arith.extui %lt3A_93 : i1 to i32
      %cond3A_95 = arith.constant 0 : i32
      %cond3A_96 = arith.cmpi ne, %convert_element_type3A_94, %cond3A_95 : i32
      scf.if %cond3A_96 {
        %add3A_97 = arith.constant 3 : i32
        %add3A_98 = arith.addi %mul3A_57, %add3A_97 : i32
        %mul3A_99 = arith.constant 128 : i32
        %mul3A_100 = arith.muli %add3A_98, %mul3A_99 : i32
        %add3A_101 = arith.addi %mul3A_4, %mul3A_100 : i32
        %dma_start3A_102 = tpu.memref_slice %arg2[%add3A_101] : memref<327680xi32, #tpu.memory_space<hbm>> -> memref<128xi32, #tpu.memory_space<hbm>>
        %dma_start3A_103 = tpu.memref_slice %arg2[%add3A_101] : memref<327680xi32, #tpu.memory_space<hbm>> -> memref<128xi32, #tpu.memory_space<hbm>>
        tpu.enqueue_dma source(%dma_start3A_103 : memref<128xi32, #tpu.memory_space<hbm>>) target(%arg8 : memref<128xi32, #tpu.memory_space<vmem>>) target_semaphore(%arg17 : memref<!tpu.dma_semaphore, #tpu.memory_space<semaphore_mem>>)
        %add3A_104 = arith.constant 3 : i32
        %add3A_105 = arith.addi %mul3A_57, %add3A_104 : i32
        %mul3A_106 = arith.constant 128 : i32
        %mul3A_107 = arith.muli %add3A_105, %mul3A_106 : i32
        %add3A_108 = arith.addi %mul3A_4, %mul3A_107 : i32
        %dma_start3A_109 = tpu.memref_slice %arg3[%add3A_108] : memref<327680xi32, #tpu.memory_space<hbm>> -> memref<128xi32, #tpu.memory_space<hbm>>
        %dma_start3A_110 = tpu.memref_slice %arg3[%add3A_108] : memref<327680xi32, #tpu.memory_space<hbm>> -> memref<128xi32, #tpu.memory_space<hbm>>
        tpu.enqueue_dma source(%dma_start3A_110 : memref<128xi32, #tpu.memory_space<hbm>>) target(%arg10 : memref<128xi32, #tpu.memory_space<vmem>>) target_semaphore(%arg19 : memref<!tpu.dma_semaphore, #tpu.memory_space<semaphore_mem>>)
      } else {
      }
    }
    %scan3A_33 = arith.constant 40 : i32
    %barrier3A_34 = arith.constant 0 : index
    tpu.barrier barrier_id(%barrier3A_34)
    %add3A_35 = arith.constant 0 : i32
    %add3A_36 = arith.addi %mul3A_6, %add3A_35 : i32
    "tpu.region"() ({
      %run_scoped3A = tpu.sem_alloc : memref<!tpu.dma_semaphore, #tpu.memory_space<semaphore_mem>>
      %dma_start3A_55 = arith.constant 0 : i32
      %dma_start3A_56 = arith.constant 0 : i32
      %dma_start3A_57 = tpu.memref_slice %arg11[%dma_start3A_55, %dma_start3A_56] : memref<128x128xf32, #tpu.memory_space<vmem>> -> memref<128x128xf32, #tpu.memory_space<vmem>>
      %dma_start3A_58 = arith.constant 0 : i32
      %dma_start3A_59 = tpu.memref_slice %arg13[%add3A_36, %dma_start3A_58] : memref<10112x128xf32, #tpu.memory_space<vmem_shared>> -> memref<128x128xf32, #tpu.memory_space<vmem_shared>>
      %dma_start3A_60 = arith.constant 0 : i32
      %dma_start3A_61 = arith.constant 0 : i32
      %dma_start3A_62 = tpu.memref_slice %arg11[%dma_start3A_60, %dma_start3A_61] : memref<128x128xf32, #tpu.memory_space<vmem>> -> memref<128x128xf32, #tpu.memory_space<vmem>>
      %dma_start3A_63 = arith.constant 0 : i32
      %dma_start3A_64 = tpu.memref_slice %arg13[%add3A_36, %dma_start3A_63] : memref<10112x128xf32, #tpu.memory_space<vmem_shared>> -> memref<128x128xf32, #tpu.memory_space<vmem_shared>>
      tpu.enqueue_dma source(%dma_start3A_64 : memref<128x128xf32, #tpu.memory_space<vmem_shared>>) target(%dma_start3A_62 : memref<128x128xf32, #tpu.memory_space<vmem>>) target_semaphore(%run_scoped3A : memref<!tpu.dma_semaphore, #tpu.memory_space<semaphore_mem>>)
      %dma_wait3A = arith.constant 0 : i32
      %dma_wait3A_65 = arith.constant 0 : i32
      %dma_wait3A_66 = tpu.memref_slice %arg11[%dma_wait3A, %dma_wait3A_65] : memref<128x128xf32, #tpu.memory_space<vmem>> -> memref<128x128xf32, #tpu.memory_space<vmem>>
      %dma_wait3A_67 = arith.constant 0 : i32
      %dma_wait3A_68 = tpu.memref_slice %arg13[%add3A_36, %dma_wait3A_67] : memref<10112x128xf32, #tpu.memory_space<vmem_shared>> -> memref<128x128xf32, #tpu.memory_space<vmem_shared>>
      %dma_wait3A_69 = arith.constant 0 : i32
      %dma_wait3A_70 = arith.constant 0 : i32
      %dma_wait3A_71 = tpu.memref_slice %arg11[%dma_wait3A_69, %dma_wait3A_70] : memref<128x128xf32, #tpu.memory_space<vmem>> -> memref<128x128xf32, #tpu.memory_space<vmem>>
      %dma_wait3A_72 = arith.constant 0 : i32
      %dma_wait3A_73 = tpu.memref_slice %arg13[%add3A_36, %dma_wait3A_72] : memref<10112x128xf32, #tpu.memory_space<vmem_shared>> -> memref<128x128xf32, #tpu.memory_space<vmem_shared>>
      tpu.wait_dma2 semaphore(%run_scoped3A : memref<!tpu.dma_semaphore, #tpu.memory_space<semaphore_mem>>) src(%dma_wait3A_73 : memref<128x128xf32, #tpu.memory_space<vmem_shared>>) dst(%dma_wait3A_71 : memref<128x128xf32, #tpu.memory_space<vmem>>)
      tpu.yield
    }) : () -> ()
    %add3A_37 = arith.constant 0 : i32
    %add3A_38 = arith.addi %mul3A_6, %add3A_37 : i32
    "tpu.region"() ({
      %run_scoped3A = tpu.sem_alloc : memref<!tpu.dma_semaphore, #tpu.memory_space<semaphore_mem>>
      %dma_start3A_55 = arith.constant 0 : i32
      %dma_start3A_56 = arith.constant 0 : i32
      %dma_start3A_57 = tpu.memref_slice %arg11[%dma_start3A_55, %dma_start3A_56] : memref<128x128xf32, #tpu.memory_space<vmem>> -> memref<128x128xf32, #tpu.memory_space<vmem>>
      %dma_start3A_58 = arith.constant 0 : i32
      %dma_start3A_59 = tpu.memref_slice %arg6[%arg0, %add3A_38, %dma_start3A_58] : memref<2x10112x128xf32, #tpu.memory_space<hbm>> -> memref<1x128x128xf32, #tpu.memory_space<hbm>>
      %dma_start3A_60 = tpu.memref_squeeze %dma_start3A_59 : memref<1x128x128xf32, #tpu.memory_space<hbm>> -> memref<128x128xf32, #tpu.memory_space<hbm>>
      %dma_start3A_61 = arith.constant 0 : i32
      %dma_start3A_62 = tpu.memref_slice %arg6[%arg0, %add3A_38, %dma_start3A_61] : memref<2x10112x128xf32, #tpu.memory_space<hbm>> -> memref<1x128x128xf32, #tpu.memory_space<hbm>>
      %dma_start3A_63 = tpu.memref_squeeze %dma_start3A_62 : memref<1x128x128xf32, #tpu.memory_space<hbm>> -> memref<128x128xf32, #tpu.memory_space<hbm>>
      %dma_start3A_64 = arith.constant 0 : i32
      %dma_start3A_65 = arith.constant 0 : i32
      %dma_start3A_66 = tpu.memref_slice %arg11[%dma_start3A_64, %dma_start3A_65] : memref<128x128xf32, #tpu.memory_space<vmem>> -> memref<128x128xf32, #tpu.memory_space<vmem>>
      tpu.enqueue_dma source(%dma_start3A_66 : memref<128x128xf32, #tpu.memory_space<vmem>>) target(%dma_start3A_63 : memref<128x128xf32, #tpu.memory_space<hbm>>) target_semaphore(%run_scoped3A : memref<!tpu.dma_semaphore, #tpu.memory_space<semaphore_mem>>)
      %dma_wait3A = arith.constant 0 : i32
      %dma_wait3A_67 = arith.constant 0 : i32
      %dma_wait3A_68 = tpu.memref_slice %arg11[%dma_wait3A, %dma_wait3A_67] : memref<128x128xf32, #tpu.memory_space<vmem>> -> memref<128x128xf32, #tpu.memory_space<vmem>>
      %dma_wait3A_69 = arith.constant 0 : i32
      %dma_wait3A_70 = tpu.memref_slice %arg6[%arg0, %add3A_38, %dma_wait3A_69] : memref<2x10112x128xf32, #tpu.memory_space<hbm>> -> memref<1x128x128xf32, #tpu.memory_space<hbm>>
      %dma_wait3A_71 = tpu.memref_squeeze %dma_wait3A_70 : memref<1x128x128xf32, #tpu.memory_space<hbm>> -> memref<128x128xf32, #tpu.memory_space<hbm>>
      %dma_wait3A_72 = arith.constant 0 : i32
      %dma_wait3A_73 = tpu.memref_slice %arg6[%arg0, %add3A_38, %dma_wait3A_72] : memref<2x10112x128xf32, #tpu.memory_space<hbm>> -> memref<1x128x128xf32, #tpu.memory_space<hbm>>
      %dma_wait3A_74 = tpu.memref_squeeze %dma_wait3A_73 : memref<1x128x128xf32, #tpu.memory_space<hbm>> -> memref<128x128xf32, #tpu.memory_space<hbm>>
      %dma_wait3A_75 = arith.constant 0 : i32
      %dma_wait3A_76 = arith.constant 0 : i32
      %dma_wait3A_77 = tpu.memref_slice %arg11[%dma_wait3A_75, %dma_wait3A_76] : memref<128x128xf32, #tpu.memory_space<vmem>> -> memref<128x128xf32, #tpu.memory_space<vmem>>
      tpu.wait_dma2 semaphore(%run_scoped3A : memref<!tpu.dma_semaphore, #tpu.memory_space<semaphore_mem>>) src(%dma_wait3A_77 : memref<128x128xf32, #tpu.memory_space<vmem>>) dst(%dma_wait3A_74 : memref<128x128xf32, #tpu.memory_space<hbm>>)
      tpu.yield
    }) : () -> ()
    %add3A_39 = arith.constant 128 : i32
    %add3A_40 = arith.addi %mul3A_6, %add3A_39 : i32
    "tpu.region"() ({
      %run_scoped3A = tpu.sem_alloc : memref<!tpu.dma_semaphore, #tpu.memory_space<semaphore_mem>>
      %dma_start3A_55 = arith.constant 0 : i32
      %dma_start3A_56 = arith.constant 0 : i32
      %dma_start3A_57 = tpu.memref_slice %arg11[%dma_start3A_55, %dma_start3A_56] : memref<128x128xf32, #tpu.memory_space<vmem>> -> memref<128x128xf32, #tpu.memory_space<vmem>>
      %dma_start3A_58 = arith.constant 0 : i32
      %dma_start3A_59 = tpu.memref_slice %arg13[%add3A_40, %dma_start3A_58] : memref<10112x128xf32, #tpu.memory_space<vmem_shared>> -> memref<128x128xf32, #tpu.memory_space<vmem_shared>>
      %dma_start3A_60 = arith.constant 0 : i32
      %dma_start3A_61 = arith.constant 0 : i32
      %dma_start3A_62 = tpu.memref_slice %arg11[%dma_start3A_60, %dma_start3A_61] : memref<128x128xf32, #tpu.memory_space<vmem>> -> memref<128x128xf32, #tpu.memory_space<vmem>>
      %dma_start3A_63 = arith.constant 0 : i32
      %dma_start3A_64 = tpu.memref_slice %arg13[%add3A_40, %dma_start3A_63] : memref<10112x128xf32, #tpu.memory_space<vmem_shared>> -> memref<128x128xf32, #tpu.memory_space<vmem_shared>>
      tpu.enqueue_dma source(%dma_start3A_64 : memref<128x128xf32, #tpu.memory_space<vmem_shared>>) target(%dma_start3A_62 : memref<128x128xf32, #tpu.memory_space<vmem>>) target_semaphore(%run_scoped3A : memref<!tpu.dma_semaphore, #tpu.memory_space<semaphore_mem>>)
      %dma_wait3A = arith.constant 0 : i32
      %dma_wait3A_65 = arith.constant 0 : i32
      %dma_wait3A_66 = tpu.memref_slice %arg11[%dma_wait3A, %dma_wait3A_65] : memref<128x128xf32, #tpu.memory_space<vmem>> -> memref<128x128xf32, #tpu.memory_space<vmem>>
      %dma_wait3A_67 = arith.constant 0 : i32
      %dma_wait3A_68 = tpu.memref_slice %arg13[%add3A_40, %dma_wait3A_67] : memref<10112x128xf32, #tpu.memory_space<vmem_shared>> -> memref<128x128xf32, #tpu.memory_space<vmem_shared>>
      %dma_wait3A_69 = arith.constant 0 : i32
      %dma_wait3A_70 = arith.constant 0 : i32
      %dma_wait3A_71 = tpu.memref_slice %arg11[%dma_wait3A_69, %dma_wait3A_70] : memref<128x128xf32, #tpu.memory_space<vmem>> -> memref<128x128xf32, #tpu.memory_space<vmem>>
      %dma_wait3A_72 = arith.constant 0 : i32
      %dma_wait3A_73 = tpu.memref_slice %arg13[%add3A_40, %dma_wait3A_72] : memref<10112x128xf32, #tpu.memory_space<vmem_shared>> -> memref<128x128xf32, #tpu.memory_space<vmem_shared>>
      tpu.wait_dma2 semaphore(%run_scoped3A : memref<!tpu.dma_semaphore, #tpu.memory_space<semaphore_mem>>) src(%dma_wait3A_73 : memref<128x128xf32, #tpu.memory_space<vmem_shared>>) dst(%dma_wait3A_71 : memref<128x128xf32, #tpu.memory_space<vmem>>)
      tpu.yield
    }) : () -> ()
    %add3A_41 = arith.constant 128 : i32
    %add3A_42 = arith.addi %mul3A_6, %add3A_41 : i32
    "tpu.region"() ({
      %run_scoped3A = tpu.sem_alloc : memref<!tpu.dma_semaphore, #tpu.memory_space<semaphore_mem>>
      %dma_start3A_55 = arith.constant 0 : i32
      %dma_start3A_56 = arith.constant 0 : i32
      %dma_start3A_57 = tpu.memref_slice %arg11[%dma_start3A_55, %dma_start3A_56] : memref<128x128xf32, #tpu.memory_space<vmem>> -> memref<128x128xf32, #tpu.memory_space<vmem>>
      %dma_start3A_58 = arith.constant 0 : i32
      %dma_start3A_59 = tpu.memref_slice %arg6[%arg0, %add3A_42, %dma_start3A_58] : memref<2x10112x128xf32, #tpu.memory_space<hbm>> -> memref<1x128x128xf32, #tpu.memory_space<hbm>>
      %dma_start3A_60 = tpu.memref_squeeze %dma_start3A_59 : memref<1x128x128xf32, #tpu.memory_space<hbm>> -> memref<128x128xf32, #tpu.memory_space<hbm>>
      %dma_start3A_61 = arith.constant 0 : i32
      %dma_start3A_62 = tpu.memref_slice %arg6[%arg0, %add3A_42, %dma_start3A_61] : memref<2x10112x128xf32, #tpu.memory_space<hbm>> -> memref<1x128x128xf32, #tpu.memory_space<hbm>>
      %dma_start3A_63 = tpu.memref_squeeze %dma_start3A_62 : memref<1x128x128xf32, #tpu.memory_space<hbm>> -> memref<128x128xf32, #tpu.memory_space<hbm>>
      %dma_start3A_64 = arith.constant 0 : i32
      %dma_start3A_65 = arith.constant 0 : i32
      %dma_start3A_66 = tpu.memref_slice %arg11[%dma_start3A_64, %dma_start3A_65] : memref<128x128xf32, #tpu.memory_space<vmem>> -> memref<128x128xf32, #tpu.memory_space<vmem>>
      tpu.enqueue_dma source(%dma_start3A_66 : memref<128x128xf32, #tpu.memory_space<vmem>>) target(%dma_start3A_63 : memref<128x128xf32, #tpu.memory_space<hbm>>) target_semaphore(%run_scoped3A : memref<!tpu.dma_semaphore, #tpu.memory_space<semaphore_mem>>)
      %dma_wait3A = arith.constant 0 : i32
      %dma_wait3A_67 = arith.constant 0 : i32
      %dma_wait3A_68 = tpu.memref_slice %arg11[%dma_wait3A, %dma_wait3A_67] : memref<128x128xf32, #tpu.memory_space<vmem>> -> memref<128x128xf32, #tpu.memory_space<vmem>>
      %dma_wait3A_69 = arith.constant 0 : i32
      %dma_wait3A_70 = tpu.memref_slice %arg6[%arg0, %add3A_42, %dma_wait3A_69] : memref<2x10112x128xf32, #tpu.memory_space<hbm>> -> memref<1x128x128xf32, #tpu.memory_space<hbm>>
      %dma_wait3A_71 = tpu.memref_squeeze %dma_wait3A_70 : memref<1x128x128xf32, #tpu.memory_space<hbm>> -> memref<128x128xf32, #tpu.memory_space<hbm>>
      %dma_wait3A_72 = arith.constant 0 : i32
      %dma_wait3A_73 = tpu.memref_slice %arg6[%arg0, %add3A_42, %dma_wait3A_72] : memref<2x10112x128xf32, #tpu.memory_space<hbm>> -> memref<1x128x128xf32, #tpu.memory_space<hbm>>
      %dma_wait3A_74 = tpu.memref_squeeze %dma_wait3A_73 : memref<1x128x128xf32, #tpu.memory_space<hbm>> -> memref<128x128xf32, #tpu.memory_space<hbm>>
      %dma_wait3A_75 = arith.constant 0 : i32
      %dma_wait3A_76 = arith.constant 0 : i32
      %dma_wait3A_77 = tpu.memref_slice %arg11[%dma_wait3A_75, %dma_wait3A_76] : memref<128x128xf32, #tpu.memory_space<vmem>> -> memref<128x128xf32, #tpu.memory_space<vmem>>
      tpu.wait_dma2 semaphore(%run_scoped3A : memref<!tpu.dma_semaphore, #tpu.memory_space<semaphore_mem>>) src(%dma_wait3A_77 : memref<128x128xf32, #tpu.memory_space<vmem>>) dst(%dma_wait3A_74 : memref<128x128xf32, #tpu.memory_space<hbm>>)
      tpu.yield
    }) : () -> ()
    %add3A_43 = arith.constant 256 : i32
    %add3A_44 = arith.addi %mul3A_6, %add3A_43 : i32
    "tpu.region"() ({
      %run_scoped3A = tpu.sem_alloc : memref<!tpu.dma_semaphore, #tpu.memory_space<semaphore_mem>>
      %dma_start3A_55 = arith.constant 0 : i32
      %dma_start3A_56 = arith.constant 0 : i32
      %dma_start3A_57 = tpu.memref_slice %arg11[%dma_start3A_55, %dma_start3A_56] : memref<128x128xf32, #tpu.memory_space<vmem>> -> memref<128x128xf32, #tpu.memory_space<vmem>>
      %dma_start3A_58 = arith.constant 0 : i32
      %dma_start3A_59 = tpu.memref_slice %arg13[%add3A_44, %dma_start3A_58] : memref<10112x128xf32, #tpu.memory_space<vmem_shared>> -> memref<128x128xf32, #tpu.memory_space<vmem_shared>>
      %dma_start3A_60 = arith.constant 0 : i32
      %dma_start3A_61 = arith.constant 0 : i32
      %dma_start3A_62 = tpu.memref_slice %arg11[%dma_start3A_60, %dma_start3A_61] : memref<128x128xf32, #tpu.memory_space<vmem>> -> memref<128x128xf32, #tpu.memory_space<vmem>>
      %dma_start3A_63 = arith.constant 0 : i32
      %dma_start3A_64 = tpu.memref_slice %arg13[%add3A_44, %dma_start3A_63] : memref<10112x128xf32, #tpu.memory_space<vmem_shared>> -> memref<128x128xf32, #tpu.memory_space<vmem_shared>>
      tpu.enqueue_dma source(%dma_start3A_64 : memref<128x128xf32, #tpu.memory_space<vmem_shared>>) target(%dma_start3A_62 : memref<128x128xf32, #tpu.memory_space<vmem>>) target_semaphore(%run_scoped3A : memref<!tpu.dma_semaphore, #tpu.memory_space<semaphore_mem>>)
      %dma_wait3A = arith.constant 0 : i32
      %dma_wait3A_65 = arith.constant 0 : i32
      %dma_wait3A_66 = tpu.memref_slice %arg11[%dma_wait3A, %dma_wait3A_65] : memref<128x128xf32, #tpu.memory_space<vmem>> -> memref<128x128xf32, #tpu.memory_space<vmem>>
      %dma_wait3A_67 = arith.constant 0 : i32
      %dma_wait3A_68 = tpu.memref_slice %arg13[%add3A_44, %dma_wait3A_67] : memref<10112x128xf32, #tpu.memory_space<vmem_shared>> -> memref<128x128xf32, #tpu.memory_space<vmem_shared>>
      %dma_wait3A_69 = arith.constant 0 : i32
      %dma_wait3A_70 = arith.constant 0 : i32
      %dma_wait3A_71 = tpu.memref_slice %arg11[%dma_wait3A_69, %dma_wait3A_70] : memref<128x128xf32, #tpu.memory_space<vmem>> -> memref<128x128xf32, #tpu.memory_space<vmem>>
      %dma_wait3A_72 = arith.constant 0 : i32
      %dma_wait3A_73 = tpu.memref_slice %arg13[%add3A_44, %dma_wait3A_72] : memref<10112x128xf32, #tpu.memory_space<vmem_shared>> -> memref<128x128xf32, #tpu.memory_space<vmem_shared>>
      tpu.wait_dma2 semaphore(%run_scoped3A : memref<!tpu.dma_semaphore, #tpu.memory_space<semaphore_mem>>) src(%dma_wait3A_73 : memref<128x128xf32, #tpu.memory_space<vmem_shared>>) dst(%dma_wait3A_71 : memref<128x128xf32, #tpu.memory_space<vmem>>)
      tpu.yield
    }) : () -> ()
    %add3A_45 = arith.constant 256 : i32
    %add3A_46 = arith.addi %mul3A_6, %add3A_45 : i32
    "tpu.region"() ({
      %run_scoped3A = tpu.sem_alloc : memref<!tpu.dma_semaphore, #tpu.memory_space<semaphore_mem>>
      %dma_start3A_55 = arith.constant 0 : i32
      %dma_start3A_56 = arith.constant 0 : i32
      %dma_start3A_57 = tpu.memref_slice %arg11[%dma_start3A_55, %dma_start3A_56] : memref<128x128xf32, #tpu.memory_space<vmem>> -> memref<128x128xf32, #tpu.memory_space<vmem>>
      %dma_start3A_58 = arith.constant 0 : i32
      %dma_start3A_59 = tpu.memref_slice %arg6[%arg0, %add3A_46, %dma_start3A_58] : memref<2x10112x128xf32, #tpu.memory_space<hbm>> -> memref<1x128x128xf32, #tpu.memory_space<hbm>>
      %dma_start3A_60 = tpu.memref_squeeze %dma_start3A_59 : memref<1x128x128xf32, #tpu.memory_space<hbm>> -> memref<128x128xf32, #tpu.memory_space<hbm>>
      %dma_start3A_61 = arith.constant 0 : i32
      %dma_start3A_62 = tpu.memref_slice %arg6[%arg0, %add3A_46, %dma_start3A_61] : memref<2x10112x128xf32, #tpu.memory_space<hbm>> -> memref<1x128x128xf32, #tpu.memory_space<hbm>>
      %dma_start3A_63 = tpu.memref_squeeze %dma_start3A_62 : memref<1x128x128xf32, #tpu.memory_space<hbm>> -> memref<128x128xf32, #tpu.memory_space<hbm>>
      %dma_start3A_64 = arith.constant 0 : i32
      %dma_start3A_65 = arith.constant 0 : i32
      %dma_start3A_66 = tpu.memref_slice %arg11[%dma_start3A_64, %dma_start3A_65] : memref<128x128xf32, #tpu.memory_space<vmem>> -> memref<128x128xf32, #tpu.memory_space<vmem>>
      tpu.enqueue_dma source(%dma_start3A_66 : memref<128x128xf32, #tpu.memory_space<vmem>>) target(%dma_start3A_63 : memref<128x128xf32, #tpu.memory_space<hbm>>) target_semaphore(%run_scoped3A : memref<!tpu.dma_semaphore, #tpu.memory_space<semaphore_mem>>)
      %dma_wait3A = arith.constant 0 : i32
      %dma_wait3A_67 = arith.constant 0 : i32
      %dma_wait3A_68 = tpu.memref_slice %arg11[%dma_wait3A, %dma_wait3A_67] : memref<128x128xf32, #tpu.memory_space<vmem>> -> memref<128x128xf32, #tpu.memory_space<vmem>>
      %dma_wait3A_69 = arith.constant 0 : i32
      %dma_wait3A_70 = tpu.memref_slice %arg6[%arg0, %add3A_46, %dma_wait3A_69] : memref<2x10112x128xf32, #tpu.memory_space<hbm>> -> memref<1x128x128xf32, #tpu.memory_space<hbm>>
      %dma_wait3A_71 = tpu.memref_squeeze %dma_wait3A_70 : memref<1x128x128xf32, #tpu.memory_space<hbm>> -> memref<128x128xf32, #tpu.memory_space<hbm>>
      %dma_wait3A_72 = arith.constant 0 : i32
      %dma_wait3A_73 = tpu.memref_slice %arg6[%arg0, %add3A_46, %dma_wait3A_72] : memref<2x10112x128xf32, #tpu.memory_space<hbm>> -> memref<1x128x128xf32, #tpu.memory_space<hbm>>
      %dma_wait3A_74 = tpu.memref_squeeze %dma_wait3A_73 : memref<1x128x128xf32, #tpu.memory_space<hbm>> -> memref<128x128xf32, #tpu.memory_space<hbm>>
      %dma_wait3A_75 = arith.constant 0 : i32
      %dma_wait3A_76 = arith.constant 0 : i32
      %dma_wait3A_77 = tpu.memref_slice %arg11[%dma_wait3A_75, %dma_wait3A_76] : memref<128x128xf32, #tpu.memory_space<vmem>> -> memref<128x128xf32, #tpu.memory_space<vmem>>
      tpu.wait_dma2 semaphore(%run_scoped3A : memref<!tpu.dma_semaphore, #tpu.memory_space<semaphore_mem>>) src(%dma_wait3A_77 : memref<128x128xf32, #tpu.memory_space<vmem>>) dst(%dma_wait3A_74 : memref<128x128xf32, #tpu.memory_space<hbm>>)
      tpu.yield
    }) : () -> ()
    %add3A_47 = arith.constant 384 : i32
    %add3A_48 = arith.addi %mul3A_6, %add3A_47 : i32
    "tpu.region"() ({
      %run_scoped3A = tpu.sem_alloc : memref<!tpu.dma_semaphore, #tpu.memory_space<semaphore_mem>>
      %dma_start3A_55 = arith.constant 0 : i32
      %dma_start3A_56 = arith.constant 0 : i32
      %dma_start3A_57 = tpu.memref_slice %arg11[%dma_start3A_55, %dma_start3A_56] : memref<128x128xf32, #tpu.memory_space<vmem>> -> memref<128x128xf32, #tpu.memory_space<vmem>>
      %dma_start3A_58 = arith.constant 0 : i32
      %dma_start3A_59 = tpu.memref_slice %arg13[%add3A_48, %dma_start3A_58] : memref<10112x128xf32, #tpu.memory_space<vmem_shared>> -> memref<128x128xf32, #tpu.memory_space<vmem_shared>>
      %dma_start3A_60 = arith.constant 0 : i32
      %dma_start3A_61 = arith.constant 0 : i32
      %dma_start3A_62 = tpu.memref_slice %arg11[%dma_start3A_60, %dma_start3A_61] : memref<128x128xf32, #tpu.memory_space<vmem>> -> memref<128x128xf32, #tpu.memory_space<vmem>>
      %dma_start3A_63 = arith.constant 0 : i32
      %dma_start3A_64 = tpu.memref_slice %arg13[%add3A_48, %dma_start3A_63] : memref<10112x128xf32, #tpu.memory_space<vmem_shared>> -> memref<128x128xf32, #tpu.memory_space<vmem_shared>>
      tpu.enqueue_dma source(%dma_start3A_64 : memref<128x128xf32, #tpu.memory_space<vmem_shared>>) target(%dma_start3A_62 : memref<128x128xf32, #tpu.memory_space<vmem>>) target_semaphore(%run_scoped3A : memref<!tpu.dma_semaphore, #tpu.memory_space<semaphore_mem>>)
      %dma_wait3A = arith.constant 0 : i32
      %dma_wait3A_65 = arith.constant 0 : i32
      %dma_wait3A_66 = tpu.memref_slice %arg11[%dma_wait3A, %dma_wait3A_65] : memref<128x128xf32, #tpu.memory_space<vmem>> -> memref<128x128xf32, #tpu.memory_space<vmem>>
      %dma_wait3A_67 = arith.constant 0 : i32
      %dma_wait3A_68 = tpu.memref_slice %arg13[%add3A_48, %dma_wait3A_67] : memref<10112x128xf32, #tpu.memory_space<vmem_shared>> -> memref<128x128xf32, #tpu.memory_space<vmem_shared>>
      %dma_wait3A_69 = arith.constant 0 : i32
      %dma_wait3A_70 = arith.constant 0 : i32
      %dma_wait3A_71 = tpu.memref_slice %arg11[%dma_wait3A_69, %dma_wait3A_70] : memref<128x128xf32, #tpu.memory_space<vmem>> -> memref<128x128xf32, #tpu.memory_space<vmem>>
      %dma_wait3A_72 = arith.constant 0 : i32
      %dma_wait3A_73 = tpu.memref_slice %arg13[%add3A_48, %dma_wait3A_72] : memref<10112x128xf32, #tpu.memory_space<vmem_shared>> -> memref<128x128xf32, #tpu.memory_space<vmem_shared>>
      tpu.wait_dma2 semaphore(%run_scoped3A : memref<!tpu.dma_semaphore, #tpu.memory_space<semaphore_mem>>) src(%dma_wait3A_73 : memref<128x128xf32, #tpu.memory_space<vmem_shared>>) dst(%dma_wait3A_71 : memref<128x128xf32, #tpu.memory_space<vmem>>)
      tpu.yield
    }) : () -> ()
    %add3A_49 = arith.constant 384 : i32
    %add3A_50 = arith.addi %mul3A_6, %add3A_49 : i32
    "tpu.region"() ({
      %run_scoped3A = tpu.sem_alloc : memref<!tpu.dma_semaphore, #tpu.memory_space<semaphore_mem>>
      %dma_start3A_55 = arith.constant 0 : i32
      %dma_start3A_56 = arith.constant 0 : i32
      %dma_start3A_57 = tpu.memref_slice %arg11[%dma_start3A_55, %dma_start3A_56] : memref<128x128xf32, #tpu.memory_space<vmem>> -> memref<128x128xf32, #tpu.memory_space<vmem>>
      %dma_start3A_58 = arith.constant 0 : i32
      %dma_start3A_59 = tpu.memref_slice %arg6[%arg0, %add3A_50, %dma_start3A_58] : memref<2x10112x128xf32, #tpu.memory_space<hbm>> -> memref<1x128x128xf32, #tpu.memory_space<hbm>>
      %dma_start3A_60 = tpu.memref_squeeze %dma_start3A_59 : memref<1x128x128xf32, #tpu.memory_space<hbm>> -> memref<128x128xf32, #tpu.memory_space<hbm>>
      %dma_start3A_61 = arith.constant 0 : i32
      %dma_start3A_62 = tpu.memref_slice %arg6[%arg0, %add3A_50, %dma_start3A_61] : memref<2x10112x128xf32, #tpu.memory_space<hbm>> -> memref<1x128x128xf32, #tpu.memory_space<hbm>>
      %dma_start3A_63 = tpu.memref_squeeze %dma_start3A_62 : memref<1x128x128xf32, #tpu.memory_space<hbm>> -> memref<128x128xf32, #tpu.memory_space<hbm>>
      %dma_start3A_64 = arith.constant 0 : i32
      %dma_start3A_65 = arith.constant 0 : i32
      %dma_start3A_66 = tpu.memref_slice %arg11[%dma_start3A_64, %dma_start3A_65] : memref<128x128xf32, #tpu.memory_space<vmem>> -> memref<128x128xf32, #tpu.memory_space<vmem>>
      tpu.enqueue_dma source(%dma_start3A_66 : memref<128x128xf32, #tpu.memory_space<vmem>>) target(%dma_start3A_63 : memref<128x128xf32, #tpu.memory_space<hbm>>) target_semaphore(%run_scoped3A : memref<!tpu.dma_semaphore, #tpu.memory_space<semaphore_mem>>)
      %dma_wait3A = arith.constant 0 : i32
      %dma_wait3A_67 = arith.constant 0 : i32
      %dma_wait3A_68 = tpu.memref_slice %arg11[%dma_wait3A, %dma_wait3A_67] : memref<128x128xf32, #tpu.memory_space<vmem>> -> memref<128x128xf32, #tpu.memory_space<vmem>>
      %dma_wait3A_69 = arith.constant 0 : i32
      %dma_wait3A_70 = tpu.memref_slice %arg6[%arg0, %add3A_50, %dma_wait3A_69] : memref<2x10112x128xf32, #tpu.memory_space<hbm>> -> memref<1x128x128xf32, #tpu.memory_space<hbm>>
      %dma_wait3A_71 = tpu.memref_squeeze %dma_wait3A_70 : memref<1x128x128xf32, #tpu.memory_space<hbm>> -> memref<128x128xf32, #tpu.memory_space<hbm>>
      %dma_wait3A_72 = arith.constant 0 : i32
      %dma_wait3A_73 = tpu.memref_slice %arg6[%arg0, %add3A_50, %dma_wait3A_72] : memref<2x10112x128xf32, #tpu.memory_space<hbm>> -> memref<1x128x128xf32, #tpu.memory_space<hbm>>
      %dma_wait3A_74 = tpu.memref_squeeze %dma_wait3A_73 : memref<1x128x128xf32, #tpu.memory_space<hbm>> -> memref<128x128xf32, #tpu.memory_space<hbm>>
      %dma_wait3A_75 = arith.constant 0 : i32
      %dma_wait3A_76 = arith.constant 0 : i32
      %dma_wait3A_77 = tpu.memref_slice %arg11[%dma_wait3A_75, %dma_wait3A_76] : memref<128x128xf32, #tpu.memory_space<vmem>> -> memref<128x128xf32, #tpu.memory_space<vmem>>
      tpu.wait_dma2 semaphore(%run_scoped3A : memref<!tpu.dma_semaphore, #tpu.memory_space<semaphore_mem>>) src(%dma_wait3A_77 : memref<128x128xf32, #tpu.memory_space<vmem>>) dst(%dma_wait3A_74 : memref<128x128xf32, #tpu.memory_space<hbm>>)
      tpu.yield
    }) : () -> ()
    %add3A_51 = arith.constant 512 : i32
    %add3A_52 = arith.addi %mul3A_6, %add3A_51 : i32
    "tpu.region"() ({
      %run_scoped3A = tpu.sem_alloc : memref<!tpu.dma_semaphore, #tpu.memory_space<semaphore_mem>>
      %dma_start3A_55 = arith.constant 0 : i32
      %dma_start3A_56 = arith.constant 0 : i32
      %dma_start3A_57 = tpu.memref_slice %arg11[%dma_start3A_55, %dma_start3A_56] : memref<128x128xf32, #tpu.memory_space<vmem>> -> memref<120x128xf32, #tpu.memory_space<vmem>>
      %dma_start3A_58 = arith.constant 0 : i32
      %dma_start3A_59 = tpu.memref_slice %arg13[%add3A_52, %dma_start3A_58] : memref<10112x128xf32, #tpu.memory_space<vmem_shared>> -> memref<120x128xf32, #tpu.memory_space<vmem_shared>>
      %dma_start3A_60 = arith.constant 0 : i32
      %dma_start3A_61 = arith.constant 0 : i32
      %dma_start3A_62 = tpu.memref_slice %arg11[%dma_start3A_60, %dma_start3A_61] : memref<128x128xf32, #tpu.memory_space<vmem>> -> memref<120x128xf32, #tpu.memory_space<vmem>>
      %dma_start3A_63 = arith.constant 0 : i32
      %dma_start3A_64 = tpu.memref_slice %arg13[%add3A_52, %dma_start3A_63] : memref<10112x128xf32, #tpu.memory_space<vmem_shared>> -> memref<120x128xf32, #tpu.memory_space<vmem_shared>>
      tpu.enqueue_dma source(%dma_start3A_64 : memref<120x128xf32, #tpu.memory_space<vmem_shared>>) target(%dma_start3A_62 : memref<120x128xf32, #tpu.memory_space<vmem>>) target_semaphore(%run_scoped3A : memref<!tpu.dma_semaphore, #tpu.memory_space<semaphore_mem>>)
      %dma_wait3A = arith.constant 0 : i32
      %dma_wait3A_65 = arith.constant 0 : i32
      %dma_wait3A_66 = tpu.memref_slice %arg11[%dma_wait3A, %dma_wait3A_65] : memref<128x128xf32, #tpu.memory_space<vmem>> -> memref<120x128xf32, #tpu.memory_space<vmem>>
      %dma_wait3A_67 = arith.constant 0 : i32
      %dma_wait3A_68 = tpu.memref_slice %arg13[%add3A_52, %dma_wait3A_67] : memref<10112x128xf32, #tpu.memory_space<vmem_shared>> -> memref<120x128xf32, #tpu.memory_space<vmem_shared>>
      %dma_wait3A_69 = arith.constant 0 : i32
      %dma_wait3A_70 = arith.constant 0 : i32
      %dma_wait3A_71 = tpu.memref_slice %arg11[%dma_wait3A_69, %dma_wait3A_70] : memref<128x128xf32, #tpu.memory_space<vmem>> -> memref<120x128xf32, #tpu.memory_space<vmem>>
      %dma_wait3A_72 = arith.constant 0 : i32
      %dma_wait3A_73 = tpu.memref_slice %arg13[%add3A_52, %dma_wait3A_72] : memref<10112x128xf32, #tpu.memory_space<vmem_shared>> -> memref<120x128xf32, #tpu.memory_space<vmem_shared>>
      tpu.wait_dma2 semaphore(%run_scoped3A : memref<!tpu.dma_semaphore, #tpu.memory_space<semaphore_mem>>) src(%dma_wait3A_73 : memref<120x128xf32, #tpu.memory_space<vmem_shared>>) dst(%dma_wait3A_71 : memref<120x128xf32, #tpu.memory_space<vmem>>)
      tpu.yield
    }) : () -> ()
    %add3A_53 = arith.constant 512 : i32
    %add3A_54 = arith.addi %mul3A_6, %add3A_53 : i32
    "tpu.region"() ({
      %run_scoped3A = tpu.sem_alloc : memref<!tpu.dma_semaphore, #tpu.memory_space<semaphore_mem>>
      %dma_start3A_55 = arith.constant 0 : i32
      %dma_start3A_56 = arith.constant 0 : i32
      %dma_start3A_57 = tpu.memref_slice %arg11[%dma_start3A_55, %dma_start3A_56] : memref<128x128xf32, #tpu.memory_space<vmem>> -> memref<120x128xf32, #tpu.memory_space<vmem>>
      %dma_start3A_58 = arith.constant 0 : i32
      %dma_start3A_59 = tpu.memref_slice %arg6[%arg0, %add3A_54, %dma_start3A_58] : memref<2x10112x128xf32, #tpu.memory_space<hbm>> -> memref<1x120x128xf32, #tpu.memory_space<hbm>>
      %dma_start3A_60 = tpu.memref_squeeze %dma_start3A_59 : memref<1x120x128xf32, #tpu.memory_space<hbm>> -> memref<120x128xf32, #tpu.memory_space<hbm>>
      %dma_start3A_61 = arith.constant 0 : i32
      %dma_start3A_62 = tpu.memref_slice %arg6[%arg0, %add3A_54, %dma_start3A_61] : memref<2x10112x128xf32, #tpu.memory_space<hbm>> -> memref<1x120x128xf32, #tpu.memory_space<hbm>>
      %dma_start3A_63 = tpu.memref_squeeze %dma_start3A_62 : memref<1x120x128xf32, #tpu.memory_space<hbm>> -> memref<120x128xf32, #tpu.memory_space<hbm>>
      %dma_start3A_64 = arith.constant 0 : i32
      %dma_start3A_65 = arith.constant 0 : i32
      %dma_start3A_66 = tpu.memref_slice %arg11[%dma_start3A_64, %dma_start3A_65] : memref<128x128xf32, #tpu.memory_space<vmem>> -> memref<120x128xf32, #tpu.memory_space<vmem>>
      tpu.enqueue_dma source(%dma_start3A_66 : memref<120x128xf32, #tpu.memory_space<vmem>>) target(%dma_start3A_63 : memref<120x128xf32, #tpu.memory_space<hbm>>) target_semaphore(%run_scoped3A : memref<!tpu.dma_semaphore, #tpu.memory_space<semaphore_mem>>)
      %dma_wait3A = arith.constant 0 : i32
      %dma_wait3A_67 = arith.constant 0 : i32
      %dma_wait3A_68 = tpu.memref_slice %arg11[%dma_wait3A, %dma_wait3A_67] : memref<128x128xf32, #tpu.memory_space<vmem>> -> memref<120x128xf32, #tpu.memory_space<vmem>>
      %dma_wait3A_69 = arith.constant 0 : i32
      %dma_wait3A_70 = tpu.memref_slice %arg6[%arg0, %add3A_54, %dma_wait3A_69] : memref<2x10112x128xf32, #tpu.memory_space<hbm>> -> memref<1x120x128xf32, #tpu.memory_space<hbm>>
      %dma_wait3A_71 = tpu.memref_squeeze %dma_wait3A_70 : memref<1x120x128xf32, #tpu.memory_space<hbm>> -> memref<120x128xf32, #tpu.memory_space<hbm>>
      %dma_wait3A_72 = arith.constant 0 : i32
      %dma_wait3A_73 = tpu.memref_slice %arg6[%arg0, %add3A_54, %dma_wait3A_72] : memref<2x10112x128xf32, #tpu.memory_space<hbm>> -> memref<1x120x128xf32, #tpu.memory_space<hbm>>
      %dma_wait3A_74 = tpu.memref_squeeze %dma_wait3A_73 : memref<1x120x128xf32, #tpu.memory_space<hbm>> -> memref<120x128xf32, #tpu.memory_space<hbm>>
      %dma_wait3A_75 = arith.constant 0 : i32
      %dma_wait3A_76 = arith.constant 0 : i32
      %dma_wait3A_77 = tpu.memref_slice %arg11[%dma_wait3A_75, %dma_wait3A_76] : memref<128x128xf32, #tpu.memory_space<vmem>> -> memref<120x128xf32, #tpu.memory_space<vmem>>
      tpu.wait_dma2 semaphore(%run_scoped3A : memref<!tpu.dma_semaphore, #tpu.memory_space<semaphore_mem>>) src(%dma_wait3A_77 : memref<120x128xf32, #tpu.memory_space<vmem>>) dst(%dma_wait3A_74 : memref<120x128xf32, #tpu.memory_space<hbm>>)
      tpu.yield
    }) : () -> ()
    return
  }
}

module attributes {stable_mosaic.version = 14 : i64} {
  func.func @body(%arg0: i32, %arg1: memref<1000x128xf32, #tpu.memory_space<vmem>>, %arg2: memref<1000x1xf32, #tpu.memory_space<vmem>>, %arg3: memref<128x128xf32, #tpu.memory_space<vmem>>, %arg4: memref<1000x16xf32, #tpu.memory_space<vmem>>, %arg5: memref<1000x16xf32, #tpu.memory_space<vmem>>, %arg6: memref<1000x128xf32, #tpu.memory_space<vmem>>, %arg7: memref<1000x128xf32, #tpu.memory_space<vmem>>) attributes {dimension_semantics = [#tpu.dimension_semantics<arbitrary>], iteration_bounds = array<i64: 10>, scalar_prefetch = 0 : i64, scratch_operands = 0 : i64, tpu.core_type = #tpu.core_type<tc>, window_params = [{transform_indices = @transform_0, window_bounds = array<i64: 1000, 128>}, {transform_indices = @transform_1, window_bounds = array<i64: 1000, 1>}, {pipeline_mode = #tpu.pipeline_mode<synchronous>, transform_indices = @transform_2, window_bounds = array<i64: 128, 128>}, {transform_indices = @transform_3, window_bounds = array<i64: 1000, 16>}, {transform_indices = @transform_4, window_bounds = array<i64: 1000, 16>}, {transform_indices = @transform_5, window_bounds = array<i64: 1000, 128>}, {transform_indices = @transform_6, window_bounds = array<i64: 1000, 128>}]} {
    %get3A = arith.constant 0 : index
    %get3A_0 = arith.constant 0 : index
    %get3A_1 = vector.load %arg1[%get3A, %get3A_0] : memref<1000x128xf32, #tpu.memory_space<vmem>>, vector<1000x128xf32>
    %get3A_2 = arith.constant 0 : index
    %get3A_3 = arith.constant 0 : index
    %get3A_4 = vector.load %arg2[%get3A_2, %get3A_3] : memref<1000x1xf32, #tpu.memory_space<vmem>>, vector<1000x1xf32>
    %mul3A = vector.broadcast %get3A_4 : vector<1000x1xf32> to vector<1000x128xf32>
    %mul3A_5 = arith.mulf %get3A_1, %mul3A : vector<1000x128xf32>
    %get3A_6 = arith.constant 0 : index
    %get3A_7 = arith.constant 0 : index
    %get3A_8 = vector.load %arg3[%get3A_6, %get3A_7] : memref<128x128xf32, #tpu.memory_space<vmem>>, vector<128x128xf32>
    %dot_general3A = arith.constant dense<0.000000e+00> : vector<1000x128xf32>
    %dot_general3A_9 = tpu.matmul %mul3A_5, %get3A_8, %dot_general3A {dimension_numbers = #tpu.dot_dimension_numbers<[1], [0], [0], [1], [0, 0, 1, 1], [], []>, transpose_lhs_hint = false} : vector<1000x128xf32>, vector<128x128xf32>, vector<1000x128xf32> -> vector<1000x128xf32>
    %get3A_10 = arith.constant 0 : index
    %get3A_11 = arith.constant 0 : index
    %get3A_12 = vector.load %arg4[%get3A_10, %get3A_11] : memref<1000x16xf32, #tpu.memory_space<vmem>>, vector<1000x1xf32>
    %get3A_13 = arith.constant 0 : index
    %get3A_14 = arith.constant 0 : index
    %get3A_15 = vector.load %arg5[%get3A_13, %get3A_14] : memref<1000x16xf32, #tpu.memory_space<vmem>>, vector<1000x1xf32>
    %add3A = arith.addf %get3A_12, %get3A_15 : vector<1000x1xf32>
    %add3A_16 = arith.constant 1.000000e+00 : f32
    %add3A_17 = vector.broadcast %add3A_16 : f32 to vector<1000x1xf32>
    %add3A_18 = arith.addf %add3A, %add3A_17 : vector<1000x1xf32>
    %sqrt3A = math.sqrt %add3A_18 : vector<1000x1xf32>
    %div3A = arith.constant 1.000000e+00 : f32
    %div3A_19 = vector.broadcast %div3A : f32 to vector<1000x1xf32>
    %div3A_20 = arith.divf %div3A_19, %sqrt3A : vector<1000x1xf32>
    %mul3A_21 = vector.broadcast %div3A_20 : vector<1000x1xf32> to vector<1000x128xf32>
    %mul3A_22 = arith.mulf %dot_general3A_9, %mul3A_21 : vector<1000x128xf32>
    %swap3A = arith.constant 0 : index
    %swap3A_23 = arith.constant 0 : index
    %swap3A_24 = vector.load %arg6[%swap3A, %swap3A_23] : memref<1000x128xf32, #tpu.memory_space<vmem>>, vector<1000x128xf32>
    tpu.vector_store %arg6[%swap3A, %swap3A_23], %mul3A_22 {strides = array<i32>} : memref<1000x128xf32, #tpu.memory_space<vmem>>, vector<1000x128xf32>,
    %broadcast_in_dim3A = vector.shape_cast %div3A_20 : vector<1000x1xf32> to vector<1000x1xf32>
    %broadcast_in_dim3A_25 = vector.broadcast %broadcast_in_dim3A : vector<1000x1xf32> to vector<1000x128xf32>
    %swap3A_26 = arith.constant 0 : index
    %swap3A_27 = arith.constant 0 : index
    %swap3A_28 = vector.load %arg7[%swap3A_26, %swap3A_27] : memref<1000x128xf32, #tpu.memory_space<vmem>>, vector<1000x128xf32>
    tpu.vector_store %arg7[%swap3A_26, %swap3A_27], %broadcast_in_dim3A_25 {strides = array<i32>} : memref<1000x128xf32, #tpu.memory_space<vmem>>, vector<1000x128xf32>,
    return
  }
  func.func @transform_0(%arg0: i32) -> (i32, i32) {
    %c0_i32 = arith.constant 0 : i32
    %c0_i32_0 = arith.constant 0 : i32
    return %arg0, %c0_i32 : i32, i32
  }
  func.func @transform_1(%arg0: i32) -> (i32, i32) {
    %c0_i32 = arith.constant 0 : i32
    %c0_i32_0 = arith.constant 0 : i32
    return %arg0, %c0_i32 : i32, i32
  }
  func.func @transform_2(%arg0: i32) -> (i32, i32) {
    %c0_i32 = arith.constant 0 : i32
    %c0_i32_0 = arith.constant 0 : i32
    %c0_i32_1 = arith.constant 0 : i32
    return %c0_i32, %c0_i32_0 : i32, i32
  }
  func.func @transform_3(%arg0: i32) -> (i32, i32) {
    %c0_i32 = arith.constant 0 : i32
    %c0_i32_0 = arith.constant 0 : i32
    return %arg0, %c0_i32 : i32, i32
  }
  func.func @transform_4(%arg0: i32) -> (i32, i32) {
    %c0_i32 = arith.constant 0 : i32
    %c0_i32_0 = arith.constant 0 : i32
    return %arg0, %c0_i32 : i32, i32
  }
  func.func @transform_5(%arg0: i32) -> (i32, i32) {
    %c0_i32 = arith.constant 0 : i32
    %c0_i32_0 = arith.constant 0 : i32
    return %arg0, %c0_i32 : i32, i32
  }
  func.func @transform_6(%arg0: i32) -> (i32, i32) {
    %c0_i32 = arith.constant 0 : i32
    %c0_i32_0 = arith.constant 0 : i32
    return %arg0, %c0_i32 : i32, i32
  }
}

module attributes {stable_mosaic.version = 14 : i64} {
  func.func @body(%arg0: i32, %arg1: memref<1000x128xf32, #tpu.memory_space<vmem>>, %arg2: memref<1000x128xf32, #tpu.memory_space<vmem>>, %arg3: memref<1000x128xf32, #tpu.memory_space<vmem>>, %arg4: memref<1000x128xf32, #tpu.memory_space<vmem>>, %arg5: memref<1x128xf32, #tpu.memory_space<vmem>>, %arg6: memref<128x64xf32, #tpu.memory_space<vmem>>, %arg7: memref<1000x128xf32, #tpu.memory_space<vmem>>) attributes {dimension_semantics = [#tpu.dimension_semantics<arbitrary>], iteration_bounds = array<i64: 10>, scalar_prefetch = 0 : i64, scratch_operands = 0 : i64, tpu.core_type = #tpu.core_type<tc>, window_params = [{transform_indices = @transform_0, window_bounds = array<i64: 1000, 128>}, {transform_indices = @transform_1, window_bounds = array<i64: 1000, 128>}, {transform_indices = @transform_2, window_bounds = array<i64: 1000, 128>}, {transform_indices = @transform_3, window_bounds = array<i64: 1000, 128>}, {pipeline_mode = #tpu.pipeline_mode<synchronous>, transform_indices = @transform_4, window_bounds = array<i64: 1, 128>}, {pipeline_mode = #tpu.pipeline_mode<synchronous>, transform_indices = @transform_5, window_bounds = array<i64: 128, 64>}, {transform_indices = @transform_6, window_bounds = array<i64: 1000, 128>}]} {
    %get3A = arith.constant 0 : index
    %get3A_0 = arith.constant 0 : index
    %get3A_1 = vector.load %arg1[%get3A, %get3A_0] : memref<1000x128xf32, #tpu.memory_space<vmem>>, vector<1000x128xf32>
    %get3A_2 = arith.constant 0 : index
    %get3A_3 = arith.constant 0 : index
    %get3A_4 = vector.load %arg2[%get3A_2, %get3A_3] : memref<1000x128xf32, #tpu.memory_space<vmem>>, vector<1000x128xf32>
    %add3A = arith.addf %get3A_1, %get3A_4 : vector<1000x128xf32>
    %get3A_5 = arith.constant 0 : index
    %get3A_6 = arith.constant 0 : index
    %get3A_7 = vector.load %arg3[%get3A_5, %get3A_6] : memref<1000x128xf32, #tpu.memory_space<vmem>>, vector<1000x128xf32>
    %add3A_8 = arith.addf %add3A, %get3A_7 : vector<1000x128xf32>
    %get3A_9 = arith.constant 0 : index
    %get3A_10 = arith.constant 0 : index
    %get3A_11 = vector.load %arg4[%get3A_9, %get3A_10] : memref<1000x128xf32, #tpu.memory_space<vmem>>, vector<1000x128xf32>
    %mul3A = arith.mulf %add3A_8, %get3A_11 : vector<1000x128xf32>
    %get3A_12 = arith.constant 0 : index
    %get3A_13 = arith.constant 0 : index
    %get3A_14 = vector.load %arg5[%get3A_12, %get3A_13] : memref<1x128xf32, #tpu.memory_space<vmem>>, vector<1x128xf32>
    %add3A_15 = vector.broadcast %get3A_14 : vector<1x128xf32> to vector<1000x128xf32>
    %add3A_16 = arith.addf %mul3A, %add3A_15 : vector<1000x128xf32>
    %max3A = arith.constant 0.000000e+00 : f32
    %max3A_17 = vector.broadcast %max3A : f32 to vector<1000x128xf32>
    %max3A_18 = arith.maximumf %add3A_16, %max3A_17 : vector<1000x128xf32>
    %get3A_19 = arith.constant 0 : index
    %get3A_20 = arith.constant 0 : index
    %get3A_21 = vector.load %arg6[%get3A_19, %get3A_20] : memref<128x64xf32, #tpu.memory_space<vmem>>, vector<128x64xf32>
    %dot_general3A = arith.constant dense<0.000000e+00> : vector<1000x64xf32>
    %dot_general3A_22 = tpu.matmul %max3A_18, %get3A_21, %dot_general3A {dimension_numbers = #tpu.dot_dimension_numbers<[1], [0], [0], [1], [0, 0, 1, 1], [], []>, transpose_lhs_hint = false} : vector<1000x128xf32>, vector<128x64xf32>, vector<1000x64xf32> -> vector<1000x64xf32>
    %get3A_23 = arith.constant 0 : index
    %get3A_24 = arith.constant 0 : index
    %get3A_25 = vector.load %arg4[%get3A_23, %get3A_24] : memref<1000x128xf32, #tpu.memory_space<vmem>>, vector<1000x1xf32>
    %mul3A_26 = vector.broadcast %get3A_25 : vector<1000x1xf32> to vector<1000x64xf32>
    %mul3A_27 = arith.mulf %dot_general3A_22, %mul3A_26 : vector<1000x64xf32>
    %broadcast_in_dim3A = arith.constant 0.000000e+00 : f32
    %broadcast_in_dim3A_28 = vector.broadcast %broadcast_in_dim3A : f32 to vector<1000x64xf32>
    %concatenate3A = tpu.concatenate %mul3A_27, %broadcast_in_dim3A_28 in 1 : vector<1000x64xf32>, vector<1000x64xf32> -> vector<1000x128xf32>
    %swap3A = arith.constant 0 : index
    %swap3A_29 = arith.constant 0 : index
    %swap3A_30 = vector.load %arg7[%swap3A, %swap3A_29] : memref<1000x128xf32, #tpu.memory_space<vmem>>, vector<1000x128xf32>
    tpu.vector_store %arg7[%swap3A, %swap3A_29], %concatenate3A {strides = array<i32>} : memref<1000x128xf32, #tpu.memory_space<vmem>>, vector<1000x128xf32>,
    return
  }
  func.func @transform_0(%arg0: i32) -> (i32, i32) {
    %c0_i32 = arith.constant 0 : i32
    %c0_i32_0 = arith.constant 0 : i32
    return %arg0, %c0_i32 : i32, i32
  }
  func.func @transform_1(%arg0: i32) -> (i32, i32) {
    %c0_i32 = arith.constant 0 : i32
    %c0_i32_0 = arith.constant 0 : i32
    return %arg0, %c0_i32 : i32, i32
  }
  func.func @transform_2(%arg0: i32) -> (i32, i32) {
    %c0_i32 = arith.constant 0 : i32
    %c0_i32_0 = arith.constant 0 : i32
    return %arg0, %c0_i32 : i32, i32
  }
  func.func @transform_3(%arg0: i32) -> (i32, i32) {
    %c0_i32 = arith.constant 0 : i32
    %c0_i32_0 = arith.constant 0 : i32
    return %arg0, %c0_i32 : i32, i32
  }
  func.func @transform_4(%arg0: i32) -> (i32, i32) {
    %c0_i32 = arith.constant 0 : i32
    %c0_i32_0 = arith.constant 0 : i32
    %c0_i32_1 = arith.constant 0 : i32
    return %c0_i32, %c0_i32_0 : i32, i32
  }
  func.func @transform_5(%arg0: i32) -> (i32, i32) {
    %c0_i32 = arith.constant 0 : i32
    %c0_i32_0 = arith.constant 0 : i32
    %c0_i32_1 = arith.constant 0 : i32
    return %c0_i32, %c0_i32_0 : i32, i32
  }
  func.func @transform_6(%arg0: i32) -> (i32, i32) {
    %c0_i32 = arith.constant 0 : i32
    %c0_i32_0 = arith.constant 0 : i32
    return %arg0, %c0_i32 : i32, i32
  }
}

module attributes {stable_mosaic.version = 14 : i64} {
  func.func @body(%arg0: i32, %arg1: memref<1000x128xf32, #tpu.memory_space<vmem>>, %arg2: memref<1000x128xf32, #tpu.memory_space<vmem>>, %arg3: memref<1000x128xf32, #tpu.memory_space<vmem>>, %arg4: memref<1000x128xf32, #tpu.memory_space<vmem>>, %arg5: memref<1x64xf32, #tpu.memory_space<vmem>>, %arg6: memref<64x128xf32, #tpu.memory_space<vmem>>, %arg7: memref<1x128xf32, #tpu.memory_space<vmem>>, %arg8: memref<128x128xf32, #tpu.memory_space<vmem>>, %arg9: memref<1x128xf32, #tpu.memory_space<vmem>>, %arg10: memref<1000x128xf32, #tpu.memory_space<vmem>>, %arg11: memref<1000x64xf32, #tpu.memory_space<vmem>>) attributes {dimension_semantics = [#tpu.dimension_semantics<arbitrary>], iteration_bounds = array<i64: 10>, scalar_prefetch = 0 : i64, scratch_operands = 0 : i64, tpu.core_type = #tpu.core_type<tc>, window_params = [{transform_indices = @transform_0, window_bounds = array<i64: 1000, 128>}, {transform_indices = @transform_1, window_bounds = array<i64: 1000, 128>}, {transform_indices = @transform_2, window_bounds = array<i64: 1000, 128>}, {transform_indices = @transform_3, window_bounds = array<i64: 1000, 128>}, {pipeline_mode = #tpu.pipeline_mode<synchronous>, transform_indices = @transform_4, window_bounds = array<i64: 1, 64>}, {pipeline_mode = #tpu.pipeline_mode<synchronous>, transform_indices = @transform_5, window_bounds = array<i64: 64, 128>}, {pipeline_mode = #tpu.pipeline_mode<synchronous>, transform_indices = @transform_6, window_bounds = array<i64: 1, 128>}, {pipeline_mode = #tpu.pipeline_mode<synchronous>, transform_indices = @transform_7, window_bounds = array<i64: 128, 128>}, {pipeline_mode = #tpu.pipeline_mode<synchronous>, transform_indices = @transform_8, window_bounds = array<i64: 1, 128>}, {transform_indices = @transform_9, window_bounds = array<i64: 1000, 128>}, {transform_indices = @transform_10, window_bounds = array<i64: 1000, 64>}]} {
    %get3A = arith.constant 0 : index
    %get3A_0 = arith.constant 0 : index
    %get3A_1 = vector.load %arg4[%get3A, %get3A_0] : memref<1000x128xf32, #tpu.memory_space<vmem>>, vector<1000x1xf32>
    %get3A_2 = arith.constant 0 : index
    %get3A_3 = arith.constant 0 : index
    %get3A_4 = vector.load %arg1[%get3A_2, %get3A_3] : memref<1000x128xf32, #tpu.memory_space<vmem>>, vector<1000x64xf32>
    %get3A_5 = arith.constant 0 : index
    %get3A_6 = arith.constant 0 : index
    %get3A_7 = vector.load %arg2[%get3A_5, %get3A_6] : memref<1000x128xf32, #tpu.memory_space<vmem>>, vector<1000x64xf32>
    %add3A = arith.addf %get3A_4, %get3A_7 : vector<1000x64xf32>
    %get3A_8 = arith.constant 0 : index
    %get3A_9 = arith.constant 0 : index
    %get3A_10 = vector.load %arg3[%get3A_8, %get3A_9] : memref<1000x128xf32, #tpu.memory_space<vmem>>, vector<1000x64xf32>
    %add3A_11 = arith.addf %add3A, %get3A_10 : vector<1000x64xf32>
    %mul3A = vector.broadcast %get3A_1 : vector<1000x1xf32> to vector<1000x64xf32>
    %mul3A_12 = arith.mulf %add3A_11, %mul3A : vector<1000x64xf32>
    %get3A_13 = arith.constant 0 : index
    %get3A_14 = arith.constant 0 : index
    %get3A_15 = vector.load %arg5[%get3A_13, %get3A_14] : memref<1x64xf32, #tpu.memory_space<vmem>>, vector<1x64xf32>
    %add3A_16 = vector.broadcast %get3A_15 : vector<1x64xf32> to vector<1000x64xf32>
    %add3A_17 = arith.addf %mul3A_12, %add3A_16 : vector<1000x64xf32>
    %get3A_18 = arith.constant 0 : index
    %get3A_19 = arith.constant 0 : index
    %get3A_20 = vector.load %arg6[%get3A_18, %get3A_19] : memref<64x128xf32, #tpu.memory_space<vmem>>, vector<64x128xf32>
    %dot_general3A = arith.constant dense<0.000000e+00> : vector<1000x128xf32>
    %dot_general3A_21 = tpu.matmul %add3A_17, %get3A_20, %dot_general3A {dimension_numbers = #tpu.dot_dimension_numbers<[1], [0], [0], [1], [0, 0, 1, 1], [], []>, transpose_lhs_hint = false} : vector<1000x64xf32>, vector<64x128xf32>, vector<1000x128xf32> -> vector<1000x128xf32>
    %get3A_22 = arith.constant 0 : index
    %get3A_23 = arith.constant 0 : index
    %get3A_24 = vector.load %arg7[%get3A_22, %get3A_23] : memref<1x128xf32, #tpu.memory_space<vmem>>, vector<1x128xf32>
    %add3A_25 = vector.broadcast %get3A_24 : vector<1x128xf32> to vector<1000x128xf32>
    %add3A_26 = arith.addf %dot_general3A_21, %add3A_25 : vector<1000x128xf32>
    %max3A = arith.constant 0.000000e+00 : f32
    %max3A_27 = vector.broadcast %max3A : f32 to vector<1000x128xf32>
    %max3A_28 = arith.maximumf %add3A_26, %max3A_27 : vector<1000x128xf32>
    %get3A_29 = arith.constant 0 : index
    %get3A_30 = arith.constant 0 : index
    %get3A_31 = vector.load %arg8[%get3A_29, %get3A_30] : memref<128x128xf32, #tpu.memory_space<vmem>>, vector<128x128xf32>
    %dot_general3A_32 = arith.constant dense<0.000000e+00> : vector<1000x128xf32>
    %dot_general3A_33 = tpu.matmul %max3A_28, %get3A_31, %dot_general3A_32 {dimension_numbers = #tpu.dot_dimension_numbers<[1], [0], [0], [1], [0, 0, 1, 1], [], []>, transpose_lhs_hint = false} : vector<1000x128xf32>, vector<128x128xf32>, vector<1000x128xf32> -> vector<1000x128xf32>
    %get3A_34 = arith.constant 0 : index
    %get3A_35 = arith.constant 0 : index
    %get3A_36 = vector.load %arg9[%get3A_34, %get3A_35] : memref<1x128xf32, #tpu.memory_space<vmem>>, vector<1x128xf32>
    %add3A_37 = vector.broadcast %get3A_36 : vector<1x128xf32> to vector<1000x128xf32>
    %add3A_38 = arith.addf %dot_general3A_33, %add3A_37 : vector<1000x128xf32>
    %swap3A = arith.constant 0 : index
    %swap3A_39 = arith.constant 0 : index
    %swap3A_40 = vector.load %arg10[%swap3A, %swap3A_39] : memref<1000x128xf32, #tpu.memory_space<vmem>>, vector<1000x128xf32>
    tpu.vector_store %arg10[%swap3A, %swap3A_39], %add3A_38 {strides = array<i32>} : memref<1000x128xf32, #tpu.memory_space<vmem>>, vector<1000x128xf32>,
    %swap3A_41 = arith.constant 0 : index
    %swap3A_42 = arith.constant 0 : index
    %swap3A_43 = vector.load %arg11[%swap3A_41, %swap3A_42] : memref<1000x64xf32, #tpu.memory_space<vmem>>, vector<1000x64xf32>
    tpu.vector_store %arg11[%swap3A_41, %swap3A_42], %add3A_17 {strides = array<i32>} : memref<1000x64xf32, #tpu.memory_space<vmem>>, vector<1000x64xf32>,
    return
  }
  func.func @transform_0(%arg0: i32) -> (i32, i32) {
    %c0_i32 = arith.constant 0 : i32
    %c0_i32_0 = arith.constant 0 : i32
    return %arg0, %c0_i32 : i32, i32
  }
  func.func @transform_1(%arg0: i32) -> (i32, i32) {
    %c0_i32 = arith.constant 0 : i32
    %c0_i32_0 = arith.constant 0 : i32
    return %arg0, %c0_i32 : i32, i32
  }
  func.func @transform_2(%arg0: i32) -> (i32, i32) {
    %c0_i32 = arith.constant 0 : i32
    %c0_i32_0 = arith.constant 0 : i32
    return %arg0, %c0_i32 : i32, i32
  }
  func.func @transform_3(%arg0: i32) -> (i32, i32) {
    %c0_i32 = arith.constant 0 : i32
    %c0_i32_0 = arith.constant 0 : i32
    return %arg0, %c0_i32 : i32, i32
  }
  func.func @transform_4(%arg0: i32) -> (i32, i32) {
    %c0_i32 = arith.constant 0 : i32
    %c0_i32_0 = arith.constant 0 : i32
    %c0_i32_1 = arith.constant 0 : i32
    return %c0_i32, %c0_i32_0 : i32, i32
  }
  func.func @transform_5(%arg0: i32) -> (i32, i32) {
    %c0_i32 = arith.constant 0 : i32
    %c0_i32_0 = arith.constant 0 : i32
    %c0_i32_1 = arith.constant 0 : i32
    return %c0_i32, %c0_i32_0 : i32, i32
  }
  func.func @transform_6(%arg0: i32) -> (i32, i32) {
    %c0_i32 = arith.constant 0 : i32
    %c0_i32_0 = arith.constant 0 : i32
    %c0_i32_1 = arith.constant 0 : i32
    return %c0_i32, %c0_i32_0 : i32, i32
  }
  func.func @transform_7(%arg0: i32) -> (i32, i32) {
    %c0_i32 = arith.constant 0 : i32
    %c0_i32_0 = arith.constant 0 : i32
    %c0_i32_1 = arith.constant 0 : i32
    return %c0_i32, %c0_i32_0 : i32, i32
  }
  func.func @transform_8(%arg0: i32) -> (i32, i32) {
    %c0_i32 = arith.constant 0 : i32
    %c0_i32_0 = arith.constant 0 : i32
    %c0_i32_1 = arith.constant 0 : i32
    return %c0_i32, %c0_i32_0 : i32, i32
  }
  func.func @transform_9(%arg0: i32) -> (i32, i32) {
    %c0_i32 = arith.constant 0 : i32
    %c0_i32_0 = arith.constant 0 : i32
    return %arg0, %c0_i32 : i32, i32
  }
  func.func @transform_10(%arg0: i32) -> (i32, i32) {
    %c0_i32 = arith.constant 0 : i32
    %c0_i32_0 = arith.constant 0 : i32
    return %arg0, %c0_i32 : i32, i32
  }
}

</mosaic_0001>

<sc_bundles>
// kernel: kernel.11.cloned.1.call-start
scs
__scs_entry_jumppad:
0x0: {  	(pc) =	sbr.rel $0x88, $3  }
0x1: {  	(tag) =	ssettag $0x0;
	lr =	simm.s32 $0x1  }
0x2: {  	[smem:$0x3F96] =	sst lr;
	_ =	strace $0xD0000000  }
0x3: {  	_ = 	snop  }
0x4: {  	_ = 	snop  }
0x5: {  	_ = 	snop  }
0x6: {  	_ = 	snop  }
0x7: {  	_ = 	snop  }
__scs_overlays_trampoline_lowered:
0x8: {  	[smem:$0x3FA5] =	sst s0  }
0x9: {  	[smem:$0x3FA6] =	sst s1  }
0xa: {  	[smem:$0x3FA7] =	sst s2  }
0xb: {  	[smem:$0x3FA8] =	sst s3  }
0xc: {  	[smem:$0x3FA9] =	sst s4  }
0xd: {  	[smem:$0x3FAA] =	sst s5  }
0xe: {  	[smem:$0x3FAB] =	sst s6  }
0xf: {  	[smem:$0x3FAC] =	sst s7  }
0x10: {  	[smem:$0x3FAD] =	sst s8  }
0x11: {  	[smem:$0x3FAE] =	sst s9;
	s0 =	simm.s32 @!p0 $0x0  }
0x12: {  	s1 =	sld [smem:$0x3F94];
	s0 =	simm.s32 @p0 $0x1  }
0x13: {  	[smem:$0x3FAF] =	sst s0;
	s0 =	simm.s32 @!p1 $0x0  }
0x14: {  	s2 =	sld [smem:$0x3F93];
	s0 =	simm.s32 @p1 $0x1  }
0x15: {  	[smem:$0x3FB0] =	sst s0;
	s0 =	simm.s32 @!p2 $0x0  }
0x16: {  	s3 =	sld [smem:$0x3FDB];
	s0 =	simm.s32 @p2 $0x1  }
0x17: {  	s4 =	simm.s32 $0x1BF5;
	[smem:$0x3FB2] =	sst s0  }
0x18: {  	s0 =	sld [smem:$0x3F95];
	_ =	swait.ge [sflag:s4], $0x0  }
0x19: {  	s7 =	sld [smem:$0x3F96]  }
0x1a: {  	s8 =	sadd.s32 $0xFFFFE003, lr  }
0x1b: {  	s9 =	sadd.s32 $0xFFFFFEF7, lr;
	s5 =	simm.s32 $0xFFFFFFFF;
	p2 =	slt.u32 s8, $0xFFFFF086  }
0x1c: {  	p1 =	slt.u32 s9, $0xF7A;
	s5 =	simm.s32 @!p2 $0x0  }
0x1d: {  	s5 =	simm.s32 @p1 $0x1;
	p0 =	seq.s32 s7, s2  }
0x1e: {  	s7 =	smul.u32 @!p0 $0xF7A, s2;
	p2 =	seq.s32 @!p0 s5, $0x0  }
0x1f: {  	s9 =	smul.u32 $0xF7A, s1;
	s8 =	simm.s32 @!p0 $0x1BF5;
	p2 =	por !p2, p0  }
0x20: {  	[sflag:s8] =	ssyncset.s32 @!p0 $0xFFFFF086;
	s6 =	sadd.s32 @!p0 s3, s7;
	s7 =	simm.s32 @!p0 $0x108  }
0x21: {  	s3 =	sadd.s32 s3, s9;
	s6 =	sadd.s32 @!p0 $0x88, s6;
	s7 =	simm.s32 @p2 $0x1082  }
0x22: {  	[simem:s7], [sflag:s8] =	dma.local @!p0 [hbm:s6], $0xF7A  }
0x23: {  	s9 =	sor.u32 $0xD0000000, s2;
	s6 =	simm.s32 $0x108;
	_ =	swait.ge @!p0 [sflag:s8], $0x0  }
0x24: {  	s3 =	sadd.s32 $0x88, s3;
	s6 =	simm.s32 @!p1 $0x1082;
	[sflag:s4] =	ssyncset.s32 $0xFFFFF086  }
0x25: {  	[simem:s6], [sflag:s4] =	dma.local [hbm:s3], $0xF7A  }
0x26: {  	[smem:$0x3F96] =	sst s1;
	(tag) =	ssettag s2;
	_ =	strace s9  }
0x27: {  	s1 =	sld [smem:$0x3FA6]  }
0x28: {  	s2 =	sld [smem:$0x3FA7]  }
0x29: {  	s4 =	sld [smem:$0x3FA9]  }
0x2a: {  	p0 =	seq.s32 s5, $0x0;
	s5 =	sld [smem:$0x3FAA]  }
0x2b: {  	s6 =	sld [smem:$0x3FAB]  }
0x2c: {  	s7 =	sld [smem:$0x3FAC]  }
0x2d: {  	s3 =	simm.s32 $0x108;
	s8 =	sld [smem:$0x3FAD]  }
0x2e: {  	s3 =	simm.s32 @!p0 $0x1082;
	s9 =	sld [smem:$0x3FAE]  }
0x2f: {  	lr =	sadd.s32 s0, s3;
	s0 =	sld [smem:$0x3FA5]  }
0x30: {  	s3 =	sld [smem:$0x3FA8]  }
0x31: {  	[smem:$0x3FB1] =	sst s10  }
0x32: {  	s10 =	sld [smem:$0x3FAF];
	_ =	sdelay $0x3  }
0x33: {  	p0 =	seq.s32 s10, $0x1;
	s10 =	sld [smem:$0x3FB1];
	_ =	sdelay $0x3  }
0x34: {  	[smem:$0x3FB1] =	sst s10  }
0x35: {  	s10 =	sld [smem:$0x3FB0];
	_ =	sdelay $0x3  }
0x36: {  	p1 =	seq.s32 s10, $0x1;
	s10 =	sld [smem:$0x3FB1];
	_ =	sdelay $0x3  }
0x37: {  	[smem:$0x3FB1] =	sst s10  }
0x38: {  	s10 =	sld [smem:$0x3FB2]  }
0x39: {  	_ = 	snop;
	(pc) =	sbr.ind lr, $3  }
0x3a: {  	_ = 	snop  }
0x3b: {  	_ = 	snop  }
0x3c: {  	p2 =	seq.s32 s10, $0x1;
	s10 =	sld [smem:$0x3FB1]  }
0x3d: {  	_ =	shalt  }
0x3e: {  	_ =	shalt  }
0x3f: {  	_ =	shalt  }
0x40: {  	_ =	shalt  }
0x41: {  	_ =	shalt  }
0x42: {  	_ =	shalt  }
0x43: {  	_ =	shalt  }
0x44: {  	_ =	shalt  }
0x45: {  	_ =	shalt  }
0x46: {  	_ =	shalt  }
0x47: {  	_ =	shalt  }
0x48: {  	_ =	shalt  }
0x49: {  	_ =	shalt  }
0x4a: {  	_ =	shalt  }
0x4b: {  	_ =	shalt  }
0x4c: {  	_ =	shalt  }
0x4d: {  	_ =	shalt  }
0x4e: {  	_ =	shalt  }
0x4f: {  	_ =	shalt  }
0x50: {  	_ =	shalt  }
0x51: {  	_ =	shalt  }
0x52: {  	_ =	shalt  }
0x53: {  	_ =	shalt  }
0x54: {  	_ =	shalt  }
0x55: {  	_ =	shalt  }
0x56: {  	_ =	shalt  }
0x57: {  	_ =	shalt  }
0x58: {  	_ =	shalt  }
0x59: {  	_ =	shalt  }
0x5a: {  	_ =	shalt  }
0x5b: {  	_ =	shalt  }
0x5c: {  	_ =	shalt  }
0x5d: {  	_ =	shalt  }
0x5e: {  	_ =	shalt  }
0x5f: {  	_ =	shalt  }
0x60: {  	_ =	shalt  }
0x61: {  	_ =	shalt  }
0x62: {  	_ =	shalt  }
0x63: {  	_ =	shalt  }
0x64: {  	_ =	shalt  }
0x65: {  	_ =	shalt  }
0x66: {  	_ =	shalt  }
0x67: {  	_ =	shalt  }
0x68: {  	_ =	shalt  }
0x69: {  	_ =	shalt  }
0x6a: {  	_ =	shalt  }
0x6b: {  	_ =	shalt  }
0x6c: {  	_ =	shalt  }
0x6d: {  	_ =	shalt  }
0x6e: {  	_ =	shalt  }
0x6f: {  	_ =	shalt  }
0x70: {  	_ =	shalt  }
0x71: {  	_ =	shalt  }
0x72: {  	_ =	shalt  }
0x73: {  	_ =	shalt  }
0x74: {  	_ =	shalt  }
0x75: {  	_ =	shalt  }
0x76: {  	_ =	shalt  }
0x77: {  	_ =	shalt  }
0x78: {  	_ =	shalt  }
0x79: {  	_ =	shalt  }
0x7a: {  	_ =	shalt  }
0x7b: {  	_ =	shalt  }
0x7c: {  	_ =	shalt  }
0x7d: {  	_ =	shalt  }
0x7e: {  	_ =	shalt  }
0x7f: {  	_ =	shalt  }
0x80: {  	_ =	shalt  }
0x81: {  	_ =	shalt  }
0x82: {  	_ =	shalt  }
0x83: {  	_ =	shalt  }
0x84: {  	_ =	shalt  }
0x85: {  	_ =	shalt  }
0x86: {  	_ =	shalt  }
0x87: {  	_ =	shalt  }
.Lfunc_end0:
.L_simem_size_0:
called_computation.1_lowered:
.L_overlay_start_0:
0x88: {  	s2 =	sld [smem:$0x3FD9]  }
0x89: {  	s3 =	sld [smem:$0x3FFE];
	_ =	sdelay $0x1  }
0x8a: {  	s1 =	srdreg.scid  }
0x8b: {  	s0 =	sand.u32 $0x1, s1  }
0x8c: {  	s14 =	sshll.u32 s0, $0xA;
	s2 =	sadd.s32 s3, s2  }
0x8d: {  	s2 =	sadd.s32 s2, s14  }
0x8e: {  	[smem:$0x3FBD] =	sst s2  }
0x8f: {  	_ = 	snop  }
0x90: {  	s2 =	sld [smem:$0x3FD0];
	_ =	sdelay $0x2  }
0x91: {  	s15 =	simm.s32 $0xA;
	s4 =	simm.s32 $0x10  }
0x92: {  	[smem:s4], [sflag:s15] =	dma.local [hbm:s2], $0x1  }
0x93: {  	_ =	swait.eq [sflag:s15], $0x1  }
0x94: {  	[sflag:s15] =	ssyncset.done $0x0  }
0x95: {  	s16 =	sld [smem:$0x10];
	[sflag:s15] =	ssyncadd.s32 $0xFFFFFFFF  }
0x96: {  	s17 =	sld [smem:$0x11];
	(tm) =	ssettm $0x1  }
0x97: {  	s18 =	sld [smem:$0x3FFB];
	_ =	sdelay $0x3  }
0x98: {  	_ =	strace s18  }
0x99: {  	s4 =	sld [smem:$0x3FFC];
	_ =	sdelay $0x3  }
0x9a: {  	_ =	strace s4  }
0x9b: {  	s4 =	sld [smem:$0x3FFD];
	_ =	sdelay $0x3  }
0x9c: {  	_ =	strace s4  }
0x9d: {  	_ =	strace $0x8FFFFFFF  }
0x9e: {  	s19 =	sld [smem:$0x3FDB];
	_ =	sdelay $0x1  }
0x9f: {  	s5 =	simm.s32 $_scs_section_size  }
0xa0: {  	s6 =	simm.s32 $_size__tile_overlayer_lowered;
	s7 =	simm.s32 $_tile_overlayer_lowered  }
0xa1: {  	s22 =	simm.s32 $0x1BFF;
	s21 =	sshll.u32 s7, $0x1;
	s4 =	sadd.s32 s5, s19  }
0xa2: {  	s8 =	simm.s32 $0x0;
	s20 =	sshll.u32 s6, $0x1;
	s6 =	sadd.s32 s21, s4  }
0xa3: {  	[timem:s8], [sflag:s22] =	dma.local [hbm:s6], s20  }
0xa4: {  	_ =	swait.ge [sflag:s22], s20  }
0xa5: {  	s5 =	ssub.s32 $0x0, s20;
	[sflag:s22] =	ssyncset.done $0x0  }
0xa6: {  	[sflag:s22] =	ssyncadd.s32 s5;
	_ =	sdelay $0x1  }
0xa7: {  	s23 =	simm.s32 $0x1B8B  }
0xa8: {  	_ =	swait.ge [sflag:s23], $0x1  }
0xa9: {  	[sflag:s23] =	ssyncset.done $0x0  }
0xaa: {  	s25 =	simm.s32 $0x1B8E;
	s24 =	sld [smem:$0x3FFE];
	[sflag:s23] =	ssyncadd.s32 $0xFFFFFFFF  }
0xab: {  	s26 =	simm.s32 $execute0_lowered;
	[smem:$0x3FD2] =	sst s25  }
0xac: {  	s6 =	sshll.u32 s26, $0x1;
	_ =	strace $0x80000049;
	[dreg:$0x1] =	wrdreg $0xFFFFFFFF  }
0xad: {  	s28 =	simm.s32 $_size_execute0_lowered;
	s4 =	sadd.s32 s4, s6;
	[dreg:$0x0] =	wrdreg $0x0  }
0xae: {  	s6 =	sshll.u32 s28, $0x1;
	[dreg:$0x2] =	wrdreg s4  }
0xaf: {  	[dreg:$0x3] =	wrdreg s6  }
0xb0: {  	[dreg:$0x4] =	wrdreg $0xC0  }
0xb1: {  	_ =	task [dreg:s8], $0x5FFFF  }
0xb2: {  	[dreg:$0x1] =	wrdreg $0xFFFFFFFF  }
0xb3: {  	[dreg:$0x0] =	wrdreg $0x60  }
0xb4: {  	[dreg:$0x2] =	wrdreg s17  }
0xb5: {  	[dreg:$0x3] =	wrdreg s24  }
0xb6: {  	[dreg:$0x4] =	wrdreg s16  }
0xb7: {  	[dreg:$0x5] =	wrdreg $0x82000  }
0xb8: {  	[dreg:$0x6] =	wrdreg $0x9  }
0xb9: {  	_ =	task.clear_ibuf [dreg:s8], $0x7FFFF;
	_ =	strace $0x90000049  }
0xba: {  	s29 =	simm.s32 $0x9;
	_ =	strace $0x8000004B  }
0xbb: {  	_ =	swait.ge [sflag:s29], $0x1  }
0xbc: {  	[sflag:s29] =	ssyncadd.s32 $0xFFFFFFFF  }
0xbd: {  	_ =	strace $0x9000004B  }
0xbe: {  	_ =	sfence  }
0xbf: {  	s30 =	sld [smem:$0x0];
	_ =	sdelay $0x2  }
0xc0: {  	s31 =	sshll.u32 s1, $0xD;
	s1 =	sshrl.u32 s1, $0x2  }
0xc1: {  	s3 =	sand.u32 $0x4000, s31;
	s1 =	sadd.s32 s1, s30  }
0xc2: {  	s0 =	sor.u32 s3, s0;
	s1 =	sshll.u32 s1, $0x11  }
0xc3: {  	s0 =	sor.u32 s1, s0  }
0xc4: {  	s0 =	sadd.s32 $0x8F2B, s0  }
0xc5: {  	[sflag:s0] =	ssyncadd.remote.s32 $0x1  }
0xc6: {  	_ =	sfence.sel $0xFFFF  }
0xc7: {  	[dreg:$0x0] =	wrdreg $0xFFFFFFFF;
	(pc) =	sbr.abs _section_cstart, $3  }
0xc8: {  	[dreg:$0x1] =	wrdreg $0xFFFFFFFF  }
0xc9: {  	_ =	task.clear_ibuf [dreg:s8], $0x2FFFF;
	_ =	strace $0x9FFFFFFF  }
0xca: {  	(tm) =	ssettm $0x7FFFFFFF  }
0xcb: {  	_ =	shalt  }
tec
execute0_lowered:
.L_overlay_start_1:
0x0: {  	(tag) =	ssettag $0x1  }
0x1: {  	s0 =	rddreg [dreg:$0x0]  }
0x2: {  	s4 =	rddreg [dreg:$0x1]  }
0x3: {  	s1 =	rddreg [dreg:$0x2]  }
0x4: {  	s2 =	rddreg [dreg:$0x3];
	s3 =	simm.s32 $0x0  }
0x5: {  	s6 =	srdreg.scid;
	s20 =	stileid.u32;
	s28 =	simm.s32 $0x100  }
0x6: {  	s29 =	simm.s32 $0x80;
	s30 =	simm.s32 $0x180;
	s31 =	simm.s32 $0x4  }
0x7: {  	[smem:$0x7FF] =	sst s3;
	s5 =	sadd.s32 $0x3600, s4;
	s23 =	smul.u32 $0x4F000, s20  }
0x8: {  	s7 =	sadd.s32 $0xD600, s4;
	s11 =	sand.u32 $0x1, s6;
	s12 =	smul.u32 $0x13C00, s20  }
0x9: {  	s4 =	sadd.s32 $0xDE00, s4;
	s9 =	sshll.u32 s20, $0x1;
	s20 =	smul.u32 $0x5000, s20  }
0xa: {  	_ =	strace $0x8000004A;
	[dreg:$0x5] =	wrdreg s7;
	s19 =	smul.u32 $0x13C000, s11  }
0xb: {  	s6 =	ssub.s32 $0x2, s11;
	s24 =	sor.u32 s11, s9;
	s11 =	smul.u32 $0x2800, s11  }
0xc: {  	s8 =	sshrl.u32 s6, $0x1;
	s7 =	sshrl.u32 s23, $0x2;
	s14 =	smul.u32 $0x2800, s24  }
0xd: {  	s15 =	sadd.s32 $0x4000, s12;
	s16 =	sadd.s32 $0x8000, s12;
	s17 =	sadd.s32 $0xC000, s12  }
0xe: {  	s18 =	sadd.s32 $0x10000, s12;
	s13 =	ssub.s32 s6, s8;
	s6 =	sadd.s32 s7, s2  }
0xf: {  	s7 =	sadd.s32 s15, s2;
	s8 =	sadd.s32 s16, s2;
	s9 =	sadd.s32 s17, s2  }
0x10: {  	s10 =	sadd.s32 s18, s2;
	s12 =	sadd.s32 s12, s19;
	s15 =	sadd.s32 s19, s15  }
0x11: {  	s16 =	sadd.s32 s19, s16;
	s17 =	sadd.s32 s19, s17;
	s18 =	sadd.s32 s19, s18  }
0x12: {  	s11 =	sadd.s32 s11, s20;
	s14 =	sshrl.u32 s14, $0x3;
	s12 =	sshrl.u32 s12, $0x3  }
0x13: {  	s23 =	sshrl.u32 s17, $0x3;
	s24 =	sshrl.u32 s18, $0x3;
	s20 =	smax.u32 s13, $0x1  }
0x14: {  	s13 =	simm.s32 $0x6;
	s21 =	sadd.s32 s0, s14;
	s25 =	sadd.s32 s5, s14  }
0x15: {  	s14 =	sor.u32 $0x10, s14;
	s12 =	sadd.s32 s4, s12;
	[dreg:$0x6] =	wrdreg s21  }
0x16: {  	s18 =	sadd.s32 s4, s23;
	s19 =	sadd.s32 s4, s24;
	[dreg:$0x7] =	wrdreg s25  }
0x17: {  	s26 =	sadd.s32 s0, s14;
	s14 =	sadd.s32 s5, s14;
	[dreg:$0xa] =	wrdreg s12  }
0x18: {  	s25 =	sor.u32 $0x180, s11;
	s11 =	sor.u32 $0x100, s11;
	[dreg:$0x8] =	wrdreg s26  }
0x19: {  	s12 =	simm.s32 $0x3;
	[dreg:$0x9] =	wrdreg s14;
	s14 =	sshrl.u32 s15, $0x3  }
0x1a: {  	s15 =	sshrl.u32 s16, $0x3;
	s26 =	sshrl.u32 s11, $0x3;
	s11 =	simm.s32 $0x2  }
0x1b: {  	s21 =	sadd.s32 s4, s14;
	s22 =	sadd.s32 s4, s15;
	s4 =	sshrl.u32 s25, $0x3  }
0x1c: {  	s23 =	sadd.s32 s26, s5;
	s24 =	sadd.s32 s26, s0;
	s25 =	simm.s32 $0x200  }
0x1d: {  	s26 =	simm.s32 $0x7;
	s14 =	simm.s32 $0x0;
	[dreg:$0xb] =	wrdreg s21  }
0x1e: {  	[dreg:$0xc] =	wrdreg s22;
	s21 =	sadd.s32 s4, s5;
	s22 =	sadd.s32 s4, s0  }
0x1f: {  	s0 =	simm.s32 $0x4200;
	s4 =	simm.s32 $0x1;
	s5 =	simm.s32 $0x5  }
.LBB2_1:
0x20: {  	s15 =	rddreg [dreg:$0x5]  }
0x21: {  	[tilespmem:s25], [sflag:$0x7] =	stream.linear.gather [hbm4b:s15+s3], $0x4000, $0x38;
	[tilespmem:$0x1BE00] =	vst v63  }
0x22: {  	_ =	swait.ge [sflag:s26], $0x4000  }
0x23: {  	[sflag:s26] =	ssyncset.done $0x0  }
0x24: {  	[sflag:s26] =	ssyncadd.s32 $0xFFFFC000  }
0x25: {  	[spmem:s6] =	stream.linear.scatter [tilespmem:s25], [sflag:$0x7], $0x4000, $0x38;
	[tilespmem:$0x1BE00] =	vst v63  }
0x26: {  	_ =	swait.ge [sflag:s26], $0x4000  }
0x27: {  	[sflag:s26] =	ssyncset.done $0x0  }
0x28: {  	[sflag:s26] =	ssyncadd.s32 $0xFFFFC000  }
0x29: {  	[spmem:s7] =	stream.linear.scatter [tilespmem:s25], [sflag:$0x7], $0x4000, $0x38;
	[tilespmem:$0x1BE00] =	vst v63  }
0x2a: {  	_ =	swait.ge [sflag:s26], $0x4000  }
0x2b: {  	[sflag:s26] =	ssyncset.done $0x0  }
0x2c: {  	[sflag:s26] =	ssyncadd.s32 $0xFFFFC000  }
0x2d: {  	[spmem:s8] =	stream.linear.scatter [tilespmem:s25], [sflag:$0x7], $0x4000, $0x38;
	[tilespmem:$0x1BE00] =	vst v63  }
0x2e: {  	_ =	swait.ge [sflag:s26], $0x4000  }
0x2f: {  	[sflag:s26] =	ssyncset.done $0x0  }
0x30: {  	[sflag:s26] =	ssyncadd.s32 $0xFFFFC000  }
0x31: {  	[spmem:s9] =	stream.linear.scatter [tilespmem:s25], [sflag:$0x7], $0x4000, $0x38;
	[tilespmem:$0x1BE00] =	vst v63  }
0x32: {  	_ =	swait.ge [sflag:s26], $0x4000  }
0x33: {  	[sflag:s26] =	ssyncset.done $0x0  }
0x34: {  	[sflag:s26] =	ssyncadd.s32 $0xFFFFC000  }
0x35: {  	[spmem:s10] =	stream.linear.scatter [tilespmem:s25], [sflag:$0x7], $0x3C00, $0x38;
	[tilespmem:$0x1BE00] =	vst v63  }
0x36: {  	_ =	swait.ge [sflag:s26], $0x3C00  }
0x37: {  	[sflag:s26] =	ssyncset.done $0x0  }
0x38: {  	[sflag:s26] =	ssyncadd.s32 $0xFFFFC400  }
0x39: {  	[bflag:$0x0] =	sbarrier.arrive $0xFFFF  }
0x3a: {  	s17 =	rddreg [dreg:$0x6]  }
0x3b: {  	[tilespmem:s3], [sflag:$0x7] =	stream.linear.gather [hbm4b:s17+s3], $0x80, $0x38;
	[tilespmem:$0x1BE00] =	vst v63  }
0x3c: {  	_ =	swait.ge [sflag:s26], $0x80  }
0x3d: {  	[sflag:s26] =	ssyncset.done $0x0  }
0x3e: {  	s16 =	rddreg [dreg:$0x7];
	[sflag:s26] =	ssyncadd.s32 $0xFFFFFF80  }
0x3f: {  	[tilespmem:s28], [sflag:$0x5] =	stream.linear.gather [hbm4b:s16+s3], $0x80, $0x38;
	[tilespmem:$0x1BE00] =	vst v63  }
0x40: {  	_ = 	snop  }
0x41: {  	[tilespmem:s25], [sflag:$0x1] =	stream.indirect.gather [hbm4b:s1+s29], $0x80, s3, s29, $0xb8;
	[tilespmem:$0x1BE00] =	vst v63  }
0x42: {  	s17 =	rddreg [dreg:$0x8]  }
0x43: {  	[tilespmem:s29], [sflag:$0x4] =	stream.linear.gather [hbm4b:s17+s3], $0x80, $0x38;
	[tilespmem:$0x1BE00] =	vst v63  }
0x44: {  	s16 =	rddreg [dreg:$0x9]  }
0x45: {  	[tilespmem:s30], [sflag:$0x6] =	stream.linear.gather [hbm4b:s16+s3], $0x80, $0x38;
	[tilespmem:$0x1BE00] =	vst v63  }
0x46: {  	_ =	swait.ge [sflag:s31], $0x80  }
0x47: {  	[sflag:s31] =	ssyncset.done $0x0  }
0x48: {  	[sflag:s31] =	ssyncadd.s32 $0xFFFFFF80  }
0x49: {  	[tilespmem:s0], [sflag:$0x2] =	stream.indirect.gather [hbm4b:s1+s29], $0x80, s29, s29, $0xb8;
	[tilespmem:$0x1BE00] =	vst v63  }
0x4a: {  	_ =	swait.ge [sflag:s4], $0x4000  }
0x4b: {  	[sflag:s4] =	ssyncset.done $0x0  }
0x4c: {  	s17 =	sadd.s32 $0x0, s24;
	[sflag:s4] =	ssyncadd.s32 $0xFFFFC000  }
0x4d: {  	[tilespmem:s3], [sflag:$0x3] =	stream.linear.gather [hbm4b:s17+s3], $0x80, $0x38;
	[tilespmem:$0x1BE00] =	vst v63  }
0x4e: {  	_ =	swait.ge [sflag:s5], $0x80  }
0x4f: {  	[sflag:s5] =	ssyncset.done $0x0  }
0x50: {  	[sflag:s5] =	ssyncadd.s32 $0xFFFFFF80  }
0x51: {  	[spmem:s2] =	stream.indirect.scatter.add.f32 [tilespmem:s25], [sflag:$0x7], $0x80, s28, s29, $0xb8;
	[tilespmem:$0x1BE00] =	vst v63  }
0x52: {  	_ =	swait.ge [sflag:s26], $0x4000  }
0x53: {  	[sflag:s26] =	ssyncset.done $0x0  }
0x54: {  	s16 =	sadd.s32 $0x0, s23;
	[sflag:s26] =	ssyncadd.s32 $0xFFFFC000  }
0x55: {  	[tilespmem:s28], [sflag:$0x5] =	stream.linear.gather [hbm4b:s16+s3], $0x80, $0x38;
	[tilespmem:$0x1BE00] =	vst v63  }
0x56: {  	_ =	swait.ge [sflag:s11], $0x4000  }
0x57: {  	[sflag:s11] =	ssyncset.done $0x0  }
0x58: {  	[sflag:s11] =	ssyncadd.s32 $0xFFFFC000  }
0x59: {  	_ =	swait.ge [sflag:s12], $0x80  }
0x5a: {  	[sflag:s12] =	ssyncset.done $0x0  }
0x5b: {  	[sflag:s12] =	ssyncadd.s32 $0xFFFFFF80  }
0x5c: {  	[tilespmem:s25], [sflag:$0x1] =	stream.indirect.gather [hbm4b:s1+s29], $0x80, s3, s29, $0xb8;
	[tilespmem:$0x1BE00] =	vst v63  }
0x5d: {  	_ =	swait.ge [sflag:s13], $0x80  }
0x5e: {  	[sflag:s13] =	ssyncset.done $0x0  }
0x5f: {  	[sflag:s13] =	ssyncadd.s32 $0xFFFFFF80  }
0x60: {  	[spmem:s2] =	stream.indirect.scatter.add.f32 [tilespmem:s0], [sflag:$0x7], $0x80, s30, s29, $0xb8;
	[tilespmem:$0x1BE00] =	vst v63  }
0x61: {  	_ =	swait.ge [sflag:s26], $0x4000  }
0x62: {  	s15 =	simm.s32 $0x20;
	[sflag:s26] =	ssyncset.done $0x0  }
0x63: {  	s17 =	sadd.s32 $0x0, s22;
	s16 =	sadd.s32 $0x0, s21;
	[sflag:s26] =	ssyncadd.s32 $0xFFFFC000  }
0x64: {  	[tilespmem:s29], [sflag:$0x4] =	stream.linear.gather [hbm4b:s17+s3], $0x80, $0x38;
	[tilespmem:$0x1BE00] =	vst v63  }
.LBB2_2:
0x65: {  	[tilespmem:s30], [sflag:$0x6] =	stream.linear.gather [hbm4b:s16+s3], $0x80, $0x38;
	[tilespmem:$0x1BE00] =	vst v63  }
0x66: {  	s16 =	smov.u32 s15  }
0x67: {  	p0 =	sne.s32 s15, $0x4C0;
	s15 =	sadd.s32 $0x20, s15;
	_ =	swait.ge [sflag:s31], $0x80  }
0x68: {  	[sflag:s31] =	ssyncset.done $0x0  }
0x69: {  	[sflag:s31] =	ssyncadd.s32 $0xFFFFFF80  }
0x6a: {  	[tilespmem:s0], [sflag:$0x2] =	stream.indirect.gather [hbm4b:s1+s29], $0x80, s29, s29, $0xb8;
	[tilespmem:$0x1BE00] =	vst v63  }
0x6b: {  	_ =	swait.ge [sflag:s4], $0x4000  }
0x6c: {  	[sflag:s4] =	ssyncset.done $0x0  }
0x6d: {  	s17 =	sadd.s32 s16, s24;
	[sflag:s4] =	ssyncadd.s32 $0xFFFFC000  }
0x6e: {  	[tilespmem:s3], [sflag:$0x3] =	stream.linear.gather [hbm4b:s17+s3], $0x80, $0x38;
	[tilespmem:$0x1BE00] =	vst v63  }
0x6f: {  	_ =	swait.ge [sflag:s5], $0x80  }
0x70: {  	[sflag:s5] =	ssyncset.done $0x0  }
0x71: {  	[sflag:s5] =	ssyncadd.s32 $0xFFFFFF80  }
0x72: {  	[spmem:s2] =	stream.indirect.scatter.add.f32 [tilespmem:s25], [sflag:$0x7], $0x80, s28, s29, $0xb8;
	[tilespmem:$0x1BE00] =	vst v63  }
0x73: {  	_ =	swait.ge [sflag:s26], $0x4000  }
0x74: {  	[sflag:s26] =	ssyncset.done $0x0  }
0x75: {  	s17 =	sadd.s32 s16, s23;
	[sflag:s26] =	ssyncadd.s32 $0xFFFFC000  }
0x76: {  	[tilespmem:s28], [sflag:$0x5] =	stream.linear.gather [hbm4b:s17+s3], $0x80, $0x38;
	[tilespmem:$0x1BE00] =	vst v63  }
0x77: {  	_ =	swait.ge [sflag:s11], $0x4000  }
0x78: {  	[sflag:s11] =	ssyncset.done $0x0  }
0x79: {  	[sflag:s11] =	ssyncadd.s32 $0xFFFFC000  }
0x7a: {  	_ =	swait.ge [sflag:s12], $0x80  }
0x7b: {  	[sflag:s12] =	ssyncset.done $0x0  }
0x7c: {  	[sflag:s12] =	ssyncadd.s32 $0xFFFFFF80  }
0x7d: {  	[tilespmem:s25], [sflag:$0x1] =	stream.indirect.gather [hbm4b:s1+s29], $0x80, s3, s29, $0xb8;
	[tilespmem:$0x1BE00] =	vst v63  }
0x7e: {  	_ =	swait.ge [sflag:s13], $0x80  }
0x7f: {  	[sflag:s13] =	ssyncset.done $0x0  }
0x80: {  	[sflag:s13] =	ssyncadd.s32 $0xFFFFFF80  }
0x81: {  	[spmem:s2] =	stream.indirect.scatter.add.f32 [tilespmem:s0], [sflag:$0x7], $0x80, s30, s29, $0xb8;
	[tilespmem:$0x1BE00] =	vst v63  }
.Ltmp0:
0x82: {  	_ =	swait.ge [sflag:s26], $0x4000;
	(pc) =	sbr.rel @p0 .LBB2_2-.Ltmp0, $4  }
0x83: {  	[sflag:s26] =	ssyncset.done $0x0  }
0x84: {  	s17 =	sadd.s32 s16, s22;
	[sflag:s26] =	ssyncadd.s32 $0xFFFFC000  }
0x85: {  	[tilespmem:s29], [sflag:$0x4] =	stream.linear.gather [hbm4b:s17+s3], $0x80, $0x38;
	[tilespmem:$0x1BE00] =	vst v63  }
0x86: {  	s16 =	sadd.s32 s16, s21  }
0x87: {  	[tilespmem:s30], [sflag:$0x6] =	stream.linear.gather [hbm4b:s16+s3], $0x80, $0x38;
	[tilespmem:$0x1BE00] =	vst v63  }
0x88: {  	_ =	swait.ge [sflag:s31], $0x80  }
0x89: {  	[sflag:s31] =	ssyncset.done $0x0  }
0x8a: {  	[sflag:s31] =	ssyncadd.s32 $0xFFFFFF80  }
0x8b: {  	[tilespmem:s0], [sflag:$0x2] =	stream.indirect.gather [hbm4b:s1+s29], $0x80, s29, s29, $0xb8;
	[tilespmem:$0x1BE00] =	vst v63  }
0x8c: {  	_ =	swait.ge [sflag:s4], $0x4000  }
0x8d: {  	[sflag:s4] =	ssyncset.done $0x0  }
0x8e: {  	[sflag:s4] =	ssyncadd.s32 $0xFFFFC000  }
0x8f: {  	_ =	swait.ge [sflag:s5], $0x80  }
0x90: {  	[sflag:s5] =	ssyncset.done $0x0  }
0x91: {  	[sflag:s5] =	ssyncadd.s32 $0xFFFFFF80  }
0x92: {  	[spmem:s2] =	stream.indirect.scatter.add.f32 [tilespmem:s25], [sflag:$0x7], $0x80, s28, s29, $0xb8;
	[tilespmem:$0x1BE00] =	vst v63  }
0x93: {  	_ =	swait.ge [sflag:s26], $0x4000  }
0x94: {  	[sflag:s26] =	ssyncset.done $0x0  }
0x95: {  	[sflag:s26] =	ssyncadd.s32 $0xFFFFC000  }
0x96: {  	_ =	swait.ge [sflag:s11], $0x4000  }
0x97: {  	[sflag:s11] =	ssyncset.done $0x0  }
0x98: {  	[sflag:s11] =	ssyncadd.s32 $0xFFFFC000  }
0x99: {  	_ =	swait.ge [sflag:s13], $0x80  }
0x9a: {  	[sflag:s13] =	ssyncset.done $0x0  }
0x9b: {  	[sflag:s13] =	ssyncadd.s32 $0xFFFFFF80  }
0x9c: {  	[spmem:s2] =	stream.indirect.scatter.add.f32 [tilespmem:s0], [sflag:$0x7], $0x80, s30, s29, $0xb8;
	[tilespmem:$0x1BE00] =	vst v63  }
0x9d: {  	_ =	swait.ge [sflag:s26], $0x4000  }
0x9e: {  	[sflag:s26] =	ssyncset.done $0x0  }
0x9f: {  	[sflag:s26] =	ssyncadd.s32 $0xFFFFC000  }
0xa0: {  	[bflag:$0x0] =	sbarrier.arrive $0xFFFF  }
0xa1: {  	[tilespmem:s25], [sflag:$0x7] =	stream.linear.gather [spmem:s6], $0x4000, $0x38;
	[tilespmem:$0x1BE00] =	vst v63  }
0xa2: {  	_ =	swait.ge [sflag:s26], $0x4000  }
0xa3: {  	[sflag:s26] =	ssyncset.done $0x0  }
0xa4: {  	s15 =	rddreg [dreg:$0xa];
	[sflag:s26] =	ssyncadd.s32 $0xFFFFC000  }
0xa5: {  	[hbm4b:s15+s3] =	stream.linear.scatter [tilespmem:s25], [sflag:$0x7], $0x4000, $0x38;
	[tilespmem:$0x1BE00] =	vst v63  }
0xa6: {  	_ =	swait.ge [sflag:s26], $0x4000  }
0xa7: {  	[sflag:s26] =	ssyncset.done $0x0  }
0xa8: {  	[sflag:s26] =	ssyncadd.s32 $0xFFFFC000  }
0xa9: {  	[tilespmem:s25], [sflag:$0x7] =	stream.linear.gather [spmem:s7], $0x4000, $0x38;
	[tilespmem:$0x1BE00] =	vst v63  }
0xaa: {  	_ =	swait.ge [sflag:s26], $0x4000  }
0xab: {  	[sflag:s26] =	ssyncset.done $0x0  }
0xac: {  	s16 =	rddreg [dreg:$0xb];
	[sflag:s26] =	ssyncadd.s32 $0xFFFFC000  }
0xad: {  	[hbm4b:s16+s3] =	stream.linear.scatter [tilespmem:s25], [sflag:$0x7], $0x4000, $0x38;
	[tilespmem:$0x1BE00] =	vst v63  }
0xae: {  	_ =	swait.ge [sflag:s26], $0x4000  }
0xaf: {  	[sflag:s26] =	ssyncset.done $0x0  }
0xb0: {  	[sflag:s26] =	ssyncadd.s32 $0xFFFFC000  }
0xb1: {  	[tilespmem:s25], [sflag:$0x7] =	stream.linear.gather [spmem:s8], $0x4000, $0x38;
	[tilespmem:$0x1BE00] =	vst v63  }
0xb2: {  	_ =	swait.ge [sflag:s26], $0x4000  }
0xb3: {  	[sflag:s26] =	ssyncset.done $0x0  }
0xb4: {  	s17 =	rddreg [dreg:$0xc];
	[sflag:s26] =	ssyncadd.s32 $0xFFFFC000  }
0xb5: {  	[hbm4b:s17+s3] =	stream.linear.scatter [tilespmem:s25], [sflag:$0x7], $0x4000, $0x38;
	[tilespmem:$0x1BE00] =	vst v63  }
0xb6: {  	_ =	swait.ge [sflag:s26], $0x4000  }
0xb7: {  	[sflag:s26] =	ssyncset.done $0x0  }
0xb8: {  	[sflag:s26] =	ssyncadd.s32 $0xFFFFC000  }
0xb9: {  	[tilespmem:s25], [sflag:$0x7] =	stream.linear.gather [spmem:s9], $0x4000, $0x38;
	[tilespmem:$0x1BE00] =	vst v63  }
0xba: {  	_ =	swait.ge [sflag:s26], $0x4000  }
0xbb: {  	[sflag:s26] =	ssyncset.done $0x0  }
0xbc: {  	[sflag:s26] =	ssyncadd.s32 $0xFFFFC000  }
0xbd: {  	[hbm4b:s18+s3] =	stream.linear.scatter [tilespmem:s25], [sflag:$0x7], $0x4000, $0x38;
	[tilespmem:$0x1BE00] =	vst v63  }
0xbe: {  	_ =	swait.ge [sflag:s26], $0x4000  }
0xbf: {  	[sflag:s26] =	ssyncset.done $0x0  }
0xc0: {  	[sflag:s26] =	ssyncadd.s32 $0xFFFFC000  }
0xc1: {  	[tilespmem:s25], [sflag:$0x7] =	stream.linear.gather [spmem:s10], $0x3C00, $0x38;
	[tilespmem:$0x1BE00] =	vst v63  }
0xc2: {  	s14 =	sadd.s32 $0x1, s14;
	_ =	swait.ge [sflag:s26], $0x3C00  }
0xc3: {  	p0 =	sne.s32 s14, s20;
	[sflag:s26] =	ssyncset.done $0x0  }
.Ltmp1:
0xc4: {  	[sflag:s26] =	ssyncadd.s32 $0xFFFFC400;
	(pc) =	sbr.rel @p0 .LBB2_1-.Ltmp1, $4  }
0xc5: {  	[hbm4b:s19+s3] =	stream.linear.scatter [tilespmem:s25], [sflag:$0x7], $0x3C00, $0x38;
	[tilespmem:$0x1BE00] =	vst v63  }
0xc6: {  	_ =	swait.ge [sflag:s26], $0x3C00  }
0xc7: {  	[sflag:s26] =	ssyncset.done $0x0  }
0xc8: {  	[sflag:s26] =	ssyncadd.s32 $0xFFFFC400  }
0xc9: {  	_ =	sfence.sel $0x180000  }
0xca: {  	[bflag:$0x0] =	sbarrier.arrive $0xFFFF  }
0xcb: {  	_ =	strace $0x9000004A  }
0xcc: {  	s0 =	stileid.u32;
	[bflag:$0x2] =	sbarrier.arrive $0xFFFF  }
0xcd: {  	p0 =	sne.s32 s0, $0x0;
	s0 =	rddreg [dreg:$0x4]  }
0xce: {  	s0 =	sadd.s32 @!p0 $0x100000, s0  }
0xcf: {  	[sflag:s0] =	ssyncadd.tile.s32 @!p0 $0x1;
	_ =	shalt  }
.Lfunc_end2:
_tile_overlayer_lowered:
.L_overlay_start_2:
0xd0: {  	(tag) =	ssettag $0x2  }
0xd1: {  	s0 =	rddreg [dreg:$0x0];
	s2 =	stileid.u32  }
0xd2: {  	s1 =	rddreg [dreg:$0x1];
	p0 =	sne.s32 s2, $0x0  }
0xd3: {  	s3 =	rddreg [dreg:$0x2];
	[bflag:$0x3] =	sbarrier.arrive $0xFFFF;
	s2 =	simm.s32 @!p0 $0x1C07  }
0xd4: {  	[timem:s3], [sflag:s2] =	dma.local @!p0 [hbm:s0], s1  }
0xd5: {  	s0 =	simm.s32 @!p0 $0x7  }
0xd6: {  	_ =	swait.ge @!p0 [sflag:s0], s1  }
0xd7: {  	s1 =	ssub.s32 @!p0 $0x0, s1;
	[sflag:s0] =	ssyncset.done @!p0 $0x0  }
0xd8: {  	[sflag:s0] =	ssyncadd.s32 @!p0 s1  }
0xd9: {  	[bflag:$0x3] =	sbarrier.arrive $0xFFFF  }
0xda: {  	_ =	shalt  }

// kernel: kernel.14.cloned.1.call-start
scs
__scs_entry_jumppad:
0x0: {  	(pc) =	sbr.rel $0x88, $3  }
0x1: {  	(tag) =	ssettag $0x0;
	lr =	simm.s32 $0x1  }
0x2: {  	[smem:$0x3F96] =	sst lr;
	_ =	strace $0xD0000000  }
0x3: {  	_ = 	snop  }
0x4: {  	_ = 	snop  }
0x5: {  	_ = 	snop  }
0x6: {  	_ = 	snop  }
0x7: {  	_ = 	snop  }
__scs_overlays_trampoline_lowered:
0x8: {  	[smem:$0x3FA5] =	sst s0  }
0x9: {  	[smem:$0x3FA6] =	sst s1  }
0xa: {  	[smem:$0x3FA7] =	sst s2  }
0xb: {  	[smem:$0x3FA8] =	sst s3  }
0xc: {  	[smem:$0x3FA9] =	sst s4  }
0xd: {  	[smem:$0x3FAA] =	sst s5  }
0xe: {  	[smem:$0x3FAB] =	sst s6  }
0xf: {  	[smem:$0x3FAC] =	sst s7  }
0x10: {  	[smem:$0x3FAD] =	sst s8  }
0x11: {  	[smem:$0x3FAE] =	sst s9;
	s0 =	simm.s32 @!p0 $0x0  }
0x12: {  	s1 =	sld [smem:$0x3F94];
	s0 =	simm.s32 @p0 $0x1  }
0x13: {  	[smem:$0x3FAF] =	sst s0;
	s0 =	simm.s32 @!p1 $0x0  }
0x14: {  	s2 =	sld [smem:$0x3F93];
	s0 =	simm.s32 @p1 $0x1  }
0x15: {  	[smem:$0x3FB0] =	sst s0;
	s0 =	simm.s32 @!p2 $0x0  }
0x16: {  	s3 =	sld [smem:$0x3FDB];
	s0 =	simm.s32 @p2 $0x1  }
0x17: {  	s4 =	simm.s32 $0x1BF5;
	[smem:$0x3FB2] =	sst s0  }
0x18: {  	s0 =	sld [smem:$0x3F95];
	_ =	swait.ge [sflag:s4], $0x0  }
0x19: {  	s7 =	sld [smem:$0x3F96]  }
0x1a: {  	s8 =	sadd.s32 $0xFFFFE003, lr  }
0x1b: {  	s9 =	sadd.s32 $0xFFFFFEF7, lr;
	s5 =	simm.s32 $0xFFFFFFFF;
	p2 =	slt.u32 s8, $0xFFFFF086  }
0x1c: {  	p1 =	slt.u32 s9, $0xF7A;
	s5 =	simm.s32 @!p2 $0x0  }
0x1d: {  	s5 =	simm.s32 @p1 $0x1;
	p0 =	seq.s32 s7, s2  }
0x1e: {  	s7 =	smul.u32 @!p0 $0xF7A, s2;
	p2 =	seq.s32 @!p0 s5, $0x0  }
0x1f: {  	s9 =	smul.u32 $0xF7A, s1;
	s8 =	simm.s32 @!p0 $0x1BF5;
	p2 =	por !p2, p0  }
0x20: {  	[sflag:s8] =	ssyncset.s32 @!p0 $0xFFFFF086;
	s6 =	sadd.s32 @!p0 s3, s7;
	s7 =	simm.s32 @!p0 $0x108  }
0x21: {  	s3 =	sadd.s32 s3, s9;
	s6 =	sadd.s32 @!p0 $0x88, s6;
	s7 =	simm.s32 @p2 $0x1082  }
0x22: {  	[simem:s7], [sflag:s8] =	dma.local @!p0 [hbm:s6], $0xF7A  }
0x23: {  	s9 =	sor.u32 $0xD0000000, s2;
	s6 =	simm.s32 $0x108;
	_ =	swait.ge @!p0 [sflag:s8], $0x0  }
0x24: {  	s3 =	sadd.s32 $0x88, s3;
	s6 =	simm.s32 @!p1 $0x1082;
	[sflag:s4] =	ssyncset.s32 $0xFFFFF086  }
0x25: {  	[simem:s6], [sflag:s4] =	dma.local [hbm:s3], $0xF7A  }
0x26: {  	[smem:$0x3F96] =	sst s1;
	(tag) =	ssettag s2;
	_ =	strace s9  }
0x27: {  	s1 =	sld [smem:$0x3FA6]  }
0x28: {  	s2 =	sld [smem:$0x3FA7]  }
0x29: {  	s4 =	sld [smem:$0x3FA9]  }
0x2a: {  	p0 =	seq.s32 s5, $0x0;
	s5 =	sld [smem:$0x3FAA]  }
0x2b: {  	s6 =	sld [smem:$0x3FAB]  }
0x2c: {  	s7 =	sld [smem:$0x3FAC]  }
0x2d: {  	s3 =	simm.s32 $0x108;
	s8 =	sld [smem:$0x3FAD]  }
0x2e: {  	s3 =	simm.s32 @!p0 $0x1082;
	s9 =	sld [smem:$0x3FAE]  }
0x2f: {  	lr =	sadd.s32 s0, s3;
	s0 =	sld [smem:$0x3FA5]  }
0x30: {  	s3 =	sld [smem:$0x3FA8]  }
0x31: {  	[smem:$0x3FB1] =	sst s10  }
0x32: {  	s10 =	sld [smem:$0x3FAF];
	_ =	sdelay $0x3  }
0x33: {  	p0 =	seq.s32 s10, $0x1;
	s10 =	sld [smem:$0x3FB1];
	_ =	sdelay $0x3  }
0x34: {  	[smem:$0x3FB1] =	sst s10  }
0x35: {  	s10 =	sld [smem:$0x3FB0];
	_ =	sdelay $0x3  }
0x36: {  	p1 =	seq.s32 s10, $0x1;
	s10 =	sld [smem:$0x3FB1];
	_ =	sdelay $0x3  }
0x37: {  	[smem:$0x3FB1] =	sst s10  }
0x38: {  	s10 =	sld [smem:$0x3FB2]  }
0x39: {  	_ = 	snop;
	(pc) =	sbr.ind lr, $3  }
0x3a: {  	_ = 	snop  }
0x3b: {  	_ = 	snop  }
0x3c: {  	p2 =	seq.s32 s10, $0x1;
	s10 =	sld [smem:$0x3FB1]  }
0x3d: {  	_ =	shalt  }
0x3e: {  	_ =	shalt  }
0x3f: {  	_ =	shalt  }
0x40: {  	_ =	shalt  }
0x41: {  	_ =	shalt  }
0x42: {  	_ =	shalt  }
0x43: {  	_ =	shalt  }
0x44: {  	_ =	shalt  }
0x45: {  	_ =	shalt  }
0x46: {  	_ =	shalt  }
0x47: {  	_ =	shalt  }
0x48: {  	_ =	shalt  }
0x49: {  	_ =	shalt  }
0x4a: {  	_ =	shalt  }
0x4b: {  	_ =	shalt  }
0x4c: {  	_ =	shalt  }
0x4d: {  	_ =	shalt  }
0x4e: {  	_ =	shalt  }
0x4f: {  	_ =	shalt  }
0x50: {  	_ =	shalt  }
0x51: {  	_ =	shalt  }
0x52: {  	_ =	shalt  }
0x53: {  	_ =	shalt  }
0x54: {  	_ =	shalt  }
0x55: {  	_ =	shalt  }
0x56: {  	_ =	shalt  }
0x57: {  	_ =	shalt  }
0x58: {  	_ =	shalt  }
0x59: {  	_ =	shalt  }
0x5a: {  	_ =	shalt  }
0x5b: {  	_ =	shalt  }
0x5c: {  	_ =	shalt  }
0x5d: {  	_ =	shalt  }
0x5e: {  	_ =	shalt  }
0x5f: {  	_ =	shalt  }
0x60: {  	_ =	shalt  }
0x61: {  	_ =	shalt  }
0x62: {  	_ =	shalt  }
0x63: {  	_ =	shalt  }
0x64: {  	_ =	shalt  }
0x65: {  	_ =	shalt  }
0x66: {  	_ =	shalt  }
0x67: {  	_ =	shalt  }
0x68: {  	_ =	shalt  }
0x69: {  	_ =	shalt  }
0x6a: {  	_ =	shalt  }
0x6b: {  	_ =	shalt  }
0x6c: {  	_ =	shalt  }
0x6d: {  	_ =	shalt  }
0x6e: {  	_ =	shalt  }
0x6f: {  	_ =	shalt  }
0x70: {  	_ =	shalt  }
0x71: {  	_ =	shalt  }
0x72: {  	_ =	shalt  }
0x73: {  	_ =	shalt  }
0x74: {  	_ =	shalt  }
0x75: {  	_ =	shalt  }
0x76: {  	_ =	shalt  }
0x77: {  	_ =	shalt  }
0x78: {  	_ =	shalt  }
0x79: {  	_ =	shalt  }
0x7a: {  	_ =	shalt  }
0x7b: {  	_ =	shalt  }
0x7c: {  	_ =	shalt  }
0x7d: {  	_ =	shalt  }
0x7e: {  	_ =	shalt  }
0x7f: {  	_ =	shalt  }
0x80: {  	_ =	shalt  }
0x81: {  	_ =	shalt  }
0x82: {  	_ =	shalt  }
0x83: {  	_ =	shalt  }
0x84: {  	_ =	shalt  }
0x85: {  	_ =	shalt  }
0x86: {  	_ =	shalt  }
0x87: {  	_ =	shalt  }
.Lfunc_end0:
.L_simem_size_0:
called_computation.2_lowered:
.L_overlay_start_0:
0x88: {  	s2 =	sld [smem:$0x3FD9]  }
0x89: {  	s3 =	sld [smem:$0x3FFE];
	_ =	sdelay $0x1  }
0x8a: {  	s1 =	srdreg.scid  }
0x8b: {  	s0 =	sand.u32 $0x1, s1  }
0x8c: {  	s14 =	sshll.u32 s0, $0xA;
	s2 =	sadd.s32 s3, s2  }
0x8d: {  	s2 =	sadd.s32 s2, s14  }
0x8e: {  	[smem:$0x3FBD] =	sst s2  }
0x8f: {  	_ = 	snop  }
0x90: {  	s2 =	sld [smem:$0x3FD0];
	_ =	sdelay $0x2  }
0x91: {  	s15 =	simm.s32 $0xA;
	s4 =	simm.s32 $0x10  }
0x92: {  	[smem:s4], [sflag:s15] =	dma.local [hbm:s2], $0x1  }
0x93: {  	_ =	swait.eq [sflag:s15], $0x1  }
0x94: {  	[sflag:s15] =	ssyncset.done $0x0  }
0x95: {  	s16 =	sld [smem:$0x10];
	[sflag:s15] =	ssyncadd.s32 $0xFFFFFFFF  }
0x96: {  	s17 =	sld [smem:$0x11];
	(tm) =	ssettm $0x1  }
0x97: {  	s18 =	sld [smem:$0x3FFB];
	_ =	sdelay $0x3  }
0x98: {  	_ =	strace s18  }
0x99: {  	s4 =	sld [smem:$0x3FFC];
	_ =	sdelay $0x3  }
0x9a: {  	_ =	strace s4  }
0x9b: {  	s4 =	sld [smem:$0x3FFD];
	_ =	sdelay $0x3  }
0x9c: {  	_ =	strace s4  }
0x9d: {  	_ =	strace $0x8FFFFFFF  }
0x9e: {  	s19 =	sld [smem:$0x3FDB];
	_ =	sdelay $0x1  }
0x9f: {  	s5 =	simm.s32 $_scs_section_size  }
0xa0: {  	s6 =	simm.s32 $_size__tile_overlayer_lowered;
	s7 =	simm.s32 $_tile_overlayer_lowered  }
0xa1: {  	s22 =	simm.s32 $0x1BFF;
	s21 =	sshll.u32 s7, $0x1;
	s4 =	sadd.s32 s5, s19  }
0xa2: {  	s8 =	simm.s32 $0x0;
	s20 =	sshll.u32 s6, $0x1;
	s6 =	sadd.s32 s21, s4  }
0xa3: {  	[timem:s8], [sflag:s22] =	dma.local [hbm:s6], s20  }
0xa4: {  	_ =	swait.ge [sflag:s22], s20  }
0xa5: {  	s5 =	ssub.s32 $0x0, s20;
	[sflag:s22] =	ssyncset.done $0x0  }
0xa6: {  	[sflag:s22] =	ssyncadd.s32 s5;
	_ =	sdelay $0x1  }
0xa7: {  	s23 =	simm.s32 $0x1B8B  }
0xa8: {  	_ =	swait.ge [sflag:s23], $0x1  }
0xa9: {  	[sflag:s23] =	ssyncset.done $0x0  }
0xaa: {  	s25 =	simm.s32 $0x1B8E;
	s24 =	sld [smem:$0x3FFE];
	[sflag:s23] =	ssyncadd.s32 $0xFFFFFFFF  }
0xab: {  	s26 =	simm.s32 $execute0_lowered;
	[smem:$0x3FD2] =	sst s25  }
0xac: {  	s6 =	sshll.u32 s26, $0x1;
	_ =	strace $0x8000004C;
	[dreg:$0x1] =	wrdreg $0xFFFFFFFF  }
0xad: {  	s28 =	simm.s32 $_size_execute0_lowered;
	s4 =	sadd.s32 s4, s6;
	[dreg:$0x0] =	wrdreg $0x0  }
0xae: {  	s6 =	sshll.u32 s28, $0x1;
	[dreg:$0x2] =	wrdreg s4  }
0xaf: {  	[dreg:$0x3] =	wrdreg s6  }
0xb0: {  	[dreg:$0x4] =	wrdreg $0xC0  }
0xb1: {  	_ =	task [dreg:s8], $0x5FFFF  }
0xb2: {  	[dreg:$0x1] =	wrdreg $0xFFFFFFFF  }
0xb3: {  	[dreg:$0x0] =	wrdreg $0x60  }
0xb4: {  	[dreg:$0x2] =	wrdreg s17  }
0xb5: {  	[dreg:$0x3] =	wrdreg s24  }
0xb6: {  	[dreg:$0x4] =	wrdreg s16  }
0xb7: {  	[dreg:$0x5] =	wrdreg $0x82000  }
0xb8: {  	[dreg:$0x6] =	wrdreg $0x9  }
0xb9: {  	_ =	task.clear_ibuf [dreg:s8], $0x7FFFF;
	_ =	strace $0x9000004C  }
0xba: {  	s29 =	simm.s32 $0x9;
	_ =	strace $0x8000004E  }
0xbb: {  	_ =	swait.ge [sflag:s29], $0x1  }
0xbc: {  	[sflag:s29] =	ssyncadd.s32 $0xFFFFFFFF  }
0xbd: {  	_ =	strace $0x9000004E  }
0xbe: {  	_ =	sfence  }
0xbf: {  	s30 =	sld [smem:$0x0];
	_ =	sdelay $0x2  }
0xc0: {  	s31 =	sshll.u32 s1, $0xD;
	s1 =	sshrl.u32 s1, $0x2  }
0xc1: {  	s3 =	sand.u32 $0x4000, s31;
	s1 =	sadd.s32 s1, s30  }
0xc2: {  	s0 =	sor.u32 s3, s0;
	s1 =	sshll.u32 s1, $0x11  }
0xc3: {  	s0 =	sor.u32 s1, s0  }
0xc4: {  	s0 =	sadd.s32 $0x8F2B, s0  }
0xc5: {  	[sflag:s0] =	ssyncadd.remote.s32 $0x1  }
0xc6: {  	_ =	sfence.sel $0xFFFF  }
0xc7: {  	[dreg:$0x0] =	wrdreg $0xFFFFFFFF;
	(pc) =	sbr.abs _section_cstart, $3  }
0xc8: {  	[dreg:$0x1] =	wrdreg $0xFFFFFFFF  }
0xc9: {  	_ =	task.clear_ibuf [dreg:s8], $0x2FFFF;
	_ =	strace $0x9FFFFFFF  }
0xca: {  	(tm) =	ssettm $0x7FFFFFFF  }
0xcb: {  	_ =	shalt  }
tec
execute0_lowered:
.L_overlay_start_1:
0x0: {  	(tag) =	ssettag $0x1  }
0x1: {  	s0 =	rddreg [dreg:$0x0]  }
0x2: {  	s4 =	rddreg [dreg:$0x1]  }
0x3: {  	s1 =	rddreg [dreg:$0x2]  }
0x4: {  	s2 =	rddreg [dreg:$0x3];
	s3 =	simm.s32 $0x0  }
0x5: {  	s6 =	srdreg.scid;
	s20 =	stileid.u32;
	s28 =	simm.s32 $0x100  }
0x6: {  	s29 =	simm.s32 $0x80;
	s30 =	simm.s32 $0x180;
	s31 =	simm.s32 $0x4  }
0x7: {  	[smem:$0x7FF] =	sst s3;
	s5 =	sadd.s32 $0x3600, s4;
	s23 =	smul.u32 $0x4F000, s20  }
0x8: {  	s7 =	sadd.s32 $0xD600, s4;
	s11 =	sand.u32 $0x1, s6;
	s12 =	smul.u32 $0x13C00, s20  }
0x9: {  	s4 =	sadd.s32 $0xDE00, s4;
	s9 =	sshll.u32 s20, $0x1;
	s20 =	smul.u32 $0x5000, s20  }
0xa: {  	_ =	strace $0x8000004D;
	[dreg:$0x5] =	wrdreg s7;
	s19 =	smul.u32 $0x13C000, s11  }
0xb: {  	s6 =	ssub.s32 $0x2, s11;
	s24 =	sor.u32 s11, s9;
	s11 =	smul.u32 $0x2800, s11  }
0xc: {  	s8 =	sshrl.u32 s6, $0x1;
	s7 =	sshrl.u32 s23, $0x2;
	s14 =	smul.u32 $0x2800, s24  }
0xd: {  	s15 =	sadd.s32 $0x4000, s12;
	s16 =	sadd.s32 $0x8000, s12;
	s17 =	sadd.s32 $0xC000, s12  }
0xe: {  	s18 =	sadd.s32 $0x10000, s12;
	s13 =	ssub.s32 s6, s8;
	s6 =	sadd.s32 s7, s2  }
0xf: {  	s7 =	sadd.s32 s15, s2;
	s8 =	sadd.s32 s16, s2;
	s9 =	sadd.s32 s17, s2  }
0x10: {  	s10 =	sadd.s32 s18, s2;
	s12 =	sadd.s32 s12, s19;
	s15 =	sadd.s32 s19, s15  }
0x11: {  	s16 =	sadd.s32 s19, s16;
	s17 =	sadd.s32 s19, s17;
	s18 =	sadd.s32 s19, s18  }
0x12: {  	s11 =	sadd.s32 s11, s20;
	s14 =	sshrl.u32 s14, $0x3;
	s12 =	sshrl.u32 s12, $0x3  }
0x13: {  	s23 =	sshrl.u32 s17, $0x3;
	s24 =	sshrl.u32 s18, $0x3;
	s20 =	smax.u32 s13, $0x1  }
0x14: {  	s13 =	simm.s32 $0x6;
	s21 =	sadd.s32 s0, s14;
	s25 =	sadd.s32 s5, s14  }
0x15: {  	s14 =	sor.u32 $0x10, s14;
	s12 =	sadd.s32 s4, s12;
	[dreg:$0x6] =	wrdreg s21  }
0x16: {  	s18 =	sadd.s32 s4, s23;
	s19 =	sadd.s32 s4, s24;
	[dreg:$0x7] =	wrdreg s25  }
0x17: {  	s26 =	sadd.s32 s0, s14;
	s14 =	sadd.s32 s5, s14;
	[dreg:$0xa] =	wrdreg s12  }
0x18: {  	s25 =	sor.u32 $0x180, s11;
	s11 =	sor.u32 $0x100, s11;
	[dreg:$0x8] =	wrdreg s26  }
0x19: {  	s12 =	simm.s32 $0x3;
	[dreg:$0x9] =	wrdreg s14;
	s14 =	sshrl.u32 s15, $0x3  }
0x1a: {  	s15 =	sshrl.u32 s16, $0x3;
	s26 =	sshrl.u32 s11, $0x3;
	s11 =	simm.s32 $0x2  }
0x1b: {  	s21 =	sadd.s32 s4, s14;
	s22 =	sadd.s32 s4, s15;
	s4 =	sshrl.u32 s25, $0x3  }
0x1c: {  	s23 =	sadd.s32 s26, s5;
	s24 =	sadd.s32 s26, s0;
	s25 =	simm.s32 $0x200  }
0x1d: {  	s26 =	simm.s32 $0x7;
	s14 =	simm.s32 $0x0;
	[dreg:$0xb] =	wrdreg s21  }
0x1e: {  	[dreg:$0xc] =	wrdreg s22;
	s21 =	sadd.s32 s4, s5;
	s22 =	sadd.s32 s4, s0  }
0x1f: {  	s0 =	simm.s32 $0x4200;
	s4 =	simm.s32 $0x1;
	s5 =	simm.s32 $0x5  }
.LBB2_1:
0x20: {  	s15 =	rddreg [dreg:$0x5]  }
0x21: {  	[tilespmem:s25], [sflag:$0x7] =	stream.linear.gather [hbm4b:s15+s3], $0x4000, $0x38;
	[tilespmem:$0x1BE00] =	vst v63  }
0x22: {  	_ =	swait.ge [sflag:s26], $0x4000  }
0x23: {  	[sflag:s26] =	ssyncset.done $0x0  }
0x24: {  	[sflag:s26] =	ssyncadd.s32 $0xFFFFC000  }
0x25: {  	[spmem:s6] =	stream.linear.scatter [tilespmem:s25], [sflag:$0x7], $0x4000, $0x38;
	[tilespmem:$0x1BE00] =	vst v63  }
0x26: {  	_ =	swait.ge [sflag:s26], $0x4000  }
0x27: {  	[sflag:s26] =	ssyncset.done $0x0  }
0x28: {  	[sflag:s26] =	ssyncadd.s32 $0xFFFFC000  }
0x29: {  	[spmem:s7] =	stream.linear.scatter [tilespmem:s25], [sflag:$0x7], $0x4000, $0x38;
	[tilespmem:$0x1BE00] =	vst v63  }
0x2a: {  	_ =	swait.ge [sflag:s26], $0x4000  }
0x2b: {  	[sflag:s26] =	ssyncset.done $0x0  }
0x2c: {  	[sflag:s26] =	ssyncadd.s32 $0xFFFFC000  }
0x2d: {  	[spmem:s8] =	stream.linear.scatter [tilespmem:s25], [sflag:$0x7], $0x4000, $0x38;
	[tilespmem:$0x1BE00] =	vst v63  }
0x2e: {  	_ =	swait.ge [sflag:s26], $0x4000  }
0x2f: {  	[sflag:s26] =	ssyncset.done $0x0  }
0x30: {  	[sflag:s26] =	ssyncadd.s32 $0xFFFFC000  }
0x31: {  	[spmem:s9] =	stream.linear.scatter [tilespmem:s25], [sflag:$0x7], $0x4000, $0x38;
	[tilespmem:$0x1BE00] =	vst v63  }
0x32: {  	_ =	swait.ge [sflag:s26], $0x4000  }
0x33: {  	[sflag:s26] =	ssyncset.done $0x0  }
0x34: {  	[sflag:s26] =	ssyncadd.s32 $0xFFFFC000  }
0x35: {  	[spmem:s10] =	stream.linear.scatter [tilespmem:s25], [sflag:$0x7], $0x3C00, $0x38;
	[tilespmem:$0x1BE00] =	vst v63  }
0x36: {  	_ =	swait.ge [sflag:s26], $0x3C00  }
0x37: {  	[sflag:s26] =	ssyncset.done $0x0  }
0x38: {  	[sflag:s26] =	ssyncadd.s32 $0xFFFFC400  }
0x39: {  	[bflag:$0x0] =	sbarrier.arrive $0xFFFF  }
0x3a: {  	s17 =	rddreg [dreg:$0x6]  }
0x3b: {  	[tilespmem:s3], [sflag:$0x7] =	stream.linear.gather [hbm4b:s17+s3], $0x80, $0x38;
	[tilespmem:$0x1BE00] =	vst v63  }
0x3c: {  	_ =	swait.ge [sflag:s26], $0x80  }
0x3d: {  	[sflag:s26] =	ssyncset.done $0x0  }
0x3e: {  	s16 =	rddreg [dreg:$0x7];
	[sflag:s26] =	ssyncadd.s32 $0xFFFFFF80  }
0x3f: {  	[tilespmem:s28], [sflag:$0x5] =	stream.linear.gather [hbm4b:s16+s3], $0x80, $0x38;
	[tilespmem:$0x1BE00] =	vst v63  }
0x40: {  	_ = 	snop  }
0x41: {  	[tilespmem:s25], [sflag:$0x1] =	stream.indirect.gather [hbm4b:s1+s29], $0x80, s3, s29, $0xb8;
	[tilespmem:$0x1BE00] =	vst v63  }
0x42: {  	s17 =	rddreg [dreg:$0x8]  }
0x43: {  	[tilespmem:s29], [sflag:$0x4] =	stream.linear.gather [hbm4b:s17+s3], $0x80, $0x38;
	[tilespmem:$0x1BE00] =	vst v63  }
0x44: {  	s16 =	rddreg [dreg:$0x9]  }
0x45: {  	[tilespmem:s30], [sflag:$0x6] =	stream.linear.gather [hbm4b:s16+s3], $0x80, $0x38;
	[tilespmem:$0x1BE00] =	vst v63  }
0x46: {  	_ =	swait.ge [sflag:s31], $0x80  }
0x47: {  	[sflag:s31] =	ssyncset.done $0x0  }
0x48: {  	[sflag:s31] =	ssyncadd.s32 $0xFFFFFF80  }
0x49: {  	[tilespmem:s0], [sflag:$0x2] =	stream.indirect.gather [hbm4b:s1+s29], $0x80, s29, s29, $0xb8;
	[tilespmem:$0x1BE00] =	vst v63  }
0x4a: {  	_ =	swait.ge [sflag:s4], $0x4000  }
0x4b: {  	[sflag:s4] =	ssyncset.done $0x0  }
0x4c: {  	s17 =	sadd.s32 $0x0, s24;
	[sflag:s4] =	ssyncadd.s32 $0xFFFFC000  }
0x4d: {  	[tilespmem:s3], [sflag:$0x3] =	stream.linear.gather [hbm4b:s17+s3], $0x80, $0x38;
	[tilespmem:$0x1BE00] =	vst v63  }
0x4e: {  	_ =	swait.ge [sflag:s5], $0x80  }
0x4f: {  	[sflag:s5] =	ssyncset.done $0x0  }
0x50: {  	[sflag:s5] =	ssyncadd.s32 $0xFFFFFF80  }
0x51: {  	[spmem:s2] =	stream.indirect.scatter.add.f32 [tilespmem:s25], [sflag:$0x7], $0x80, s28, s29, $0xb8;
	[tilespmem:$0x1BE00] =	vst v63  }
0x52: {  	_ =	swait.ge [sflag:s26], $0x4000  }
0x53: {  	[sflag:s26] =	ssyncset.done $0x0  }
0x54: {  	s16 =	sadd.s32 $0x0, s23;
	[sflag:s26] =	ssyncadd.s32 $0xFFFFC000  }
0x55: {  	[tilespmem:s28], [sflag:$0x5] =	stream.linear.gather [hbm4b:s16+s3], $0x80, $0x38;
	[tilespmem:$0x1BE00] =	vst v63  }
0x56: {  	_ =	swait.ge [sflag:s11], $0x4000  }
0x57: {  	[sflag:s11] =	ssyncset.done $0x0  }
0x58: {  	[sflag:s11] =	ssyncadd.s32 $0xFFFFC000  }
0x59: {  	_ =	swait.ge [sflag:s12], $0x80  }
0x5a: {  	[sflag:s12] =	ssyncset.done $0x0  }
0x5b: {  	[sflag:s12] =	ssyncadd.s32 $0xFFFFFF80  }
0x5c: {  	[tilespmem:s25], [sflag:$0x1] =	stream.indirect.gather [hbm4b:s1+s29], $0x80, s3, s29, $0xb8;
	[tilespmem:$0x1BE00] =	vst v63  }
0x5d: {  	_ =	swait.ge [sflag:s13], $0x80  }
0x5e: {  	[sflag:s13] =	ssyncset.done $0x0  }
0x5f: {  	[sflag:s13] =	ssyncadd.s32 $0xFFFFFF80  }
0x60: {  	[spmem:s2] =	stream.indirect.scatter.add.f32 [tilespmem:s0], [sflag:$0x7], $0x80, s30, s29, $0xb8;
	[tilespmem:$0x1BE00] =	vst v63  }
0x61: {  	_ =	swait.ge [sflag:s26], $0x4000  }
0x62: {  	s15 =	simm.s32 $0x20;
	[sflag:s26] =	ssyncset.done $0x0  }
0x63: {  	s17 =	sadd.s32 $0x0, s22;
	s16 =	sadd.s32 $0x0, s21;
	[sflag:s26] =	ssyncadd.s32 $0xFFFFC000  }
0x64: {  	[tilespmem:s29], [sflag:$0x4] =	stream.linear.gather [hbm4b:s17+s3], $0x80, $0x38;
	[tilespmem:$0x1BE00] =	vst v63  }
.LBB2_2:
0x65: {  	[tilespmem:s30], [sflag:$0x6] =	stream.linear.gather [hbm4b:s16+s3], $0x80, $0x38;
	[tilespmem:$0x1BE00] =	vst v63  }
0x66: {  	s16 =	smov.u32 s15  }
0x67: {  	p0 =	sne.s32 s15, $0x4C0;
	s15 =	sadd.s32 $0x20, s15;
	_ =	swait.ge [sflag:s31], $0x80  }
0x68: {  	[sflag:s31] =	ssyncset.done $0x0  }
0x69: {  	[sflag:s31] =	ssyncadd.s32 $0xFFFFFF80  }
0x6a: {  	[tilespmem:s0], [sflag:$0x2] =	stream.indirect.gather [hbm4b:s1+s29], $0x80, s29, s29, $0xb8;
	[tilespmem:$0x1BE00] =	vst v63  }
0x6b: {  	_ =	swait.ge [sflag:s4], $0x4000  }
0x6c: {  	[sflag:s4] =	ssyncset.done $0x0  }
0x6d: {  	s17 =	sadd.s32 s16, s24;
	[sflag:s4] =	ssyncadd.s32 $0xFFFFC000  }
0x6e: {  	[tilespmem:s3], [sflag:$0x3] =	stream.linear.gather [hbm4b:s17+s3], $0x80, $0x38;
	[tilespmem:$0x1BE00] =	vst v63  }
0x6f: {  	_ =	swait.ge [sflag:s5], $0x80  }
0x70: {  	[sflag:s5] =	ssyncset.done $0x0  }
0x71: {  	[sflag:s5] =	ssyncadd.s32 $0xFFFFFF80  }
0x72: {  	[spmem:s2] =	stream.indirect.scatter.add.f32 [tilespmem:s25], [sflag:$0x7], $0x80, s28, s29, $0xb8;
	[tilespmem:$0x1BE00] =	vst v63  }
0x73: {  	_ =	swait.ge [sflag:s26], $0x4000  }
0x74: {  	[sflag:s26] =	ssyncset.done $0x0  }
0x75: {  	s17 =	sadd.s32 s16, s23;
	[sflag:s26] =	ssyncadd.s32 $0xFFFFC000  }
0x76: {  	[tilespmem:s28], [sflag:$0x5] =	stream.linear.gather [hbm4b:s17+s3], $0x80, $0x38;
	[tilespmem:$0x1BE00] =	vst v63  }
0x77: {  	_ =	swait.ge [sflag:s11], $0x4000  }
0x78: {  	[sflag:s11] =	ssyncset.done $0x0  }
0x79: {  	[sflag:s11] =	ssyncadd.s32 $0xFFFFC000  }
0x7a: {  	_ =	swait.ge [sflag:s12], $0x80  }
0x7b: {  	[sflag:s12] =	ssyncset.done $0x0  }
0x7c: {  	[sflag:s12] =	ssyncadd.s32 $0xFFFFFF80  }
0x7d: {  	[tilespmem:s25], [sflag:$0x1] =	stream.indirect.gather [hbm4b:s1+s29], $0x80, s3, s29, $0xb8;
	[tilespmem:$0x1BE00] =	vst v63  }
0x7e: {  	_ =	swait.ge [sflag:s13], $0x80  }
0x7f: {  	[sflag:s13] =	ssyncset.done $0x0  }
0x80: {  	[sflag:s13] =	ssyncadd.s32 $0xFFFFFF80  }
0x81: {  	[spmem:s2] =	stream.indirect.scatter.add.f32 [tilespmem:s0], [sflag:$0x7], $0x80, s30, s29, $0xb8;
	[tilespmem:$0x1BE00] =	vst v63  }
.Ltmp0:
0x82: {  	_ =	swait.ge [sflag:s26], $0x4000;
	(pc) =	sbr.rel @p0 .LBB2_2-.Ltmp0, $4  }
0x83: {  	[sflag:s26] =	ssyncset.done $0x0  }
0x84: {  	s17 =	sadd.s32 s16, s22;
	[sflag:s26] =	ssyncadd.s32 $0xFFFFC000  }
0x85: {  	[tilespmem:s29], [sflag:$0x4] =	stream.linear.gather [hbm4b:s17+s3], $0x80, $0x38;
	[tilespmem:$0x1BE00] =	vst v63  }
0x86: {  	s16 =	sadd.s32 s16, s21  }
0x87: {  	[tilespmem:s30], [sflag:$0x6] =	stream.linear.gather [hbm4b:s16+s3], $0x80, $0x38;
	[tilespmem:$0x1BE00] =	vst v63  }
0x88: {  	_ =	swait.ge [sflag:s31], $0x80  }
0x89: {  	[sflag:s31] =	ssyncset.done $0x0  }
0x8a: {  	[sflag:s31] =	ssyncadd.s32 $0xFFFFFF80  }
0x8b: {  	[tilespmem:s0], [sflag:$0x2] =	stream.indirect.gather [hbm4b:s1+s29], $0x80, s29, s29, $0xb8;
	[tilespmem:$0x1BE00] =	vst v63  }
0x8c: {  	_ =	swait.ge [sflag:s4], $0x4000  }
0x8d: {  	[sflag:s4] =	ssyncset.done $0x0  }
0x8e: {  	[sflag:s4] =	ssyncadd.s32 $0xFFFFC000  }
0x8f: {  	_ =	swait.ge [sflag:s5], $0x80  }
0x90: {  	[sflag:s5] =	ssyncset.done $0x0  }
0x91: {  	[sflag:s5] =	ssyncadd.s32 $0xFFFFFF80  }
0x92: {  	[spmem:s2] =	stream.indirect.scatter.add.f32 [tilespmem:s25], [sflag:$0x7], $0x80, s28, s29, $0xb8;
	[tilespmem:$0x1BE00] =	vst v63  }
0x93: {  	_ =	swait.ge [sflag:s26], $0x4000  }
0x94: {  	[sflag:s26] =	ssyncset.done $0x0  }
0x95: {  	[sflag:s26] =	ssyncadd.s32 $0xFFFFC000  }
0x96: {  	_ =	swait.ge [sflag:s11], $0x4000  }
0x97: {  	[sflag:s11] =	ssyncset.done $0x0  }
0x98: {  	[sflag:s11] =	ssyncadd.s32 $0xFFFFC000  }
0x99: {  	_ =	swait.ge [sflag:s13], $0x80  }
0x9a: {  	[sflag:s13] =	ssyncset.done $0x0  }
0x9b: {  	[sflag:s13] =	ssyncadd.s32 $0xFFFFFF80  }
0x9c: {  	[spmem:s2] =	stream.indirect.scatter.add.f32 [tilespmem:s0], [sflag:$0x7], $0x80, s30, s29, $0xb8;
	[tilespmem:$0x1BE00] =	vst v63  }
0x9d: {  	_ =	swait.ge [sflag:s26], $0x4000  }
0x9e: {  	[sflag:s26] =	ssyncset.done $0x0  }
0x9f: {  	[sflag:s26] =	ssyncadd.s32 $0xFFFFC000  }
0xa0: {  	[bflag:$0x0] =	sbarrier.arrive $0xFFFF  }
0xa1: {  	[tilespmem:s25], [sflag:$0x7] =	stream.linear.gather [spmem:s6], $0x4000, $0x38;
	[tilespmem:$0x1BE00] =	vst v63  }
0xa2: {  	_ =	swait.ge [sflag:s26], $0x4000  }
0xa3: {  	[sflag:s26] =	ssyncset.done $0x0  }
0xa4: {  	s15 =	rddreg [dreg:$0xa];
	[sflag:s26] =	ssyncadd.s32 $0xFFFFC000  }
0xa5: {  	[hbm4b:s15+s3] =	stream.linear.scatter [tilespmem:s25], [sflag:$0x7], $0x4000, $0x38;
	[tilespmem:$0x1BE00] =	vst v63  }
0xa6: {  	_ =	swait.ge [sflag:s26], $0x4000  }
0xa7: {  	[sflag:s26] =	ssyncset.done $0x0  }
0xa8: {  	[sflag:s26] =	ssyncadd.s32 $0xFFFFC000  }
0xa9: {  	[tilespmem:s25], [sflag:$0x7] =	stream.linear.gather [spmem:s7], $0x4000, $0x38;
	[tilespmem:$0x1BE00] =	vst v63  }
0xaa: {  	_ =	swait.ge [sflag:s26], $0x4000  }
0xab: {  	[sflag:s26] =	ssyncset.done $0x0  }
0xac: {  	s16 =	rddreg [dreg:$0xb];
	[sflag:s26] =	ssyncadd.s32 $0xFFFFC000  }
0xad: {  	[hbm4b:s16+s3] =	stream.linear.scatter [tilespmem:s25], [sflag:$0x7], $0x4000, $0x38;
	[tilespmem:$0x1BE00] =	vst v63  }
0xae: {  	_ =	swait.ge [sflag:s26], $0x4000  }
0xaf: {  	[sflag:s26] =	ssyncset.done $0x0  }
0xb0: {  	[sflag:s26] =	ssyncadd.s32 $0xFFFFC000  }
0xb1: {  	[tilespmem:s25], [sflag:$0x7] =	stream.linear.gather [spmem:s8], $0x4000, $0x38;
	[tilespmem:$0x1BE00] =	vst v63  }
0xb2: {  	_ =	swait.ge [sflag:s26], $0x4000  }
0xb3: {  	[sflag:s26] =	ssyncset.done $0x0  }
0xb4: {  	s17 =	rddreg [dreg:$0xc];
	[sflag:s26] =	ssyncadd.s32 $0xFFFFC000  }
0xb5: {  	[hbm4b:s17+s3] =	stream.linear.scatter [tilespmem:s25], [sflag:$0x7], $0x4000, $0x38;
	[tilespmem:$0x1BE00] =	vst v63  }
0xb6: {  	_ =	swait.ge [sflag:s26], $0x4000  }
0xb7: {  	[sflag:s26] =	ssyncset.done $0x0  }
0xb8: {  	[sflag:s26] =	ssyncadd.s32 $0xFFFFC000  }
0xb9: {  	[tilespmem:s25], [sflag:$0x7] =	stream.linear.gather [spmem:s9], $0x4000, $0x38;
	[tilespmem:$0x1BE00] =	vst v63  }
0xba: {  	_ =	swait.ge [sflag:s26], $0x4000  }
0xbb: {  	[sflag:s26] =	ssyncset.done $0x0  }
0xbc: {  	[sflag:s26] =	ssyncadd.s32 $0xFFFFC000  }
0xbd: {  	[hbm4b:s18+s3] =	stream.linear.scatter [tilespmem:s25], [sflag:$0x7], $0x4000, $0x38;
	[tilespmem:$0x1BE00] =	vst v63  }
0xbe: {  	_ =	swait.ge [sflag:s26], $0x4000  }
0xbf: {  	[sflag:s26] =	ssyncset.done $0x0  }
0xc0: {  	[sflag:s26] =	ssyncadd.s32 $0xFFFFC000  }
0xc1: {  	[tilespmem:s25], [sflag:$0x7] =	stream.linear.gather [spmem:s10], $0x3C00, $0x38;
	[tilespmem:$0x1BE00] =	vst v63  }
0xc2: {  	s14 =	sadd.s32 $0x1, s14;
	_ =	swait.ge [sflag:s26], $0x3C00  }
0xc3: {  	p0 =	sne.s32 s14, s20;
	[sflag:s26] =	ssyncset.done $0x0  }
.Ltmp1:
0xc4: {  	[sflag:s26] =	ssyncadd.s32 $0xFFFFC400;
	(pc) =	sbr.rel @p0 .LBB2_1-.Ltmp1, $4  }
0xc5: {  	[hbm4b:s19+s3] =	stream.linear.scatter [tilespmem:s25], [sflag:$0x7], $0x3C00, $0x38;
	[tilespmem:$0x1BE00] =	vst v63  }
0xc6: {  	_ =	swait.ge [sflag:s26], $0x3C00  }
0xc7: {  	[sflag:s26] =	ssyncset.done $0x0  }
0xc8: {  	[sflag:s26] =	ssyncadd.s32 $0xFFFFC400  }
0xc9: {  	_ =	sfence.sel $0x180000  }
0xca: {  	[bflag:$0x0] =	sbarrier.arrive $0xFFFF  }
0xcb: {  	_ =	strace $0x9000004D  }
0xcc: {  	s0 =	stileid.u32;
	[bflag:$0x2] =	sbarrier.arrive $0xFFFF  }
0xcd: {  	p0 =	sne.s32 s0, $0x0;
	s0 =	rddreg [dreg:$0x4]  }
0xce: {  	s0 =	sadd.s32 @!p0 $0x100000, s0  }
0xcf: {  	[sflag:s0] =	ssyncadd.tile.s32 @!p0 $0x1;
	_ =	shalt  }
.Lfunc_end2:
_tile_overlayer_lowered:
.L_overlay_start_2:
0xd0: {  	(tag) =	ssettag $0x2  }
0xd1: {  	s0 =	rddreg [dreg:$0x0];
	s2 =	stileid.u32  }
0xd2: {  	s1 =	rddreg [dreg:$0x1];
	p0 =	sne.s32 s2, $0x0  }
0xd3: {  	s3 =	rddreg [dreg:$0x2];
	[bflag:$0x3] =	sbarrier.arrive $0xFFFF;
	s2 =	simm.s32 @!p0 $0x1C07  }
0xd4: {  	[timem:s3], [sflag:s2] =	dma.local @!p0 [hbm:s0], s1  }
0xd5: {  	s0 =	simm.s32 @!p0 $0x7  }
0xd6: {  	_ =	swait.ge @!p0 [sflag:s0], s1  }
0xd7: {  	s1 =	ssub.s32 @!p0 $0x0, s1;
	[sflag:s0] =	ssyncset.done @!p0 $0x0  }
0xd8: {  	[sflag:s0] =	ssyncadd.s32 @!p0 s1  }
0xd9: {  	[bflag:$0x3] =	sbarrier.arrive $0xFFFF  }
0xda: {  	_ =	shalt  }

// kernel: kernel.8.cloned.1.call-start
scs
__scs_entry_jumppad:
0x0: {  	(pc) =	sbr.rel $0x88, $3  }
0x1: {  	(tag) =	ssettag $0x0;
	lr =	simm.s32 $0x1  }
0x2: {  	[smem:$0x3F96] =	sst lr;
	_ =	strace $0xD0000000  }
0x3: {  	_ = 	snop  }
0x4: {  	_ = 	snop  }
0x5: {  	_ = 	snop  }
0x6: {  	_ = 	snop  }
0x7: {  	_ = 	snop  }
__scs_overlays_trampoline_lowered:
0x8: {  	[smem:$0x3FA5] =	sst s0  }
0x9: {  	[smem:$0x3FA6] =	sst s1  }
0xa: {  	[smem:$0x3FA7] =	sst s2  }
0xb: {  	[smem:$0x3FA8] =	sst s3  }
0xc: {  	[smem:$0x3FA9] =	sst s4  }
0xd: {  	[smem:$0x3FAA] =	sst s5  }
0xe: {  	[smem:$0x3FAB] =	sst s6  }
0xf: {  	[smem:$0x3FAC] =	sst s7  }
0x10: {  	[smem:$0x3FAD] =	sst s8  }
0x11: {  	[smem:$0x3FAE] =	sst s9;
	s0 =	simm.s32 @!p0 $0x0  }
0x12: {  	s1 =	sld [smem:$0x3F94];
	s0 =	simm.s32 @p0 $0x1  }
0x13: {  	[smem:$0x3FAF] =	sst s0;
	s0 =	simm.s32 @!p1 $0x0  }
0x14: {  	s2 =	sld [smem:$0x3F93];
	s0 =	simm.s32 @p1 $0x1  }
0x15: {  	[smem:$0x3FB0] =	sst s0;
	s0 =	simm.s32 @!p2 $0x0  }
0x16: {  	s3 =	sld [smem:$0x3FDB];
	s0 =	simm.s32 @p2 $0x1  }
0x17: {  	s4 =	simm.s32 $0x1BF5;
	[smem:$0x3FB2] =	sst s0  }
0x18: {  	s0 =	sld [smem:$0x3F95];
	_ =	swait.ge [sflag:s4], $0x0  }
0x19: {  	s7 =	sld [smem:$0x3F96]  }
0x1a: {  	s8 =	sadd.s32 $0xFFFFE003, lr  }
0x1b: {  	s9 =	sadd.s32 $0xFFFFFEF7, lr;
	s5 =	simm.s32 $0xFFFFFFFF;
	p2 =	slt.u32 s8, $0xFFFFF086  }
0x1c: {  	p1 =	slt.u32 s9, $0xF7A;
	s5 =	simm.s32 @!p2 $0x0  }
0x1d: {  	s5 =	simm.s32 @p1 $0x1;
	p0 =	seq.s32 s7, s2  }
0x1e: {  	s7 =	smul.u32 @!p0 $0xF7A, s2;
	p2 =	seq.s32 @!p0 s5, $0x0  }
0x1f: {  	s9 =	smul.u32 $0xF7A, s1;
	s8 =	simm.s32 @!p0 $0x1BF5;
	p2 =	por !p2, p0  }
0x20: {  	[sflag:s8] =	ssyncset.s32 @!p0 $0xFFFFF086;
	s6 =	sadd.s32 @!p0 s3, s7;
	s7 =	simm.s32 @!p0 $0x108  }
0x21: {  	s3 =	sadd.s32 s3, s9;
	s6 =	sadd.s32 @!p0 $0x88, s6;
	s7 =	simm.s32 @p2 $0x1082  }
0x22: {  	[simem:s7], [sflag:s8] =	dma.local @!p0 [hbm:s6], $0xF7A  }
0x23: {  	s9 =	sor.u32 $0xD0000000, s2;
	s6 =	simm.s32 $0x108;
	_ =	swait.ge @!p0 [sflag:s8], $0x0  }
0x24: {  	s3 =	sadd.s32 $0x88, s3;
	s6 =	simm.s32 @!p1 $0x1082;
	[sflag:s4] =	ssyncset.s32 $0xFFFFF086  }
0x25: {  	[simem:s6], [sflag:s4] =	dma.local [hbm:s3], $0xF7A  }
0x26: {  	[smem:$0x3F96] =	sst s1;
	(tag) =	ssettag s2;
	_ =	strace s9  }
0x27: {  	s1 =	sld [smem:$0x3FA6]  }
0x28: {  	s2 =	sld [smem:$0x3FA7]  }
0x29: {  	s4 =	sld [smem:$0x3FA9]  }
0x2a: {  	p0 =	seq.s32 s5, $0x0;
	s5 =	sld [smem:$0x3FAA]  }
0x2b: {  	s6 =	sld [smem:$0x3FAB]  }
0x2c: {  	s7 =	sld [smem:$0x3FAC]  }
0x2d: {  	s3 =	simm.s32 $0x108;
	s8 =	sld [smem:$0x3FAD]  }
0x2e: {  	s3 =	simm.s32 @!p0 $0x1082;
	s9 =	sld [smem:$0x3FAE]  }
0x2f: {  	lr =	sadd.s32 s0, s3;
	s0 =	sld [smem:$0x3FA5]  }
0x30: {  	s3 =	sld [smem:$0x3FA8]  }
0x31: {  	[smem:$0x3FB1] =	sst s10  }
0x32: {  	s10 =	sld [smem:$0x3FAF];
	_ =	sdelay $0x3  }
0x33: {  	p0 =	seq.s32 s10, $0x1;
	s10 =	sld [smem:$0x3FB1];
	_ =	sdelay $0x3  }
0x34: {  	[smem:$0x3FB1] =	sst s10  }
0x35: {  	s10 =	sld [smem:$0x3FB0];
	_ =	sdelay $0x3  }
0x36: {  	p1 =	seq.s32 s10, $0x1;
	s10 =	sld [smem:$0x3FB1];
	_ =	sdelay $0x3  }
0x37: {  	[smem:$0x3FB1] =	sst s10  }
0x38: {  	s10 =	sld [smem:$0x3FB2]  }
0x39: {  	_ = 	snop;
	(pc) =	sbr.ind lr, $3  }
0x3a: {  	_ = 	snop  }
0x3b: {  	_ = 	snop  }
0x3c: {  	p2 =	seq.s32 s10, $0x1;
	s10 =	sld [smem:$0x3FB1]  }
0x3d: {  	_ =	shalt  }
0x3e: {  	_ =	shalt  }
0x3f: {  	_ =	shalt  }
0x40: {  	_ =	shalt  }
0x41: {  	_ =	shalt  }
0x42: {  	_ =	shalt  }
0x43: {  	_ =	shalt  }
0x44: {  	_ =	shalt  }
0x45: {  	_ =	shalt  }
0x46: {  	_ =	shalt  }
0x47: {  	_ =	shalt  }
0x48: {  	_ =	shalt  }
0x49: {  	_ =	shalt  }
0x4a: {  	_ =	shalt  }
0x4b: {  	_ =	shalt  }
0x4c: {  	_ =	shalt  }
0x4d: {  	_ =	shalt  }
0x4e: {  	_ =	shalt  }
0x4f: {  	_ =	shalt  }
0x50: {  	_ =	shalt  }
0x51: {  	_ =	shalt  }
0x52: {  	_ =	shalt  }
0x53: {  	_ =	shalt  }
0x54: {  	_ =	shalt  }
0x55: {  	_ =	shalt  }
0x56: {  	_ =	shalt  }
0x57: {  	_ =	shalt  }
0x58: {  	_ =	shalt  }
0x59: {  	_ =	shalt  }
0x5a: {  	_ =	shalt  }
0x5b: {  	_ =	shalt  }
0x5c: {  	_ =	shalt  }
0x5d: {  	_ =	shalt  }
0x5e: {  	_ =	shalt  }
0x5f: {  	_ =	shalt  }
0x60: {  	_ =	shalt  }
0x61: {  	_ =	shalt  }
0x62: {  	_ =	shalt  }
0x63: {  	_ =	shalt  }
0x64: {  	_ =	shalt  }
0x65: {  	_ =	shalt  }
0x66: {  	_ =	shalt  }
0x67: {  	_ =	shalt  }
0x68: {  	_ =	shalt  }
0x69: {  	_ =	shalt  }
0x6a: {  	_ =	shalt  }
0x6b: {  	_ =	shalt  }
0x6c: {  	_ =	shalt  }
0x6d: {  	_ =	shalt  }
0x6e: {  	_ =	shalt  }
0x6f: {  	_ =	shalt  }
0x70: {  	_ =	shalt  }
0x71: {  	_ =	shalt  }
0x72: {  	_ =	shalt  }
0x73: {  	_ =	shalt  }
0x74: {  	_ =	shalt  }
0x75: {  	_ =	shalt  }
0x76: {  	_ =	shalt  }
0x77: {  	_ =	shalt  }
0x78: {  	_ =	shalt  }
0x79: {  	_ =	shalt  }
0x7a: {  	_ =	shalt  }
0x7b: {  	_ =	shalt  }
0x7c: {  	_ =	shalt  }
0x7d: {  	_ =	shalt  }
0x7e: {  	_ =	shalt  }
0x7f: {  	_ =	shalt  }
0x80: {  	_ =	shalt  }
0x81: {  	_ =	shalt  }
0x82: {  	_ =	shalt  }
0x83: {  	_ =	shalt  }
0x84: {  	_ =	shalt  }
0x85: {  	_ =	shalt  }
0x86: {  	_ =	shalt  }
0x87: {  	_ =	shalt  }
.Lfunc_end0:
.L_simem_size_0:
called_computation_lowered:
.L_overlay_start_0:
0x88: {  	s2 =	sld [smem:$0x3FD9]  }
0x89: {  	s3 =	sld [smem:$0x3FFE];
	_ =	sdelay $0x1  }
0x8a: {  	s1 =	srdreg.scid  }
0x8b: {  	s0 =	sand.u32 $0x1, s1  }
0x8c: {  	s14 =	sshll.u32 s0, $0xA;
	s2 =	sadd.s32 s3, s2  }
0x8d: {  	s2 =	sadd.s32 s2, s14  }
0x8e: {  	[smem:$0x3FBD] =	sst s2  }
0x8f: {  	_ = 	snop  }
0x90: {  	s2 =	sld [smem:$0x3FD0];
	_ =	sdelay $0x2  }
0x91: {  	s15 =	simm.s32 $0xA;
	s4 =	simm.s32 $0x10  }
0x92: {  	[smem:s4], [sflag:s15] =	dma.local [hbm:s2], $0x1  }
0x93: {  	_ =	swait.eq [sflag:s15], $0x1  }
0x94: {  	[sflag:s15] =	ssyncset.done $0x0  }
0x95: {  	[sflag:s15] =	ssyncadd.s32 $0xFFFFFFFF  }
0x96: {  	s16 =	sld [smem:$0x10];
	(tm) =	ssettm $0x1  }
0x97: {  	s17 =	sld [smem:$0x3FFB];
	_ =	sdelay $0x3  }
0x98: {  	_ =	strace s17  }
0x99: {  	s3 =	sld [smem:$0x3FFC];
	_ =	sdelay $0x3  }
0x9a: {  	_ =	strace s3  }
0x9b: {  	s3 =	sld [smem:$0x3FFD];
	_ =	sdelay $0x3  }
0x9c: {  	_ =	strace s3  }
0x9d: {  	_ =	strace $0x8FFFFFFF  }
0x9e: {  	s18 =	sld [smem:$0x3FDB];
	_ =	sdelay $0x1  }
0x9f: {  	s19 =	simm.s32 $_scs_section_size  }
0xa0: {  	s5 =	simm.s32 $_size__tile_overlayer_lowered;
	s6 =	simm.s32 $_tile_overlayer_lowered  }
0xa1: {  	s22 =	simm.s32 $0x1BFF;
	s21 =	sshll.u32 s6, $0x1;
	s3 =	sadd.s32 s19, s18  }
0xa2: {  	s7 =	simm.s32 $0x0;
	s20 =	sshll.u32 s5, $0x1;
	s5 =	sadd.s32 s21, s3  }
0xa3: {  	[timem:s7], [sflag:s22] =	dma.local [hbm:s5], s20  }
0xa4: {  	_ =	swait.ge [sflag:s22], s20  }
0xa5: {  	s4 =	ssub.s32 $0x0, s20;
	[sflag:s22] =	ssyncset.done $0x0  }
0xa6: {  	[sflag:s22] =	ssyncadd.s32 s4;
	_ =	sdelay $0x1  }
0xa7: {  	s23 =	simm.s32 $0x1B8B  }
0xa8: {  	_ =	swait.ge [sflag:s23], $0x1  }
0xa9: {  	[sflag:s23] =	ssyncset.done $0x0  }
0xaa: {  	s25 =	simm.s32 $0x1B8E;
	s24 =	sld [smem:$0x3FFE];
	[sflag:s23] =	ssyncadd.s32 $0xFFFFFFFF  }
0xab: {  	s26 =	simm.s32 $execute0_lowered;
	[smem:$0x3FD2] =	sst s25  }
0xac: {  	s5 =	sshll.u32 s26, $0x1;
	_ =	strace $0x80000046;
	[dreg:$0x1] =	wrdreg $0xFFFFFFFF  }
0xad: {  	s28 =	simm.s32 $_size_execute0_lowered;
	s3 =	sadd.s32 s3, s5;
	[dreg:$0x0] =	wrdreg $0x0  }
0xae: {  	s5 =	sshll.u32 s28, $0x1;
	[dreg:$0x2] =	wrdreg s3  }
0xaf: {  	[dreg:$0x3] =	wrdreg s5  }
0xb0: {  	[dreg:$0x4] =	wrdreg $0xC0  }
0xb1: {  	_ =	task [dreg:s7], $0x5FFFF  }
0xb2: {  	[dreg:$0x1] =	wrdreg $0xFFFFFFFF  }
0xb3: {  	[dreg:$0x0] =	wrdreg $0x60  }
0xb4: {  	[dreg:$0x2] =	wrdreg s24  }
0xb5: {  	[dreg:$0x3] =	wrdreg s16  }
0xb6: {  	[dreg:$0x4] =	wrdreg $0x81000  }
0xb7: {  	[dreg:$0x5] =	wrdreg $0x9  }
0xb8: {  	_ =	task.clear_ibuf [dreg:s7], $0x6FFFF;
	_ =	strace $0x90000046  }
0xb9: {  	s29 =	simm.s32 $0x9;
	_ =	strace $0x80000048  }
0xba: {  	_ =	swait.ge [sflag:s29], $0x1  }
0xbb: {  	[sflag:s29] =	ssyncadd.s32 $0xFFFFFFFF  }
0xbc: {  	_ =	strace $0x90000048  }
0xbd: {  	_ =	sfence  }
0xbe: {  	s30 =	sld [smem:$0x0];
	_ =	sdelay $0x2  }
0xbf: {  	s31 =	sshll.u32 s1, $0xD;
	s1 =	sshrl.u32 s1, $0x2  }
0xc0: {  	s3 =	sand.u32 $0x4000, s31;
	s1 =	sadd.s32 s1, s30  }
0xc1: {  	s0 =	sor.u32 s3, s0;
	s1 =	sshll.u32 s1, $0x11  }
0xc2: {  	s0 =	sor.u32 s1, s0  }
0xc3: {  	s0 =	sadd.s32 $0x8F2B, s0  }
0xc4: {  	[sflag:s0] =	ssyncadd.remote.s32 $0x1  }
0xc5: {  	_ =	sfence.sel $0xFFFF  }
0xc6: {  	[dreg:$0x0] =	wrdreg $0xFFFFFFFF;
	(pc) =	sbr.abs _section_cstart, $3  }
0xc7: {  	[dreg:$0x1] =	wrdreg $0xFFFFFFFF  }
0xc8: {  	_ =	task.clear_ibuf [dreg:s7], $0x2FFFF;
	_ =	strace $0x9FFFFFFF  }
0xc9: {  	(tm) =	ssettm $0x7FFFFFFF  }
tec
execute0_lowered:
.L_overlay_start_1:
0x0: {  	(tag) =	ssettag $0x1  }
0x1: {  	s6 =	rddreg [dreg:$0x0]  }
0x2: {  	s1 =	rddreg [dreg:$0x1]  }
0x3: {  	s2 =	rddreg [dreg:$0x2];
	s3 =	simm.s32 $0x0  }
0x4: {  	s5 =	srdreg.scid;
	s4 =	stileid.u32;
	s28 =	simm.s32 $0x3  }
0x5: {  	s29 =	simm.s32 $0x0;
	[smem:$0x7FF] =	sst s3;
	s20 =	sadd.s32 $0x3600, s6  }
0x6: {  	s14 =	sand.u32 $0x1, s5;
	s5 =	sadd.s32 $0xD600, s6;
	s8 =	smul.u32 $0x4F000, s4  }
0x7: {  	s17 =	sadd.s32 $0xDE00, s6;
	s9 =	sshll.u32 s4, $0x1;
	s10 =	smul.u32 $0x13C00, s4  }
0x8: {  	s23 =	smul.u32 $0x5000, s4;
	_ =	strace $0x80000047;
	s7 =	ssub.s32 $0x2, s14  }
0x9: {  	s9 =	sor.u32 s14, s9;
	s19 =	smul.u32 $0x13C000, s14;
	s24 =	sshrl.u32 s7, $0x1  }
0xa: {  	s8 =	sshrl.u32 s8, $0x2;
	s11 =	smul.u32 $0x2800, s9;
	s15 =	sadd.s32 $0x4000, s10  }
0xb: {  	s16 =	sadd.s32 $0x8000, s10;
	s21 =	sadd.s32 $0xC000, s10;
	s22 =	sadd.s32 $0x10000, s10  }
0xc: {  	s18 =	ssub.s32 s7, s24;
	s6 =	sadd.s32 s8, s2;
	s7 =	sadd.s32 s15, s2  }
0xd: {  	s8 =	sadd.s32 s16, s2;
	s9 =	sadd.s32 s21, s2;
	s12 =	sadd.s32 s10, s19  }
0xe: {  	s15 =	sadd.s32 s19, s15;
	s16 =	sadd.s32 s19, s16;
	s24 =	smul.u32 $0x2800, s14  }
0xf: {  	s25 =	sadd.s32 s19, s21;
	s19 =	sadd.s32 s19, s22;
	s11 =	sshrl.u32 s11, $0x3  }
0x10: {  	s13 =	sshrl.u32 s12, $0x3;
	s15 =	sshrl.u32 s15, $0x3;
	s16 =	sshrl.u32 s16, $0x3  }
0x11: {  	s19 =	sshrl.u32 s19, $0x3;
	s18 =	smax.u32 s18, $0x1;
	s10 =	sadd.s32 s20, s11  }
0x12: {  	s11 =	sadd.s32 s22, s2;
	s13 =	sadd.s32 s17, s13;
	s14 =	sadd.s32 s17, s15  }
0x13: {  	s15 =	sadd.s32 s17, s16;
	s16 =	sshrl.u32 s25, $0x3;
	s26 =	sadd.s32 s24, s23  }
0x14: {  	s22 =	simm.s32 $0x4;
	s23 =	simm.s32 $0x4100;
	s24 =	simm.s32 $0x80  }
0x15: {  	s25 =	simm.s32 $0x1;
	s12 =	sadd.s32 $0x10, s10;
	s16 =	sadd.s32 s17, s16  }
0x16: {  	s30 =	sor.u32 $0x180, s26;
	s17 =	sadd.s32 s17, s19;
	s21 =	sor.u32 $0x100, s26  }
0x17: {  	s26 =	simm.s32 $0x2;
	s31 =	sshrl.u32 s30, $0x3;
	s21 =	sshrl.u32 s21, $0x3  }
0x18: {  	s19 =	sadd.s32 s31, s20;
	s20 =	sadd.s32 s21, s20;
	s21 =	simm.s32 $0x100  }
.LBB2_1:
0x19: {  	[tilespmem:s21], [sflag:$0x4] =	stream.linear.gather [hbm4b:s1+s3], $0x4000, $0x38;
	[tilespmem:$0xA880] =	vst v63  }
0x1a: {  	_ =	swait.ge [sflag:s22], $0x4000  }
0x1b: {  	[sflag:s22] =	ssyncset.done $0x0  }
0x1c: {  	[sflag:s22] =	ssyncadd.s32 $0xFFFFC000  }
0x1d: {  	[tilespmem:s23], [sflag:$0x4] =	stream.linear.gather [hbm4b:s5+s3], $0x4000, $0x38;
	[tilespmem:$0xA880] =	vst v63  }
0x1e: {  	_ =	swait.ge [sflag:s22], $0x4000  }
0x1f: {  	[sflag:s22] =	ssyncset.done $0x0  }
0x20: {  	[sflag:s22] =	ssyncadd.s32 $0xFFFFC000  }
0x21: {  	[spmem:s6] =	stream.linear.scatter [tilespmem:s23], [sflag:$0x4], $0x4000, $0x38;
	[tilespmem:$0xA880] =	vst v63  }
0x22: {  	_ =	swait.ge [sflag:s22], $0x4000  }
0x23: {  	[sflag:s22] =	ssyncset.done $0x0  }
0x24: {  	[sflag:s22] =	ssyncadd.s32 $0xFFFFC000  }
0x25: {  	[spmem:s7] =	stream.linear.scatter [tilespmem:s23], [sflag:$0x4], $0x4000, $0x38;
	[tilespmem:$0xA880] =	vst v63  }
0x26: {  	_ =	swait.ge [sflag:s22], $0x4000  }
0x27: {  	[sflag:s22] =	ssyncset.done $0x0  }
0x28: {  	[sflag:s22] =	ssyncadd.s32 $0xFFFFC000  }
0x29: {  	[spmem:s8] =	stream.linear.scatter [tilespmem:s23], [sflag:$0x4], $0x4000, $0x38;
	[tilespmem:$0xA880] =	vst v63  }
0x2a: {  	_ =	swait.ge [sflag:s22], $0x4000  }
0x2b: {  	[sflag:s22] =	ssyncset.done $0x0  }
0x2c: {  	[sflag:s22] =	ssyncadd.s32 $0xFFFFC000  }
0x2d: {  	[spmem:s9] =	stream.linear.scatter [tilespmem:s23], [sflag:$0x4], $0x4000, $0x38;
	[tilespmem:$0xA880] =	vst v63  }
0x2e: {  	_ =	swait.ge [sflag:s22], $0x4000  }
0x2f: {  	[sflag:s22] =	ssyncset.done $0x0  }
0x30: {  	[sflag:s22] =	ssyncadd.s32 $0xFFFFC000  }
0x31: {  	[spmem:s11] =	stream.linear.scatter [tilespmem:s23], [sflag:$0x4], $0x3C00, $0x38;
	[tilespmem:$0xA880] =	vst v63  }
0x32: {  	_ =	swait.ge [sflag:s22], $0x3C00  }
0x33: {  	[sflag:s22] =	ssyncset.done $0x0  }
0x34: {  	[sflag:s22] =	ssyncadd.s32 $0xFFFFC400  }
0x35: {  	[bflag:$0x0] =	sbarrier.arrive $0xFFFF  }
0x36: {  	[tilespmem:s3], [sflag:$0x4] =	stream.linear.gather [hbm4b:s10+s3], $0x80, $0x38;
	[tilespmem:$0xA880] =	vst v63  }
0x37: {  	_ =	swait.ge [sflag:s22], $0x80  }
0x38: {  	[sflag:s22] =	ssyncset.done $0x0  }
0x39: {  	[sflag:s22] =	ssyncadd.s32 $0xFFFFFF80  }
0x3a: {  	[spmem:s2] =	stream.indirect.scatter.add.f32 [tilespmem:s21], [sflag:$0x2], $0x10, s3, s24, $0xb8;
	[tilespmem:$0xA880] =	vst v63  }
0x3b: {  	_ = 	snop  }
0x3c: {  	[tilespmem:s24], [sflag:$0x1] =	stream.linear.gather [hbm4b:s12+s3], $0x80, $0x38;
	[tilespmem:$0xA880] =	vst v63  }
0x3d: {  	_ =	swait.ge [sflag:s25], $0x80  }
0x3e: {  	[sflag:s25] =	ssyncset.done $0x0  }
0x3f: {  	[sflag:s25] =	ssyncadd.s32 $0xFFFFFF80  }
0x40: {  	[spmem:s2] =	stream.indirect.scatter.add.f32 [tilespmem:s21], [sflag:$0x3], $0x10, s24, s24, $0xb8;
	[tilespmem:$0xA880] =	vst v63  }
0x41: {  	_ =	swait.ge [sflag:s26], $0x800  }
0x42: {  	[sflag:s26] =	ssyncset.done $0x0  }
0x43: {  	s30 =	sadd.s32 $0x0, s20;
	[sflag:s26] =	ssyncadd.s32 $0xFFFFF800  }
0x44: {  	[tilespmem:s3], [sflag:$0x4] =	stream.linear.gather [hbm4b:s30+s3], $0x80, $0x38;
	[tilespmem:$0xA880] =	vst v63  }
0x45: {  	_ =	swait.ge [sflag:s22], $0x80  }
0x46: {  	[sflag:s22] =	ssyncset.done $0x0  }
0x47: {  	[sflag:s22] =	ssyncadd.s32 $0xFFFFFF80  }
0x48: {  	[spmem:s2] =	stream.indirect.scatter.add.f32 [tilespmem:s21], [sflag:$0x2], $0x10, s3, s24, $0xb8;
	[tilespmem:$0xA880] =	vst v63  }
0x49: {  	_ =	swait.ge [sflag:s28], $0x800  }
0x4a: {  	[sflag:s28] =	ssyncset.done $0x0  }
0x4b: {  	s31 =	sadd.s32 $0x0, s19;
	s30 =	simm.s32 $0x20;
	[sflag:s28] =	ssyncadd.s32 $0xFFFFF800  }
.LBB2_2:
0x4c: {  	[tilespmem:s24], [sflag:$0x1] =	stream.linear.gather [hbm4b:s31+s3], $0x80, $0x38;
	[tilespmem:$0xA880] =	vst v63  }
0x4d: {  	s31 =	smov.u32 s30  }
0x4e: {  	p0 =	sne.s32 s30, $0x4C0;
	s30 =	sadd.s32 $0x20, s30;
	_ =	swait.ge [sflag:s25], $0x80  }
0x4f: {  	[sflag:s25] =	ssyncset.done $0x0  }
0x50: {  	[sflag:s25] =	ssyncadd.s32 $0xFFFFFF80  }
0x51: {  	[spmem:s2] =	stream.indirect.scatter.add.f32 [tilespmem:s21], [sflag:$0x3], $0x10, s24, s24, $0xb8;
	[tilespmem:$0xA880] =	vst v63  }
0x52: {  	_ =	swait.ge [sflag:s26], $0x800  }
0x53: {  	[sflag:s26] =	ssyncset.done $0x0  }
0x54: {  	s0 =	sadd.s32 s31, s20;
	[sflag:s26] =	ssyncadd.s32 $0xFFFFF800  }
0x55: {  	[tilespmem:s3], [sflag:$0x4] =	stream.linear.gather [hbm4b:s0+s3], $0x80, $0x38;
	[tilespmem:$0xA880] =	vst v63  }
0x56: {  	_ =	swait.ge [sflag:s22], $0x80  }
0x57: {  	[sflag:s22] =	ssyncset.done $0x0  }
.Ltmp0:
0x58: {  	[sflag:s22] =	ssyncadd.s32 $0xFFFFFF80;
	(pc) =	sbr.rel @p0 .LBB2_2-.Ltmp0, $4  }
0x59: {  	[spmem:s2] =	stream.indirect.scatter.add.f32 [tilespmem:s21], [sflag:$0x2], $0x10, s3, s24, $0xb8;
	[tilespmem:$0xA880] =	vst v63  }
0x5a: {  	_ =	swait.ge [sflag:s28], $0x800  }
0x5b: {  	[sflag:s28] =	ssyncset.done $0x0  }
0x5c: {  	s31 =	sadd.s32 s31, s19;
	[sflag:s28] =	ssyncadd.s32 $0xFFFFF800  }
0x5d: {  	[tilespmem:s24], [sflag:$0x1] =	stream.linear.gather [hbm4b:s31+s3], $0x80, $0x38;
	[tilespmem:$0xA880] =	vst v63  }
0x5e: {  	_ =	swait.ge [sflag:s25], $0x80  }
0x5f: {  	[sflag:s25] =	ssyncset.done $0x0  }
0x60: {  	[sflag:s25] =	ssyncadd.s32 $0xFFFFFF80  }
0x61: {  	[spmem:s2] =	stream.indirect.scatter.add.f32 [tilespmem:s21], [sflag:$0x3], $0x10, s24, s24, $0xb8;
	[tilespmem:$0xA880] =	vst v63  }
0x62: {  	_ =	swait.ge [sflag:s26], $0x800  }
0x63: {  	[sflag:s26] =	ssyncset.done $0x0  }
0x64: {  	[sflag:s26] =	ssyncadd.s32 $0xFFFFF800  }
0x65: {  	_ =	swait.ge [sflag:s28], $0x800  }
0x66: {  	[sflag:s28] =	ssyncset.done $0x0  }
0x67: {  	[sflag:s28] =	ssyncadd.s32 $0xFFFFF800  }
0x68: {  	[bflag:$0x0] =	sbarrier.arrive $0xFFFF  }
0x69: {  	[tilespmem:s23], [sflag:$0x4] =	stream.linear.gather [spmem:s6], $0x4000, $0x38;
	[tilespmem:$0xA880] =	vst v63  }
0x6a: {  	_ =	swait.ge [sflag:s22], $0x4000  }
0x6b: {  	[sflag:s22] =	ssyncset.done $0x0  }
0x6c: {  	[sflag:s22] =	ssyncadd.s32 $0xFFFFC000  }
0x6d: {  	[hbm4b:s13+s3] =	stream.linear.scatter [tilespmem:s23], [sflag:$0x4], $0x4000, $0x38;
	[tilespmem:$0xA880] =	vst v63  }
0x6e: {  	_ =	swait.ge [sflag:s22], $0x4000  }
0x6f: {  	[sflag:s22] =	ssyncset.done $0x0  }
0x70: {  	[sflag:s22] =	ssyncadd.s32 $0xFFFFC000  }
0x71: {  	[tilespmem:s23], [sflag:$0x4] =	stream.linear.gather [spmem:s7], $0x4000, $0x38;
	[tilespmem:$0xA880] =	vst v63  }
0x72: {  	_ =	swait.ge [sflag:s22], $0x4000  }
0x73: {  	[sflag:s22] =	ssyncset.done $0x0  }
0x74: {  	[sflag:s22] =	ssyncadd.s32 $0xFFFFC000  }
0x75: {  	[hbm4b:s14+s3] =	stream.linear.scatter [tilespmem:s23], [sflag:$0x4], $0x4000, $0x38;
	[tilespmem:$0xA880] =	vst v63  }
0x76: {  	_ =	swait.ge [sflag:s22], $0x4000  }
0x77: {  	[sflag:s22] =	ssyncset.done $0x0  }
0x78: {  	[sflag:s22] =	ssyncadd.s32 $0xFFFFC000  }
0x79: {  	[tilespmem:s23], [sflag:$0x4] =	stream.linear.gather [spmem:s8], $0x4000, $0x38;
	[tilespmem:$0xA880] =	vst v63  }
0x7a: {  	_ =	swait.ge [sflag:s22], $0x4000  }
0x7b: {  	[sflag:s22] =	ssyncset.done $0x0  }
0x7c: {  	[sflag:s22] =	ssyncadd.s32 $0xFFFFC000  }
0x7d: {  	[hbm4b:s15+s3] =	stream.linear.scatter [tilespmem:s23], [sflag:$0x4], $0x4000, $0x38;
	[tilespmem:$0xA880] =	vst v63  }
0x7e: {  	_ =	swait.ge [sflag:s22], $0x4000  }
0x7f: {  	[sflag:s22] =	ssyncset.done $0x0  }
0x80: {  	[sflag:s22] =	ssyncadd.s32 $0xFFFFC000  }
0x81: {  	[tilespmem:s23], [sflag:$0x4] =	stream.linear.gather [spmem:s9], $0x4000, $0x38;
	[tilespmem:$0xA880] =	vst v63  }
0x82: {  	_ =	swait.ge [sflag:s22], $0x4000  }
0x83: {  	[sflag:s22] =	ssyncset.done $0x0  }
0x84: {  	[sflag:s22] =	ssyncadd.s32 $0xFFFFC000  }
0x85: {  	[hbm4b:s16+s3] =	stream.linear.scatter [tilespmem:s23], [sflag:$0x4], $0x4000, $0x38;
	[tilespmem:$0xA880] =	vst v63  }
0x86: {  	_ =	swait.ge [sflag:s22], $0x4000  }
0x87: {  	[sflag:s22] =	ssyncset.done $0x0  }
0x88: {  	[sflag:s22] =	ssyncadd.s32 $0xFFFFC000  }
0x89: {  	[tilespmem:s23], [sflag:$0x4] =	stream.linear.gather [spmem:s11], $0x3C00, $0x38;
	[tilespmem:$0xA880] =	vst v63  }
0x8a: {  	s29 =	sadd.s32 $0x1, s29;
	_ =	swait.ge [sflag:s22], $0x3C00  }
0x8b: {  	p0 =	sne.s32 s29, s18;
	[sflag:s22] =	ssyncset.done $0x0  }
.Ltmp1:
0x8c: {  	[sflag:s22] =	ssyncadd.s32 $0xFFFFC400;
	(pc) =	sbr.rel @p0 .LBB2_1-.Ltmp1, $4  }
0x8d: {  	[hbm4b:s17+s3] =	stream.linear.scatter [tilespmem:s23], [sflag:$0x4], $0x3C00, $0x38;
	[tilespmem:$0xA880] =	vst v63  }
0x8e: {  	_ =	swait.ge [sflag:s22], $0x3C00  }
0x8f: {  	[sflag:s22] =	ssyncset.done $0x0  }
0x90: {  	[sflag:s22] =	ssyncadd.s32 $0xFFFFC400  }
0x91: {  	_ =	sfence.sel $0x180000  }
0x92: {  	[bflag:$0x0] =	sbarrier.arrive $0xFFFF  }
0x93: {  	_ =	strace $0x90000047  }
0x94: {  	[bflag:$0x2] =	sbarrier.arrive $0xFFFF  }
0x95: {  	p0 =	sne.s32 s4, $0x0;
	s0 =	rddreg [dreg:$0x3]  }
0x96: {  	s0 =	sadd.s32 @!p0 $0x100000, s0  }
0x97: {  	[sflag:s0] =	ssyncadd.tile.s32 @!p0 $0x1;
	_ =	shalt  }
.Lfunc_end2:
_tile_overlayer_lowered:
.L_overlay_start_2:
0x98: {  	(tag) =	ssettag $0x2  }
0x99: {  	s0 =	rddreg [dreg:$0x0];
	s2 =	stileid.u32  }
0x9a: {  	s1 =	rddreg [dreg:$0x1];
	p0 =	sne.s32 s2, $0x0  }
0x9b: {  	s3 =	rddreg [dreg:$0x2];
	[bflag:$0x3] =	sbarrier.arrive $0xFFFF;
	s2 =	simm.s32 @!p0 $0x1C04  }
0x9c: {  	[timem:s3], [sflag:s2] =	dma.local @!p0 [hbm:s0], s1  }
0x9d: {  	s0 =	simm.s32 @!p0 $0x4  }
0x9e: {  	_ =	swait.ge @!p0 [sflag:s0], s1  }
0x9f: {  	s1 =	ssub.s32 @!p0 $0x0, s1;
	[sflag:s0] =	ssyncset.done @!p0 $0x0  }
0xa0: {  	[sflag:s0] =	ssyncadd.s32 @!p0 s1  }
0xa1: {  	[bflag:$0x3] =	sbarrier.arrive $0xFFFF  }
0xa2: {  	_ =	shalt  }

</sc_bundles>
